<compile_context>
chip_gen: v7x
topology: tpu7x:2x2x1
jax: 0.10.2.dev20260603
libtpu: 0.0.44.dev20260713+nightly
codegen_flags: <defaults>
</compile_context>

<pallas_src>
import functools

import jax
import jax.numpy as jnp
from jax import lax
from jax.experimental import pallas as pl
from jax.experimental.pallas import tpu as pltpu
from jax.experimental.pallas import tpu_sc as plsc

_N = 10000
_D = 128
_DA = 160
_B = 1024
_NC = 2
_NS = 16
_CH = 128
_NROWS = 10112
_SLAB = _NROWS // _NS
_G = 2 * _B
_NBUF = 2
_SG = 8
_DT = jnp.bfloat16


def _agg_kernel_body(full, cpt, x_hbm, src_hbm, dst_hbm, zeros_hbm,
                     gidx_hbm, out_hbm, src_i, dst_i, *bufs):
    rows = bufs[:_NBUF]
    x_sp = bufs[_NBUF]
    acc = bufs[_NBUF + 1]
    sems = bufs[_NBUF + 2:]
    c = lax.axis_index("c")
    s = lax.axis_index("s")
    chunks_pg = cpt * _NS

    z0 = pl.multiple_of(s * _SLAB, 8)
    o0 = pl.multiple_of(c * _NROWS + s * _SLAB, 8)
    pltpu.sync_copy(x_hbm.at[pl.ds(o0, _SLAB)], x_sp.at[pl.ds(z0, _SLAB)])
    pltpu.sync_copy(zeros_hbm.at[pl.ds(z0, _SLAB)], acc.at[pl.ds(z0, _SLAB)])
    plsc.subcore_barrier()

    sgroups = cpt // _SG

    def body(t, carry):
        r0 = pl.multiple_of(c * chunks_pg + s * cpt + t * _SG, _SG)
        pltpu.sync_copy(src_hbm.at[pl.ds(r0, _SG)], src_i)
        pltpu.sync_copy(dst_hbm.at[pl.ds(r0, _SG)], dst_i)
        for gg in range(_SG // _NBUF):
            k0 = gg * _NBUF
            descs = [pltpu.async_copy(x_sp.at[src_i.at[k0 + b]],
                                      rows[b], sems[b])
                     for b in range(_NBUF)]
            for b in range(_NBUF):
                descs[b].wait()
                pltpu.sync_copy(rows[b], acc.at[dst_i.at[k0 + b]], add=True)
        return carry

    lax.fori_loop(0, sgroups, body, 0)
    plsc.subcore_barrier()

    if full:
        for j in range(5):
            cnt = _CH if j < 4 else _SLAB - 4 * _CH
            r0 = pl.multiple_of(s * _SLAB + j * _CH, 8)
            q0 = pl.multiple_of(c * _NROWS + s * _SLAB + j * _CH, 8)
            rb = rows[j % _NBUF]
            pltpu.sync_copy(acc.at[pl.ds(r0, cnt)], rb.at[pl.ds(0, cnt)])
            pltpu.sync_copy(rb.at[pl.ds(0, cnt)], out_hbm.at[pl.ds(q0, cnt)])
    else:
        g0 = pl.multiple_of(c * _G + s * _CH, 8)
        pltpu.sync_copy(gidx_hbm.at[pl.ds(g0, _CH)], src_i.at[0])
        pltpu.async_copy(acc.at[src_i.at[0]], rows[0], sems[0]).wait()
        pltpu.sync_copy(rows[0], out_hbm.at[pl.ds(g0, _CH)])


@functools.lru_cache(maxsize=None)
def _make_agg(cpt, full):
    mesh = plsc.VectorSubcoreMesh(core_axis_name="c", subcore_axis_name="s")
    out_rows = _NC * _NROWS if full else _NC * _G
    body = functools.partial(_agg_kernel_body, full, cpt)
    if full:
        def wrapped(x, src, dst, zeros, out, *scratch):
            body(x, src, dst, zeros, None, out, *scratch)
    else:
        wrapped = body
    return pl.kernel(
        wrapped,
        out_type=jax.ShapeDtypeStruct((out_rows, _DA), _DT),
        mesh=mesh,
        compiler_params=pltpu.CompilerParams(use_tc_tiling_on_sc=False),
        scratch_types=(
            [pltpu.VMEM((_SG, _CH), jnp.int32),
             pltpu.VMEM((_SG, _CH), jnp.int32)]
            + [pltpu.VMEM((_CH, _DA), _DT)] * _NBUF
            + [pltpu.VMEM_SHARED((_NROWS, _DA), _DT)] * 2
            + [pltpu.SemaphoreType.DMA] * _NBUF
        ),
    )


_H1_BLK = 1264


def _h1_body(a_ref, w_ref, o_ref):
    x = a_ref[...].astype(jnp.float32)
    deg = jnp.maximum(x[:, _D:_D + 1], 1.0)
    h = jnp.dot(x[:, :_D] / deg, w_ref[...], preferred_element_type=jnp.float32)
    h = jnp.maximum(h, 0.0)
    col = lax.broadcasted_iota(jnp.int32, (_H1_BLK, _DA - _D), 1)
    aug = jnp.where(col == 0, 1.0, 0.0)
    o_ref[...] = jnp.concatenate([h, aug], axis=1).astype(_DT)


def _h1_call(a, w):
    grid = (_NC * _NROWS) // _H1_BLK
    return pl.pallas_call(
        _h1_body,
        grid=(grid,),
        in_specs=[
            pl.BlockSpec((_H1_BLK, _DA), lambda i: (i, 0)),
            pl.BlockSpec((_D, _D), lambda i: (0, 0)),
        ],
        out_specs=pl.BlockSpec((_H1_BLK, _DA), lambda i: (i, 0)),
        out_shape=jax.ShapeDtypeStruct((_NC * _NROWS, _DA), _DT),
    )(a, w)


def _loss_body(p_ref, w_ref, o_ref):
    r = p_ref[...].astype(jnp.float32)
    deg = jnp.maximum(r[:, _D:_D + 1], 1.0)
    e = jnp.dot(r[:, :_D] / deg, w_ref[...], preferred_element_type=jnp.float32)
    pos1, neg1 = e[:_B], e[_B:_G]
    pos2, neg2 = e[_G:_G + _B], e[_G + _B:]
    pd = jnp.sum(jnp.abs(pos1 - pos2), axis=1, keepdims=True)
    na = jnp.sum(jnp.abs(pos1 - neg2), axis=1, keepdims=True)
    nb = jnp.sum(jnp.abs(neg1 - pos2), axis=1, keepdims=True)
    la = jnp.maximum(pd - na + 3.0, 0.0)
    lb = jnp.maximum(pd - nb + 3.0, 0.0)
    o_ref[0, 0] = (jnp.sum(la) + jnp.sum(lb)) / _B


def _loss_call(p, w):
    return pl.pallas_call(
        _loss_body,
        out_specs=pl.BlockSpec(memory_space=pltpu.SMEM),
        out_shape=jax.ShapeDtypeStruct((1, 1), jnp.float32),
    )(p, w)


def kernel(link, neg1, neg2, edge_index1, edge_index2, emb_table1, emb_table2,
           W1, W2):
    i32 = jnp.int32
    seed1 = link[:, 0].astype(i32)
    seed2 = link[:, 1].astype(i32)
    E = edge_index1.shape[1]
    cpt = -(-E // (_NS * _CH))
    cpt = -(-cpt // _SG) * _SG
    e_pad = _NS * _CH * cpt - E

    def prep_edges(ei):
        src = jnp.concatenate([ei[0].astype(i32), jnp.zeros((e_pad,), i32)])
        dst = jnp.concatenate([ei[1].astype(i32), jnp.full((e_pad,), _N, i32)])
        return src.reshape(-1, _CH), dst.reshape(-1, _CH)

    src1, dst1 = prep_edges(edge_index1)
    src2, dst2 = prep_edges(edge_index2)
    src = jnp.concatenate([src1, src2])
    dst = jnp.concatenate([dst1, dst2])
    zeros = jnp.zeros((_NROWS, _DA), _DT)

    def aug_table(t):
        return (jnp.zeros((_NROWS, _DA), jnp.float32)
                .at[:_N, :_D].set(t.astype(jnp.float32))
                .at[:_N, _D].set(1.0)).astype(_DT)

    x = jnp.concatenate([aug_table(emb_table1), aug_table(emb_table2)])
    gidx = jnp.concatenate([seed1, neg1.astype(i32),
                            seed2, neg2.astype(i32)])

    agg_full = _make_agg(cpt, True)
    agg_gather = _make_agg(cpt, False)

    a = agg_full(x, src, dst, zeros)
    h = _h1_call(a, W1)
    p = agg_gather(h, src, dst, zeros, gidx)
    return _loss_call(p, W2)[0, 0]

# --- scband reference (transcript-rebuilt; emitter-appended) ---
"""Pipeline reference for scband-large-gcnframework-37606733644142 (READ-ONLY COPY).

The authoritative reference and input builder live on the scoring server;
editing this copy changes nothing except your own understanding.
"""

import jax, jax.numpy as jnp
import numpy as np

N = 10000
D = 128
E = 320000
B = 1024
MARGIN = 3.0

def setup_inputs(seed: int = 0) -> dict:
    key = jax.random.key(seed)
    k = jax.random.split(key, 9)
    link = jax.random.randint(k[0], (B, 2), 0, N)
    neg1 = jax.random.randint(k[1], (B,), 0, N)
    neg2 = jax.random.randint(k[2], (B,), 0, N)
    edge_index1 = jax.random.randint(k[3], (2, E), 0, N)
    edge_index2 = jax.random.randint(k[4], (2, E), 0, N)
    emb_table1 = jax.random.normal(k[5], (N, D), dtype=jnp.float32) * 0.1
    emb_table2 = jax.random.normal(k[6], (N, D), dtype=jnp.float32) * 0.1
    W1 = jax.random.normal(k[7], (D, D), dtype=jnp.float32) * (1.0 / np.sqrt(D))
    W2 = jax.random.normal(k[8], (D, D), dtype=jnp.float32) * (1.0 / np.sqrt(D))
    return {"link": link, "neg1": neg1, "neg2": neg2,
            "edge_index1": edge_index1, "edge_index2": edge_index2,
            "emb_table1": emb_table1, "emb_table2": emb_table2,
            "W1": W1, "W2": W2}

def _gcn_layer(x, src, dst, W, activate=True):
    # mean-aggregation GCN layer: gather messages from src, scatter-add to dst, normalize by in-degree
    msg = jnp.take(x, src, axis=0)                                  # gather  [E, D]
    agg = jax.ops.segment_sum(msg, dst, num_segments=N)             # scatter-add [N, D]
    deg = jax.ops.segment_sum(jnp.ones((src.shape[0],), jnp.float32), dst, num_segments=N)
    h = agg / jnp.maximum(deg, 1.0)[:, None]
    h = h @ W
    return jax.nn.relu(h) if activate else h

def _encode(table, edge_index, W1, W2):
    src, dst = edge_index[0], edge_index[1]
    h = _gcn_layer(table, src, dst, W1, activate=True)   # 2-layer GCN matching 2-level fanout
    h = _gcn_layer(h, src, dst, W2, activate=False)
    return h

def reference(link, neg1, neg2, edge_index1, edge_index2, emb_table1, emb_table2, W1, W2):
    seed1 = link[:, 0]
    seed2 = link[:, 1]
    h1 = _encode(emb_table1, edge_index1, W1, W2)
    h2 = _encode(emb_table2, edge_index2, W1, W2)
    pos1 = jnp.take(h1, seed1, axis=0)    # [B, D]
    pos2 = jnp.take(h2, seed2, axis=0)    # [B, D]
    negE1 = jnp.take(h1, neg1, axis=0)    # [B, D]
    negE2 = jnp.take(h2, neg2, axis=0)    # [B, D]
    pos_dist = jnp.sum(jnp.abs(pos1 - pos2), axis=1)
    neg_dist_a = jnp.sum(jnp.abs(pos1 - negE2), axis=1)
    neg_dist_b = jnp.sum(jnp.abs(negE1 - pos2), axis=1)
    loss = (jnp.mean(jax.nn.relu(pos_dist - neg_dist_a + MARGIN))
            + jnp.mean(jax.nn.relu(pos_dist - neg_dist_b + MARGIN)))
    return loss

if __name__ == "__main__":
    import jax
    _d = setup_inputs()
    print(jax.jit(kernel)(*tuple(_d.values())))

</pallas_src>

<mosaic_0001>
#map = affine_map<(d0, d1) -> (0, 0)>
module attributes {stable_mosaic.version = 14 : i64} {
  func.func @wrapped(%arg0: i32, %arg1: i32, %arg2: memref<20224x160xbf16, #tpu.memory_space<hbm>>, %arg3: memref<5120x128xi32, #tpu.memory_space<hbm>>, %arg4: memref<5120x128xi32, #tpu.memory_space<hbm>>, %arg5: memref<10112x160xbf16, #tpu.memory_space<hbm>>, %arg6: memref<20224x160xbf16, #tpu.memory_space<hbm>>, %arg7: memref<8x128xi32, #tpu.memory_space<vmem>>, %arg8: memref<8x128xi32, #tpu.memory_space<vmem>>, %arg9: memref<128x160xbf16, #tpu.memory_space<vmem>>, %arg10: memref<128x160xbf16, #tpu.memory_space<vmem>>, %arg11: memref<10112x160xbf16, #tpu.memory_space<vmem_shared>>, %arg12: memref<10112x160xbf16, #tpu.memory_space<vmem_shared>>, %arg13: memref<!tpu.dma_semaphore, #tpu.memory_space<semaphore_mem>>, %arg14: memref<!tpu.dma_semaphore, #tpu.memory_space<semaphore_mem>>) attributes {dimension_semantics = [#tpu.dimension_semantics<core_parallel>, #tpu.dimension_semantics<subcore_parallel>], iteration_bounds = array<i64: 2, 16>, scalar_prefetch = 0 : i64, scratch_operands = 8 : i64, tpu.core_type = #tpu.core_type<sc_vector_subcore>, window_params = [{transform_indices = #map}, {transform_indices = #map}, {transform_indices = #map}, {transform_indices = #map}, {transform_indices = #map}]} {
    %mul3A = arith.constant 632 : i32
    %mul3A_0 = arith.muli %arg1, %mul3A : i32
    %multiple_of3A = tpu.assume_multiple %mul3A_0, 8 : i32
    %mul3A_1 = arith.constant 10112 : i32
    %mul3A_2 = arith.muli %arg0, %mul3A_1 : i32
    %mul3A_3 = arith.constant 632 : i32
    %mul3A_4 = arith.muli %arg1, %mul3A_3 : i32
    %add3A = arith.addi %mul3A_2, %mul3A_4 : i32
    %multiple_of3A_5 = tpu.assume_multiple %add3A, 8 : i32
    "tpu.region"() ({
      %run_scoped3A = tpu.sem_alloc : memref<!tpu.dma_semaphore, #tpu.memory_space<semaphore_mem>>
      %dma_start3A = arith.constant 0 : i32
      %dma_start3A_77 = tpu.memref_slice %arg11[%multiple_of3A, %dma_start3A] : memref<10112x160xbf16, #tpu.memory_space<vmem_shared>> -> memref<632x160xbf16, #tpu.memory_space<vmem_shared>>
      %dma_start3A_78 = arith.constant 0 : i32
      %dma_start3A_79 = tpu.memref_slice %arg2[%multiple_of3A_5, %dma_start3A_78] : memref<20224x160xbf16, #tpu.memory_space<hbm>> -> memref<632x160xbf16, #tpu.memory_space<hbm>>
      tpu.enqueue_dma source(%dma_start3A_79 : memref<632x160xbf16, #tpu.memory_space<hbm>>) target(%dma_start3A_77 : memref<632x160xbf16, #tpu.memory_space<vmem_shared>>) target_semaphore(%run_scoped3A : memref<!tpu.dma_semaphore, #tpu.memory_space<semaphore_mem>>)
      %dma_wait3A = arith.constant 0 : i32
      %dma_wait3A_80 = tpu.memref_slice %arg11[%multiple_of3A, %dma_wait3A] : memref<10112x160xbf16, #tpu.memory_space<vmem_shared>> -> memref<632x160xbf16, #tpu.memory_space<vmem_shared>>
      %dma_wait3A_81 = arith.constant 0 : i32
      %dma_wait3A_82 = tpu.memref_slice %arg2[%multiple_of3A_5, %dma_wait3A_81] : memref<20224x160xbf16, #tpu.memory_space<hbm>> -> memref<632x160xbf16, #tpu.memory_space<hbm>>
      tpu.wait_dma2 semaphore(%run_scoped3A : memref<!tpu.dma_semaphore, #tpu.memory_space<semaphore_mem>>) src(%dma_wait3A_82 : memref<632x160xbf16, #tpu.memory_space<hbm>>) dst(%dma_wait3A_80 : memref<632x160xbf16, #tpu.memory_space<vmem_shared>>)
      tpu.yield
    }) : () -> ()
    "tpu.region"() ({
      %run_scoped3A = tpu.sem_alloc : memref<!tpu.dma_semaphore, #tpu.memory_space<semaphore_mem>>
      %dma_start3A = arith.constant 0 : i32
      %dma_start3A_77 = tpu.memref_slice %arg12[%multiple_of3A, %dma_start3A] : memref<10112x160xbf16, #tpu.memory_space<vmem_shared>> -> memref<632x160xbf16, #tpu.memory_space<vmem_shared>>
      %dma_start3A_78 = arith.constant 0 : i32
      %dma_start3A_79 = tpu.memref_slice %arg5[%multiple_of3A, %dma_start3A_78] : memref<10112x160xbf16, #tpu.memory_space<hbm>> -> memref<632x160xbf16, #tpu.memory_space<hbm>>
      tpu.enqueue_dma source(%dma_start3A_79 : memref<632x160xbf16, #tpu.memory_space<hbm>>) target(%dma_start3A_77 : memref<632x160xbf16, #tpu.memory_space<vmem_shared>>) target_semaphore(%run_scoped3A : memref<!tpu.dma_semaphore, #tpu.memory_space<semaphore_mem>>)
      %dma_wait3A = arith.constant 0 : i32
      %dma_wait3A_80 = tpu.memref_slice %arg12[%multiple_of3A, %dma_wait3A] : memref<10112x160xbf16, #tpu.memory_space<vmem_shared>> -> memref<632x160xbf16, #tpu.memory_space<vmem_shared>>
      %dma_wait3A_81 = arith.constant 0 : i32
      %dma_wait3A_82 = tpu.memref_slice %arg5[%multiple_of3A, %dma_wait3A_81] : memref<10112x160xbf16, #tpu.memory_space<hbm>> -> memref<632x160xbf16, #tpu.memory_space<hbm>>
      tpu.wait_dma2 semaphore(%run_scoped3A : memref<!tpu.dma_semaphore, #tpu.memory_space<semaphore_mem>>) src(%dma_wait3A_82 : memref<632x160xbf16, #tpu.memory_space<hbm>>) dst(%dma_wait3A_80 : memref<632x160xbf16, #tpu.memory_space<vmem_shared>>)
      tpu.yield
    }) : () -> ()
    %barrier3A = arith.constant 0 : index
    tpu.barrier barrier_id(%barrier3A)
    %scan3A = arith.constant 0 : i32
    %scan3A_6 = arith.constant 0 : i32
    %scan3A_7 = arith.constant 20 : i32
    %scan3A_8 = arith.addi %scan3A_6, %scan3A_7 : i32
    %scan3A_9 = arith.constant 1 : i32
    scf.for %scan3A_77 = %scan3A_6 to %scan3A_8 step %scan3A_9  : i32 {
      %mul3A_78 = arith.constant 2560 : i32
      %mul3A_79 = arith.muli %arg0, %mul3A_78 : i32
      %mul3A_80 = arith.constant 160 : i32
      %mul3A_81 = arith.muli %arg1, %mul3A_80 : i32
      %add3A_82 = arith.addi %mul3A_79, %mul3A_81 : i32
      %mul3A_83 = arith.constant 8 : i32
      %mul3A_84 = arith.muli %scan3A_77, %mul3A_83 : i32
      %add3A_85 = arith.addi %add3A_82, %mul3A_84 : i32
      %multiple_of3A_86 = tpu.assume_multiple %add3A_85, 8 : i32
      "tpu.region"() ({
        %run_scoped3A_204 = tpu.sem_alloc : memref<!tpu.dma_semaphore, #tpu.memory_space<semaphore_mem>>
        %dma_start3A_205 = arith.constant 0 : i32
        %dma_start3A_206 = tpu.memref_slice %arg3[%multiple_of3A_86, %dma_start3A_205] : memref<5120x128xi32, #tpu.memory_space<hbm>> -> memref<8x128xi32, #tpu.memory_space<hbm>>
        %dma_start3A_207 = arith.constant 0 : i32
        %dma_start3A_208 = tpu.memref_slice %arg3[%multiple_of3A_86, %dma_start3A_207] : memref<5120x128xi32, #tpu.memory_space<hbm>> -> memref<8x128xi32, #tpu.memory_space<hbm>>
        tpu.enqueue_dma source(%dma_start3A_208 : memref<8x128xi32, #tpu.memory_space<hbm>>) target(%arg7 : memref<8x128xi32, #tpu.memory_space<vmem>>) target_semaphore(%run_scoped3A_204 : memref<!tpu.dma_semaphore, #tpu.memory_space<semaphore_mem>>)
        %dma_wait3A_209 = arith.constant 0 : i32
        %dma_wait3A_210 = tpu.memref_slice %arg3[%multiple_of3A_86, %dma_wait3A_209] : memref<5120x128xi32, #tpu.memory_space<hbm>> -> memref<8x128xi32, #tpu.memory_space<hbm>>
        %dma_wait3A_211 = arith.constant 0 : i32
        %dma_wait3A_212 = tpu.memref_slice %arg3[%multiple_of3A_86, %dma_wait3A_211] : memref<5120x128xi32, #tpu.memory_space<hbm>> -> memref<8x128xi32, #tpu.memory_space<hbm>>
        tpu.wait_dma2 semaphore(%run_scoped3A_204 : memref<!tpu.dma_semaphore, #tpu.memory_space<semaphore_mem>>) src(%dma_wait3A_212 : memref<8x128xi32, #tpu.memory_space<hbm>>) dst(%arg7 : memref<8x128xi32, #tpu.memory_space<vmem>>)
        tpu.yield
      }) : () -> ()
      "tpu.region"() ({
        %run_scoped3A_204 = tpu.sem_alloc : memref<!tpu.dma_semaphore, #tpu.memory_space<semaphore_mem>>
        %dma_start3A_205 = arith.constant 0 : i32
        %dma_start3A_206 = tpu.memref_slice %arg4[%multiple_of3A_86, %dma_start3A_205] : memref<5120x128xi32, #tpu.memory_space<hbm>> -> memref<8x128xi32, #tpu.memory_space<hbm>>
        %dma_start3A_207 = arith.constant 0 : i32
        %dma_start3A_208 = tpu.memref_slice %arg4[%multiple_of3A_86, %dma_start3A_207] : memref<5120x128xi32, #tpu.memory_space<hbm>> -> memref<8x128xi32, #tpu.memory_space<hbm>>
        tpu.enqueue_dma source(%dma_start3A_208 : memref<8x128xi32, #tpu.memory_space<hbm>>) target(%arg8 : memref<8x128xi32, #tpu.memory_space<vmem>>) target_semaphore(%run_scoped3A_204 : memref<!tpu.dma_semaphore, #tpu.memory_space<semaphore_mem>>)
        %dma_wait3A_209 = arith.constant 0 : i32
        %dma_wait3A_210 = tpu.memref_slice %arg4[%multiple_of3A_86, %dma_wait3A_209] : memref<5120x128xi32, #tpu.memory_space<hbm>> -> memref<8x128xi32, #tpu.memory_space<hbm>>
        %dma_wait3A_211 = arith.constant 0 : i32
        %dma_wait3A_212 = tpu.memref_slice %arg4[%multiple_of3A_86, %dma_wait3A_211] : memref<5120x128xi32, #tpu.memory_space<hbm>> -> memref<8x128xi32, #tpu.memory_space<hbm>>
        tpu.wait_dma2 semaphore(%run_scoped3A_204 : memref<!tpu.dma_semaphore, #tpu.memory_space<semaphore_mem>>) src(%dma_wait3A_212 : memref<8x128xi32, #tpu.memory_space<hbm>>) dst(%arg8 : memref<8x128xi32, #tpu.memory_space<vmem>>)
        tpu.yield
      }) : () -> ()
      %dma_start3A = arith.constant 0 : i32
      %dma_start3A_87 = arith.constant 0 : i32
      %dma_start3A_88 = tpu.memref_slice %arg7[%dma_start3A, %dma_start3A_87] : memref<8x128xi32, #tpu.memory_space<vmem>> -> memref<1x128xi32, #tpu.memory_space<vmem>>
      %dma_start3A_89 = tpu.memref_squeeze %dma_start3A_88 : memref<1x128xi32, #tpu.memory_space<vmem>> -> memref<128xi32, #tpu.memory_space<vmem>>
      %dma_start3A_90 = arith.constant 0 : i32
      %dma_start3A_91 = arith.constant 0 : i32
      %dma_start3A_92 = tpu.memref_slice %arg11[%dma_start3A_90, %dma_start3A_91] : memref<10112x160xbf16, #tpu.memory_space<vmem_shared>> -> memref<10112x160xbf16, #tpu.memory_space<vmem_shared>>
      tpu.enqueue_indirect_dma source(%dma_start3A_92 : memref<10112x160xbf16, #tpu.memory_space<vmem_shared>>) target(%arg9 : memref<128x160xbf16, #tpu.memory_space<vmem>>) offsets(%dma_start3A_89 : memref<128xi32, #tpu.memory_space<vmem>>) semaphore(%arg13 : memref<!tpu.dma_semaphore, #tpu.memory_space<semaphore_mem>>)
      %dma_start3A_93 = arith.constant 1 : i32
      %dma_start3A_94 = arith.constant 0 : i32
      %dma_start3A_95 = tpu.memref_slice %arg7[%dma_start3A_93, %dma_start3A_94] : memref<8x128xi32, #tpu.memory_space<vmem>> -> memref<1x128xi32, #tpu.memory_space<vmem>>
      %dma_start3A_96 = tpu.memref_squeeze %dma_start3A_95 : memref<1x128xi32, #tpu.memory_space<vmem>> -> memref<128xi32, #tpu.memory_space<vmem>>
      %dma_start3A_97 = arith.constant 0 : i32
      %dma_start3A_98 = arith.constant 0 : i32
      %dma_start3A_99 = tpu.memref_slice %arg11[%dma_start3A_97, %dma_start3A_98] : memref<10112x160xbf16, #tpu.memory_space<vmem_shared>> -> memref<10112x160xbf16, #tpu.memory_space<vmem_shared>>
      tpu.enqueue_indirect_dma source(%dma_start3A_99 : memref<10112x160xbf16, #tpu.memory_space<vmem_shared>>) target(%arg10 : memref<128x160xbf16, #tpu.memory_space<vmem>>) offsets(%dma_start3A_96 : memref<128xi32, #tpu.memory_space<vmem>>) semaphore(%arg14 : memref<!tpu.dma_semaphore, #tpu.memory_space<semaphore_mem>>)
      %dma_wait3A = arith.constant 0 : i32
      %dma_wait3A_100 = arith.constant 0 : i32
      %dma_wait3A_101 = tpu.memref_slice %arg7[%dma_wait3A, %dma_wait3A_100] : memref<8x128xi32, #tpu.memory_space<vmem>> -> memref<1x128xi32, #tpu.memory_space<vmem>>
      %dma_wait3A_102 = tpu.memref_squeeze %dma_wait3A_101 : memref<1x128xi32, #tpu.memory_space<vmem>> -> memref<128xi32, #tpu.memory_space<vmem>>
      %dma_wait3A_103 = arith.constant 0 : i32
      %dma_wait3A_104 = arith.constant 0 : i32
      %dma_wait3A_105 = tpu.memref_slice %arg11[%dma_wait3A_103, %dma_wait3A_104] : memref<10112x160xbf16, #tpu.memory_space<vmem_shared>> -> memref<10112x160xbf16, #tpu.memory_space<vmem_shared>>
      tpu.wait_indirect_dma semaphore(%arg13 : memref<!tpu.dma_semaphore, #tpu.memory_space<semaphore_mem>>) src(%dma_wait3A_105 : memref<10112x160xbf16, #tpu.memory_space<vmem_shared>>) dst(%arg9 : memref<128x160xbf16, #tpu.memory_space<vmem>>)
      %run_scoped3A = arith.constant 0 : i32
      "tpu.region"() ({
        %run_scoped3A_204 = tpu.sem_alloc : memref<!tpu.dma_semaphore, #tpu.memory_space<semaphore_mem>>
        %dma_start3A_205 = arith.constant 0 : i32
        %dma_start3A_206 = tpu.memref_slice %arg8[%run_scoped3A, %dma_start3A_205] : memref<8x128xi32, #tpu.memory_space<vmem>> -> memref<1x128xi32, #tpu.memory_space<vmem>>
        %dma_start3A_207 = tpu.memref_squeeze %dma_start3A_206 : memref<1x128xi32, #tpu.memory_space<vmem>> -> memref<128xi32, #tpu.memory_space<vmem>>
        %dma_start3A_208 = arith.constant 0 : i32
        %dma_start3A_209 = arith.constant 0 : i32
        %dma_start3A_210 = tpu.memref_slice %arg12[%dma_start3A_208, %dma_start3A_209] : memref<10112x160xbf16, #tpu.memory_space<vmem_shared>> -> memref<10112x160xbf16, #tpu.memory_space<vmem_shared>>
        tpu.enqueue_indirect_dma source(%arg9 : memref<128x160xbf16, #tpu.memory_space<vmem>>) target(%dma_start3A_210 : memref<10112x160xbf16, #tpu.memory_space<vmem_shared>>) offsets(%dma_start3A_207 : memref<128xi32, #tpu.memory_space<vmem>>) semaphore(%run_scoped3A_204 : memref<!tpu.dma_semaphore, #tpu.memory_space<semaphore_mem>>) {add = true}
        %dma_wait3A_211 = arith.constant 0 : i32
        %dma_wait3A_212 = tpu.memref_slice %arg8[%run_scoped3A, %dma_wait3A_211] : memref<8x128xi32, #tpu.memory_space<vmem>> -> memref<1x128xi32, #tpu.memory_space<vmem>>
        %dma_wait3A_213 = tpu.memref_squeeze %dma_wait3A_212 : memref<1x128xi32, #tpu.memory_space<vmem>> -> memref<128xi32, #tpu.memory_space<vmem>>
        %dma_wait3A_214 = arith.constant 0 : i32
        %dma_wait3A_215 = arith.constant 0 : i32
        %dma_wait3A_216 = tpu.memref_slice %arg12[%dma_wait3A_214, %dma_wait3A_215] : memref<10112x160xbf16, #tpu.memory_space<vmem_shared>> -> memref<10112x160xbf16, #tpu.memory_space<vmem_shared>>
        tpu.wait_indirect_dma semaphore(%run_scoped3A_204 : memref<!tpu.dma_semaphore, #tpu.memory_space<semaphore_mem>>) src(%arg9 : memref<128x160xbf16, #tpu.memory_space<vmem>>) dst(%dma_wait3A_216 : memref<10112x160xbf16, #tpu.memory_space<vmem_shared>>)
        tpu.yield
      }) : () -> ()
      %dma_wait3A_106 = arith.constant 1 : i32
      %dma_wait3A_107 = arith.constant 0 : i32
      %dma_wait3A_108 = tpu.memref_slice %arg7[%dma_wait3A_106, %dma_wait3A_107] : memref<8x128xi32, #tpu.memory_space<vmem>> -> memref<1x128xi32, #tpu.memory_space<vmem>>
      %dma_wait3A_109 = tpu.memref_squeeze %dma_wait3A_108 : memref<1x128xi32, #tpu.memory_space<vmem>> -> memref<128xi32, #tpu.memory_space<vmem>>
      %dma_wait3A_110 = arith.constant 0 : i32
      %dma_wait3A_111 = arith.constant 0 : i32
      %dma_wait3A_112 = tpu.memref_slice %arg11[%dma_wait3A_110, %dma_wait3A_111] : memref<10112x160xbf16, #tpu.memory_space<vmem_shared>> -> memref<10112x160xbf16, #tpu.memory_space<vmem_shared>>
      tpu.wait_indirect_dma semaphore(%arg14 : memref<!tpu.dma_semaphore, #tpu.memory_space<semaphore_mem>>) src(%dma_wait3A_112 : memref<10112x160xbf16, #tpu.memory_space<vmem_shared>>) dst(%arg10 : memref<128x160xbf16, #tpu.memory_space<vmem>>)
      %run_scoped3A_113 = arith.constant 1 : i32
      "tpu.region"() ({
        %run_scoped3A_204 = tpu.sem_alloc : memref<!tpu.dma_semaphore, #tpu.memory_space<semaphore_mem>>
        %dma_start3A_205 = arith.constant 0 : i32
        %dma_start3A_206 = tpu.memref_slice %arg8[%run_scoped3A_113, %dma_start3A_205] : memref<8x128xi32, #tpu.memory_space<vmem>> -> memref<1x128xi32, #tpu.memory_space<vmem>>
        %dma_start3A_207 = tpu.memref_squeeze %dma_start3A_206 : memref<1x128xi32, #tpu.memory_space<vmem>> -> memref<128xi32, #tpu.memory_space<vmem>>
        %dma_start3A_208 = arith.constant 0 : i32
        %dma_start3A_209 = arith.constant 0 : i32
        %dma_start3A_210 = tpu.memref_slice %arg12[%dma_start3A_208, %dma_start3A_209] : memref<10112x160xbf16, #tpu.memory_space<vmem_shared>> -> memref<10112x160xbf16, #tpu.memory_space<vmem_shared>>
        tpu.enqueue_indirect_dma source(%arg10 : memref<128x160xbf16, #tpu.memory_space<vmem>>) target(%dma_start3A_210 : memref<10112x160xbf16, #tpu.memory_space<vmem_shared>>) offsets(%dma_start3A_207 : memref<128xi32, #tpu.memory_space<vmem>>) semaphore(%run_scoped3A_204 : memref<!tpu.dma_semaphore, #tpu.memory_space<semaphore_mem>>) {add = true}
        %dma_wait3A_211 = arith.constant 0 : i32
        %dma_wait3A_212 = tpu.memref_slice %arg8[%run_scoped3A_113, %dma_wait3A_211] : memref<8x128xi32, #tpu.memory_space<vmem>> -> memref<1x128xi32, #tpu.memory_space<vmem>>
        %dma_wait3A_213 = tpu.memref_squeeze %dma_wait3A_212 : memref<1x128xi32, #tpu.memory_space<vmem>> -> memref<128xi32, #tpu.memory_space<vmem>>
        %dma_wait3A_214 = arith.constant 0 : i32
        %dma_wait3A_215 = arith.constant 0 : i32
        %dma_wait3A_216 = tpu.memref_slice %arg12[%dma_wait3A_214, %dma_wait3A_215] : memref<10112x160xbf16, #tpu.memory_space<vmem_shared>> -> memref<10112x160xbf16, #tpu.memory_space<vmem_shared>>
        tpu.wait_indirect_dma semaphore(%run_scoped3A_204 : memref<!tpu.dma_semaphore, #tpu.memory_space<semaphore_mem>>) src(%arg10 : memref<128x160xbf16, #tpu.memory_space<vmem>>) dst(%dma_wait3A_216 : memref<10112x160xbf16, #tpu.memory_space<vmem_shared>>)
        tpu.yield
      }) : () -> ()
      %dma_start3A_114 = arith.constant 2 : i32
      %dma_start3A_115 = arith.constant 0 : i32
      %dma_start3A_116 = tpu.memref_slice %arg7[%dma_start3A_114, %dma_start3A_115] : memref<8x128xi32, #tpu.memory_space<vmem>> -> memref<1x128xi32, #tpu.memory_space<vmem>>
      %dma_start3A_117 = tpu.memref_squeeze %dma_start3A_116 : memref<1x128xi32, #tpu.memory_space<vmem>> -> memref<128xi32, #tpu.memory_space<vmem>>
      %dma_start3A_118 = arith.constant 0 : i32
      %dma_start3A_119 = arith.constant 0 : i32
      %dma_start3A_120 = tpu.memref_slice %arg11[%dma_start3A_118, %dma_start3A_119] : memref<10112x160xbf16, #tpu.memory_space<vmem_shared>> -> memref<10112x160xbf16, #tpu.memory_space<vmem_shared>>
      tpu.enqueue_indirect_dma source(%dma_start3A_120 : memref<10112x160xbf16, #tpu.memory_space<vmem_shared>>) target(%arg9 : memref<128x160xbf16, #tpu.memory_space<vmem>>) offsets(%dma_start3A_117 : memref<128xi32, #tpu.memory_space<vmem>>) semaphore(%arg13 : memref<!tpu.dma_semaphore, #tpu.memory_space<semaphore_mem>>)
      %dma_start3A_121 = arith.constant 3 : i32
      %dma_start3A_122 = arith.constant 0 : i32
      %dma_start3A_123 = tpu.memref_slice %arg7[%dma_start3A_121, %dma_start3A_122] : memref<8x128xi32, #tpu.memory_space<vmem>> -> memref<1x128xi32, #tpu.memory_space<vmem>>
      %dma_start3A_124 = tpu.memref_squeeze %dma_start3A_123 : memref<1x128xi32, #tpu.memory_space<vmem>> -> memref<128xi32, #tpu.memory_space<vmem>>
      %dma_start3A_125 = arith.constant 0 : i32
      %dma_start3A_126 = arith.constant 0 : i32
      %dma_start3A_127 = tpu.memref_slice %arg11[%dma_start3A_125, %dma_start3A_126] : memref<10112x160xbf16, #tpu.memory_space<vmem_shared>> -> memref<10112x160xbf16, #tpu.memory_space<vmem_shared>>
      tpu.enqueue_indirect_dma source(%dma_start3A_127 : memref<10112x160xbf16, #tpu.memory_space<vmem_shared>>) target(%arg10 : memref<128x160xbf16, #tpu.memory_space<vmem>>) offsets(%dma_start3A_124 : memref<128xi32, #tpu.memory_space<vmem>>) semaphore(%arg14 : memref<!tpu.dma_semaphore, #tpu.memory_space<semaphore_mem>>)
      %dma_wait3A_128 = arith.constant 2 : i32
      %dma_wait3A_129 = arith.constant 0 : i32
      %dma_wait3A_130 = tpu.memref_slice %arg7[%dma_wait3A_128, %dma_wait3A_129] : memref<8x128xi32, #tpu.memory_space<vmem>> -> memref<1x128xi32, #tpu.memory_space<vmem>>
      %dma_wait3A_131 = tpu.memref_squeeze %dma_wait3A_130 : memref<1x128xi32, #tpu.memory_space<vmem>> -> memref<128xi32, #tpu.memory_space<vmem>>
      %dma_wait3A_132 = arith.constant 0 : i32
      %dma_wait3A_133 = arith.constant 0 : i32
      %dma_wait3A_134 = tpu.memref_slice %arg11[%dma_wait3A_132, %dma_wait3A_133] : memref<10112x160xbf16, #tpu.memory_space<vmem_shared>> -> memref<10112x160xbf16, #tpu.memory_space<vmem_shared>>
      tpu.wait_indirect_dma semaphore(%arg13 : memref<!tpu.dma_semaphore, #tpu.memory_space<semaphore_mem>>) src(%dma_wait3A_134 : memref<10112x160xbf16, #tpu.memory_space<vmem_shared>>) dst(%arg9 : memref<128x160xbf16, #tpu.memory_space<vmem>>)
      %run_scoped3A_135 = arith.constant 2 : i32
      "tpu.region"() ({
        %run_scoped3A_204 = tpu.sem_alloc : memref<!tpu.dma_semaphore, #tpu.memory_space<semaphore_mem>>
        %dma_start3A_205 = arith.constant 0 : i32
        %dma_start3A_206 = tpu.memref_slice %arg8[%run_scoped3A_135, %dma_start3A_205] : memref<8x128xi32, #tpu.memory_space<vmem>> -> memref<1x128xi32, #tpu.memory_space<vmem>>
        %dma_start3A_207 = tpu.memref_squeeze %dma_start3A_206 : memref<1x128xi32, #tpu.memory_space<vmem>> -> memref<128xi32, #tpu.memory_space<vmem>>
        %dma_start3A_208 = arith.constant 0 : i32
        %dma_start3A_209 = arith.constant 0 : i32
        %dma_start3A_210 = tpu.memref_slice %arg12[%dma_start3A_208, %dma_start3A_209] : memref<10112x160xbf16, #tpu.memory_space<vmem_shared>> -> memref<10112x160xbf16, #tpu.memory_space<vmem_shared>>
        tpu.enqueue_indirect_dma source(%arg9 : memref<128x160xbf16, #tpu.memory_space<vmem>>) target(%dma_start3A_210 : memref<10112x160xbf16, #tpu.memory_space<vmem_shared>>) offsets(%dma_start3A_207 : memref<128xi32, #tpu.memory_space<vmem>>) semaphore(%run_scoped3A_204 : memref<!tpu.dma_semaphore, #tpu.memory_space<semaphore_mem>>) {add = true}
        %dma_wait3A_211 = arith.constant 0 : i32
        %dma_wait3A_212 = tpu.memref_slice %arg8[%run_scoped3A_135, %dma_wait3A_211] : memref<8x128xi32, #tpu.memory_space<vmem>> -> memref<1x128xi32, #tpu.memory_space<vmem>>
        %dma_wait3A_213 = tpu.memref_squeeze %dma_wait3A_212 : memref<1x128xi32, #tpu.memory_space<vmem>> -> memref<128xi32, #tpu.memory_space<vmem>>
        %dma_wait3A_214 = arith.constant 0 : i32
        %dma_wait3A_215 = arith.constant 0 : i32
        %dma_wait3A_216 = tpu.memref_slice %arg12[%dma_wait3A_214, %dma_wait3A_215] : memref<10112x160xbf16, #tpu.memory_space<vmem_shared>> -> memref<10112x160xbf16, #tpu.memory_space<vmem_shared>>
        tpu.wait_indirect_dma semaphore(%run_scoped3A_204 : memref<!tpu.dma_semaphore, #tpu.memory_space<semaphore_mem>>) src(%arg9 : memref<128x160xbf16, #tpu.memory_space<vmem>>) dst(%dma_wait3A_216 : memref<10112x160xbf16, #tpu.memory_space<vmem_shared>>)
        tpu.yield
      }) : () -> ()
      %dma_wait3A_136 = arith.constant 3 : i32
      %dma_wait3A_137 = arith.constant 0 : i32
      %dma_wait3A_138 = tpu.memref_slice %arg7[%dma_wait3A_136, %dma_wait3A_137] : memref<8x128xi32, #tpu.memory_space<vmem>> -> memref<1x128xi32, #tpu.memory_space<vmem>>
      %dma_wait3A_139 = tpu.memref_squeeze %dma_wait3A_138 : memref<1x128xi32, #tpu.memory_space<vmem>> -> memref<128xi32, #tpu.memory_space<vmem>>
      %dma_wait3A_140 = arith.constant 0 : i32
      %dma_wait3A_141 = arith.constant 0 : i32
      %dma_wait3A_142 = tpu.memref_slice %arg11[%dma_wait3A_140, %dma_wait3A_141] : memref<10112x160xbf16, #tpu.memory_space<vmem_shared>> -> memref<10112x160xbf16, #tpu.memory_space<vmem_shared>>
      tpu.wait_indirect_dma semaphore(%arg14 : memref<!tpu.dma_semaphore, #tpu.memory_space<semaphore_mem>>) src(%dma_wait3A_142 : memref<10112x160xbf16, #tpu.memory_space<vmem_shared>>) dst(%arg10 : memref<128x160xbf16, #tpu.memory_space<vmem>>)
      %run_scoped3A_143 = arith.constant 3 : i32
      "tpu.region"() ({
        %run_scoped3A_204 = tpu.sem_alloc : memref<!tpu.dma_semaphore, #tpu.memory_space<semaphore_mem>>
        %dma_start3A_205 = arith.constant 0 : i32
        %dma_start3A_206 = tpu.memref_slice %arg8[%run_scoped3A_143, %dma_start3A_205] : memref<8x128xi32, #tpu.memory_space<vmem>> -> memref<1x128xi32, #tpu.memory_space<vmem>>
        %dma_start3A_207 = tpu.memref_squeeze %dma_start3A_206 : memref<1x128xi32, #tpu.memory_space<vmem>> -> memref<128xi32, #tpu.memory_space<vmem>>
        %dma_start3A_208 = arith.constant 0 : i32
        %dma_start3A_209 = arith.constant 0 : i32
        %dma_start3A_210 = tpu.memref_slice %arg12[%dma_start3A_208, %dma_start3A_209] : memref<10112x160xbf16, #tpu.memory_space<vmem_shared>> -> memref<10112x160xbf16, #tpu.memory_space<vmem_shared>>
        tpu.enqueue_indirect_dma source(%arg10 : memref<128x160xbf16, #tpu.memory_space<vmem>>) target(%dma_start3A_210 : memref<10112x160xbf16, #tpu.memory_space<vmem_shared>>) offsets(%dma_start3A_207 : memref<128xi32, #tpu.memory_space<vmem>>) semaphore(%run_scoped3A_204 : memref<!tpu.dma_semaphore, #tpu.memory_space<semaphore_mem>>) {add = true}
        %dma_wait3A_211 = arith.constant 0 : i32
        %dma_wait3A_212 = tpu.memref_slice %arg8[%run_scoped3A_143, %dma_wait3A_211] : memref<8x128xi32, #tpu.memory_space<vmem>> -> memref<1x128xi32, #tpu.memory_space<vmem>>
        %dma_wait3A_213 = tpu.memref_squeeze %dma_wait3A_212 : memref<1x128xi32, #tpu.memory_space<vmem>> -> memref<128xi32, #tpu.memory_space<vmem>>
        %dma_wait3A_214 = arith.constant 0 : i32
        %dma_wait3A_215 = arith.constant 0 : i32
        %dma_wait3A_216 = tpu.memref_slice %arg12[%dma_wait3A_214, %dma_wait3A_215] : memref<10112x160xbf16, #tpu.memory_space<vmem_shared>> -> memref<10112x160xbf16, #tpu.memory_space<vmem_shared>>
        tpu.wait_indirect_dma semaphore(%run_scoped3A_204 : memref<!tpu.dma_semaphore, #tpu.memory_space<semaphore_mem>>) src(%arg10 : memref<128x160xbf16, #tpu.memory_space<vmem>>) dst(%dma_wait3A_216 : memref<10112x160xbf16, #tpu.memory_space<vmem_shared>>)
        tpu.yield
      }) : () -> ()
      %dma_start3A_144 = arith.constant 4 : i32
      %dma_start3A_145 = arith.constant 0 : i32
      %dma_start3A_146 = tpu.memref_slice %arg7[%dma_start3A_144, %dma_start3A_145] : memref<8x128xi32, #tpu.memory_space<vmem>> -> memref<1x128xi32, #tpu.memory_space<vmem>>
      %dma_start3A_147 = tpu.memref_squeeze %dma_start3A_146 : memref<1x128xi32, #tpu.memory_space<vmem>> -> memref<128xi32, #tpu.memory_space<vmem>>
      %dma_start3A_148 = arith.constant 0 : i32
      %dma_start3A_149 = arith.constant 0 : i32
      %dma_start3A_150 = tpu.memref_slice %arg11[%dma_start3A_148, %dma_start3A_149] : memref<10112x160xbf16, #tpu.memory_space<vmem_shared>> -> memref<10112x160xbf16, #tpu.memory_space<vmem_shared>>
      tpu.enqueue_indirect_dma source(%dma_start3A_150 : memref<10112x160xbf16, #tpu.memory_space<vmem_shared>>) target(%arg9 : memref<128x160xbf16, #tpu.memory_space<vmem>>) offsets(%dma_start3A_147 : memref<128xi32, #tpu.memory_space<vmem>>) semaphore(%arg13 : memref<!tpu.dma_semaphore, #tpu.memory_space<semaphore_mem>>)
      %dma_start3A_151 = arith.constant 5 : i32
      %dma_start3A_152 = arith.constant 0 : i32
      %dma_start3A_153 = tpu.memref_slice %arg7[%dma_start3A_151, %dma_start3A_152] : memref<8x128xi32, #tpu.memory_space<vmem>> -> memref<1x128xi32, #tpu.memory_space<vmem>>
      %dma_start3A_154 = tpu.memref_squeeze %dma_start3A_153 : memref<1x128xi32, #tpu.memory_space<vmem>> -> memref<128xi32, #tpu.memory_space<vmem>>
      %dma_start3A_155 = arith.constant 0 : i32
      %dma_start3A_156 = arith.constant 0 : i32
      %dma_start3A_157 = tpu.memref_slice %arg11[%dma_start3A_155, %dma_start3A_156] : memref<10112x160xbf16, #tpu.memory_space<vmem_shared>> -> memref<10112x160xbf16, #tpu.memory_space<vmem_shared>>
      tpu.enqueue_indirect_dma source(%dma_start3A_157 : memref<10112x160xbf16, #tpu.memory_space<vmem_shared>>) target(%arg10 : memref<128x160xbf16, #tpu.memory_space<vmem>>) offsets(%dma_start3A_154 : memref<128xi32, #tpu.memory_space<vmem>>) semaphore(%arg14 : memref<!tpu.dma_semaphore, #tpu.memory_space<semaphore_mem>>)
      %dma_wait3A_158 = arith.constant 4 : i32
      %dma_wait3A_159 = arith.constant 0 : i32
      %dma_wait3A_160 = tpu.memref_slice %arg7[%dma_wait3A_158, %dma_wait3A_159] : memref<8x128xi32, #tpu.memory_space<vmem>> -> memref<1x128xi32, #tpu.memory_space<vmem>>
      %dma_wait3A_161 = tpu.memref_squeeze %dma_wait3A_160 : memref<1x128xi32, #tpu.memory_space<vmem>> -> memref<128xi32, #tpu.memory_space<vmem>>
      %dma_wait3A_162 = arith.constant 0 : i32
      %dma_wait3A_163 = arith.constant 0 : i32
      %dma_wait3A_164 = tpu.memref_slice %arg11[%dma_wait3A_162, %dma_wait3A_163] : memref<10112x160xbf16, #tpu.memory_space<vmem_shared>> -> memref<10112x160xbf16, #tpu.memory_space<vmem_shared>>
      tpu.wait_indirect_dma semaphore(%arg13 : memref<!tpu.dma_semaphore, #tpu.memory_space<semaphore_mem>>) src(%dma_wait3A_164 : memref<10112x160xbf16, #tpu.memory_space<vmem_shared>>) dst(%arg9 : memref<128x160xbf16, #tpu.memory_space<vmem>>)
      %run_scoped3A_165 = arith.constant 4 : i32
      "tpu.region"() ({
        %run_scoped3A_204 = tpu.sem_alloc : memref<!tpu.dma_semaphore, #tpu.memory_space<semaphore_mem>>
        %dma_start3A_205 = arith.constant 0 : i32
        %dma_start3A_206 = tpu.memref_slice %arg8[%run_scoped3A_165, %dma_start3A_205] : memref<8x128xi32, #tpu.memory_space<vmem>> -> memref<1x128xi32, #tpu.memory_space<vmem>>
        %dma_start3A_207 = tpu.memref_squeeze %dma_start3A_206 : memref<1x128xi32, #tpu.memory_space<vmem>> -> memref<128xi32, #tpu.memory_space<vmem>>
        %dma_start3A_208 = arith.constant 0 : i32
        %dma_start3A_209 = arith.constant 0 : i32
        %dma_start3A_210 = tpu.memref_slice %arg12[%dma_start3A_208, %dma_start3A_209] : memref<10112x160xbf16, #tpu.memory_space<vmem_shared>> -> memref<10112x160xbf16, #tpu.memory_space<vmem_shared>>
        tpu.enqueue_indirect_dma source(%arg9 : memref<128x160xbf16, #tpu.memory_space<vmem>>) target(%dma_start3A_210 : memref<10112x160xbf16, #tpu.memory_space<vmem_shared>>) offsets(%dma_start3A_207 : memref<128xi32, #tpu.memory_space<vmem>>) semaphore(%run_scoped3A_204 : memref<!tpu.dma_semaphore, #tpu.memory_space<semaphore_mem>>) {add = true}
        %dma_wait3A_211 = arith.constant 0 : i32
        %dma_wait3A_212 = tpu.memref_slice %arg8[%run_scoped3A_165, %dma_wait3A_211] : memref<8x128xi32, #tpu.memory_space<vmem>> -> memref<1x128xi32, #tpu.memory_space<vmem>>
        %dma_wait3A_213 = tpu.memref_squeeze %dma_wait3A_212 : memref<1x128xi32, #tpu.memory_space<vmem>> -> memref<128xi32, #tpu.memory_space<vmem>>
        %dma_wait3A_214 = arith.constant 0 : i32
        %dma_wait3A_215 = arith.constant 0 : i32
        %dma_wait3A_216 = tpu.memref_slice %arg12[%dma_wait3A_214, %dma_wait3A_215] : memref<10112x160xbf16, #tpu.memory_space<vmem_shared>> -> memref<10112x160xbf16, #tpu.memory_space<vmem_shared>>
        tpu.wait_indirect_dma semaphore(%run_scoped3A_204 : memref<!tpu.dma_semaphore, #tpu.memory_space<semaphore_mem>>) src(%arg9 : memref<128x160xbf16, #tpu.memory_space<vmem>>) dst(%dma_wait3A_216 : memref<10112x160xbf16, #tpu.memory_space<vmem_shared>>)
        tpu.yield
      }) : () -> ()
      %dma_wait3A_166 = arith.constant 5 : i32
      %dma_wait3A_167 = arith.constant 0 : i32
      %dma_wait3A_168 = tpu.memref_slice %arg7[%dma_wait3A_166, %dma_wait3A_167] : memref<8x128xi32, #tpu.memory_space<vmem>> -> memref<1x128xi32, #tpu.memory_space<vmem>>
      %dma_wait3A_169 = tpu.memref_squeeze %dma_wait3A_168 : memref<1x128xi32, #tpu.memory_space<vmem>> -> memref<128xi32, #tpu.memory_space<vmem>>
      %dma_wait3A_170 = arith.constant 0 : i32
      %dma_wait3A_171 = arith.constant 0 : i32
      %dma_wait3A_172 = tpu.memref_slice %arg11[%dma_wait3A_170, %dma_wait3A_171] : memref<10112x160xbf16, #tpu.memory_space<vmem_shared>> -> memref<10112x160xbf16, #tpu.memory_space<vmem_shared>>
      tpu.wait_indirect_dma semaphore(%arg14 : memref<!tpu.dma_semaphore, #tpu.memory_space<semaphore_mem>>) src(%dma_wait3A_172 : memref<10112x160xbf16, #tpu.memory_space<vmem_shared>>) dst(%arg10 : memref<128x160xbf16, #tpu.memory_space<vmem>>)
      %run_scoped3A_173 = arith.constant 5 : i32
      "tpu.region"() ({
        %run_scoped3A_204 = tpu.sem_alloc : memref<!tpu.dma_semaphore, #tpu.memory_space<semaphore_mem>>
        %dma_start3A_205 = arith.constant 0 : i32
        %dma_start3A_206 = tpu.memref_slice %arg8[%run_scoped3A_173, %dma_start3A_205] : memref<8x128xi32, #tpu.memory_space<vmem>> -> memref<1x128xi32, #tpu.memory_space<vmem>>
        %dma_start3A_207 = tpu.memref_squeeze %dma_start3A_206 : memref<1x128xi32, #tpu.memory_space<vmem>> -> memref<128xi32, #tpu.memory_space<vmem>>
        %dma_start3A_208 = arith.constant 0 : i32
        %dma_start3A_209 = arith.constant 0 : i32
        %dma_start3A_210 = tpu.memref_slice %arg12[%dma_start3A_208, %dma_start3A_209] : memref<10112x160xbf16, #tpu.memory_space<vmem_shared>> -> memref<10112x160xbf16, #tpu.memory_space<vmem_shared>>
        tpu.enqueue_indirect_dma source(%arg10 : memref<128x160xbf16, #tpu.memory_space<vmem>>) target(%dma_start3A_210 : memref<10112x160xbf16, #tpu.memory_space<vmem_shared>>) offsets(%dma_start3A_207 : memref<128xi32, #tpu.memory_space<vmem>>) semaphore(%run_scoped3A_204 : memref<!tpu.dma_semaphore, #tpu.memory_space<semaphore_mem>>) {add = true}
        %dma_wait3A_211 = arith.constant 0 : i32
        %dma_wait3A_212 = tpu.memref_slice %arg8[%run_scoped3A_173, %dma_wait3A_211] : memref<8x128xi32, #tpu.memory_space<vmem>> -> memref<1x128xi32, #tpu.memory_space<vmem>>
        %dma_wait3A_213 = tpu.memref_squeeze %dma_wait3A_212 : memref<1x128xi32, #tpu.memory_space<vmem>> -> memref<128xi32, #tpu.memory_space<vmem>>
        %dma_wait3A_214 = arith.constant 0 : i32
        %dma_wait3A_215 = arith.constant 0 : i32
        %dma_wait3A_216 = tpu.memref_slice %arg12[%dma_wait3A_214, %dma_wait3A_215] : memref<10112x160xbf16, #tpu.memory_space<vmem_shared>> -> memref<10112x160xbf16, #tpu.memory_space<vmem_shared>>
        tpu.wait_indirect_dma semaphore(%run_scoped3A_204 : memref<!tpu.dma_semaphore, #tpu.memory_space<semaphore_mem>>) src(%arg10 : memref<128x160xbf16, #tpu.memory_space<vmem>>) dst(%dma_wait3A_216 : memref<10112x160xbf16, #tpu.memory_space<vmem_shared>>)
        tpu.yield
      }) : () -> ()
      %dma_start3A_174 = arith.constant 6 : i32
      %dma_start3A_175 = arith.constant 0 : i32
      %dma_start3A_176 = tpu.memref_slice %arg7[%dma_start3A_174, %dma_start3A_175] : memref<8x128xi32, #tpu.memory_space<vmem>> -> memref<1x128xi32, #tpu.memory_space<vmem>>
      %dma_start3A_177 = tpu.memref_squeeze %dma_start3A_176 : memref<1x128xi32, #tpu.memory_space<vmem>> -> memref<128xi32, #tpu.memory_space<vmem>>
      %dma_start3A_178 = arith.constant 0 : i32
      %dma_start3A_179 = arith.constant 0 : i32
      %dma_start3A_180 = tpu.memref_slice %arg11[%dma_start3A_178, %dma_start3A_179] : memref<10112x160xbf16, #tpu.memory_space<vmem_shared>> -> memref<10112x160xbf16, #tpu.memory_space<vmem_shared>>
      tpu.enqueue_indirect_dma source(%dma_start3A_180 : memref<10112x160xbf16, #tpu.memory_space<vmem_shared>>) target(%arg9 : memref<128x160xbf16, #tpu.memory_space<vmem>>) offsets(%dma_start3A_177 : memref<128xi32, #tpu.memory_space<vmem>>) semaphore(%arg13 : memref<!tpu.dma_semaphore, #tpu.memory_space<semaphore_mem>>)
      %dma_start3A_181 = arith.constant 7 : i32
      %dma_start3A_182 = arith.constant 0 : i32
      %dma_start3A_183 = tpu.memref_slice %arg7[%dma_start3A_181, %dma_start3A_182] : memref<8x128xi32, #tpu.memory_space<vmem>> -> memref<1x128xi32, #tpu.memory_space<vmem>>
      %dma_start3A_184 = tpu.memref_squeeze %dma_start3A_183 : memref<1x128xi32, #tpu.memory_space<vmem>> -> memref<128xi32, #tpu.memory_space<vmem>>
      %dma_start3A_185 = arith.constant 0 : i32
      %dma_start3A_186 = arith.constant 0 : i32
      %dma_start3A_187 = tpu.memref_slice %arg11[%dma_start3A_185, %dma_start3A_186] : memref<10112x160xbf16, #tpu.memory_space<vmem_shared>> -> memref<10112x160xbf16, #tpu.memory_space<vmem_shared>>
      tpu.enqueue_indirect_dma source(%dma_start3A_187 : memref<10112x160xbf16, #tpu.memory_space<vmem_shared>>) target(%arg10 : memref<128x160xbf16, #tpu.memory_space<vmem>>) offsets(%dma_start3A_184 : memref<128xi32, #tpu.memory_space<vmem>>) semaphore(%arg14 : memref<!tpu.dma_semaphore, #tpu.memory_space<semaphore_mem>>)
      %dma_wait3A_188 = arith.constant 6 : i32
      %dma_wait3A_189 = arith.constant 0 : i32
      %dma_wait3A_190 = tpu.memref_slice %arg7[%dma_wait3A_188, %dma_wait3A_189] : memref<8x128xi32, #tpu.memory_space<vmem>> -> memref<1x128xi32, #tpu.memory_space<vmem>>
      %dma_wait3A_191 = tpu.memref_squeeze %dma_wait3A_190 : memref<1x128xi32, #tpu.memory_space<vmem>> -> memref<128xi32, #tpu.memory_space<vmem>>
      %dma_wait3A_192 = arith.constant 0 : i32
      %dma_wait3A_193 = arith.constant 0 : i32
      %dma_wait3A_194 = tpu.memref_slice %arg11[%dma_wait3A_192, %dma_wait3A_193] : memref<10112x160xbf16, #tpu.memory_space<vmem_shared>> -> memref<10112x160xbf16, #tpu.memory_space<vmem_shared>>
      tpu.wait_indirect_dma semaphore(%arg13 : memref<!tpu.dma_semaphore, #tpu.memory_space<semaphore_mem>>) src(%dma_wait3A_194 : memref<10112x160xbf16, #tpu.memory_space<vmem_shared>>) dst(%arg9 : memref<128x160xbf16, #tpu.memory_space<vmem>>)
      %run_scoped3A_195 = arith.constant 6 : i32
      "tpu.region"() ({
        %run_scoped3A_204 = tpu.sem_alloc : memref<!tpu.dma_semaphore, #tpu.memory_space<semaphore_mem>>
        %dma_start3A_205 = arith.constant 0 : i32
        %dma_start3A_206 = tpu.memref_slice %arg8[%run_scoped3A_195, %dma_start3A_205] : memref<8x128xi32, #tpu.memory_space<vmem>> -> memref<1x128xi32, #tpu.memory_space<vmem>>
        %dma_start3A_207 = tpu.memref_squeeze %dma_start3A_206 : memref<1x128xi32, #tpu.memory_space<vmem>> -> memref<128xi32, #tpu.memory_space<vmem>>
        %dma_start3A_208 = arith.constant 0 : i32
        %dma_start3A_209 = arith.constant 0 : i32
        %dma_start3A_210 = tpu.memref_slice %arg12[%dma_start3A_208, %dma_start3A_209] : memref<10112x160xbf16, #tpu.memory_space<vmem_shared>> -> memref<10112x160xbf16, #tpu.memory_space<vmem_shared>>
        tpu.enqueue_indirect_dma source(%arg9 : memref<128x160xbf16, #tpu.memory_space<vmem>>) target(%dma_start3A_210 : memref<10112x160xbf16, #tpu.memory_space<vmem_shared>>) offsets(%dma_start3A_207 : memref<128xi32, #tpu.memory_space<vmem>>) semaphore(%run_scoped3A_204 : memref<!tpu.dma_semaphore, #tpu.memory_space<semaphore_mem>>) {add = true}
        %dma_wait3A_211 = arith.constant 0 : i32
        %dma_wait3A_212 = tpu.memref_slice %arg8[%run_scoped3A_195, %dma_wait3A_211] : memref<8x128xi32, #tpu.memory_space<vmem>> -> memref<1x128xi32, #tpu.memory_space<vmem>>
        %dma_wait3A_213 = tpu.memref_squeeze %dma_wait3A_212 : memref<1x128xi32, #tpu.memory_space<vmem>> -> memref<128xi32, #tpu.memory_space<vmem>>
        %dma_wait3A_214 = arith.constant 0 : i32
        %dma_wait3A_215 = arith.constant 0 : i32
        %dma_wait3A_216 = tpu.memref_slice %arg12[%dma_wait3A_214, %dma_wait3A_215] : memref<10112x160xbf16, #tpu.memory_space<vmem_shared>> -> memref<10112x160xbf16, #tpu.memory_space<vmem_shared>>
        tpu.wait_indirect_dma semaphore(%run_scoped3A_204 : memref<!tpu.dma_semaphore, #tpu.memory_space<semaphore_mem>>) src(%arg9 : memref<128x160xbf16, #tpu.memory_space<vmem>>) dst(%dma_wait3A_216 : memref<10112x160xbf16, #tpu.memory_space<vmem_shared>>)
        tpu.yield
      }) : () -> ()
      %dma_wait3A_196 = arith.constant 7 : i32
      %dma_wait3A_197 = arith.constant 0 : i32
      %dma_wait3A_198 = tpu.memref_slice %arg7[%dma_wait3A_196, %dma_wait3A_197] : memref<8x128xi32, #tpu.memory_space<vmem>> -> memref<1x128xi32, #tpu.memory_space<vmem>>
      %dma_wait3A_199 = tpu.memref_squeeze %dma_wait3A_198 : memref<1x128xi32, #tpu.memory_space<vmem>> -> memref<128xi32, #tpu.memory_space<vmem>>
      %dma_wait3A_200 = arith.constant 0 : i32
      %dma_wait3A_201 = arith.constant 0 : i32
      %dma_wait3A_202 = tpu.memref_slice %arg11[%dma_wait3A_200, %dma_wait3A_201] : memref<10112x160xbf16, #tpu.memory_space<vmem_shared>> -> memref<10112x160xbf16, #tpu.memory_space<vmem_shared>>
      tpu.wait_indirect_dma semaphore(%arg14 : memref<!tpu.dma_semaphore, #tpu.memory_space<semaphore_mem>>) src(%dma_wait3A_202 : memref<10112x160xbf16, #tpu.memory_space<vmem_shared>>) dst(%arg10 : memref<128x160xbf16, #tpu.memory_space<vmem>>)
      %run_scoped3A_203 = arith.constant 7 : i32
      "tpu.region"() ({
        %run_scoped3A_204 = tpu.sem_alloc : memref<!tpu.dma_semaphore, #tpu.memory_space<semaphore_mem>>
        %dma_start3A_205 = arith.constant 0 : i32
        %dma_start3A_206 = tpu.memref_slice %arg8[%run_scoped3A_203, %dma_start3A_205] : memref<8x128xi32, #tpu.memory_space<vmem>> -> memref<1x128xi32, #tpu.memory_space<vmem>>
        %dma_start3A_207 = tpu.memref_squeeze %dma_start3A_206 : memref<1x128xi32, #tpu.memory_space<vmem>> -> memref<128xi32, #tpu.memory_space<vmem>>
        %dma_start3A_208 = arith.constant 0 : i32
        %dma_start3A_209 = arith.constant 0 : i32
        %dma_start3A_210 = tpu.memref_slice %arg12[%dma_start3A_208, %dma_start3A_209] : memref<10112x160xbf16, #tpu.memory_space<vmem_shared>> -> memref<10112x160xbf16, #tpu.memory_space<vmem_shared>>
        tpu.enqueue_indirect_dma source(%arg10 : memref<128x160xbf16, #tpu.memory_space<vmem>>) target(%dma_start3A_210 : memref<10112x160xbf16, #tpu.memory_space<vmem_shared>>) offsets(%dma_start3A_207 : memref<128xi32, #tpu.memory_space<vmem>>) semaphore(%run_scoped3A_204 : memref<!tpu.dma_semaphore, #tpu.memory_space<semaphore_mem>>) {add = true}
        %dma_wait3A_211 = arith.constant 0 : i32
        %dma_wait3A_212 = tpu.memref_slice %arg8[%run_scoped3A_203, %dma_wait3A_211] : memref<8x128xi32, #tpu.memory_space<vmem>> -> memref<1x128xi32, #tpu.memory_space<vmem>>
        %dma_wait3A_213 = tpu.memref_squeeze %dma_wait3A_212 : memref<1x128xi32, #tpu.memory_space<vmem>> -> memref<128xi32, #tpu.memory_space<vmem>>
        %dma_wait3A_214 = arith.constant 0 : i32
        %dma_wait3A_215 = arith.constant 0 : i32
        %dma_wait3A_216 = tpu.memref_slice %arg12[%dma_wait3A_214, %dma_wait3A_215] : memref<10112x160xbf16, #tpu.memory_space<vmem_shared>> -> memref<10112x160xbf16, #tpu.memory_space<vmem_shared>>
        tpu.wait_indirect_dma semaphore(%run_scoped3A_204 : memref<!tpu.dma_semaphore, #tpu.memory_space<semaphore_mem>>) src(%arg10 : memref<128x160xbf16, #tpu.memory_space<vmem>>) dst(%dma_wait3A_216 : memref<10112x160xbf16, #tpu.memory_space<vmem_shared>>)
        tpu.yield
      }) : () -> ()
    }
    %scan3A_10 = arith.constant 20 : i32
    %barrier3A_11 = arith.constant 0 : index
    tpu.barrier barrier_id(%barrier3A_11)
    %mul3A_12 = arith.constant 632 : i32
    %mul3A_13 = arith.muli %arg1, %mul3A_12 : i32
    %add3A_14 = arith.constant 0 : i32
    %add3A_15 = arith.addi %mul3A_13, %add3A_14 : i32
    %multiple_of3A_16 = tpu.assume_multiple %add3A_15, 8 : i32
    %mul3A_17 = arith.constant 10112 : i32
    %mul3A_18 = arith.muli %arg0, %mul3A_17 : i32
    %mul3A_19 = arith.constant 632 : i32
    %mul3A_20 = arith.muli %arg1, %mul3A_19 : i32
    %add3A_21 = arith.addi %mul3A_18, %mul3A_20 : i32
    %add3A_22 = arith.constant 0 : i32
    %add3A_23 = arith.addi %add3A_21, %add3A_22 : i32
    %multiple_of3A_24 = tpu.assume_multiple %add3A_23, 8 : i32
    "tpu.region"() ({
      %run_scoped3A = tpu.sem_alloc : memref<!tpu.dma_semaphore, #tpu.memory_space<semaphore_mem>>
      %dma_start3A = arith.constant 0 : i32
      %dma_start3A_77 = arith.constant 0 : i32
      %dma_start3A_78 = tpu.memref_slice %arg9[%dma_start3A, %dma_start3A_77] : memref<128x160xbf16, #tpu.memory_space<vmem>> -> memref<128x160xbf16, #tpu.memory_space<vmem>>
      %dma_start3A_79 = arith.constant 0 : i32
      %dma_start3A_80 = tpu.memref_slice %arg12[%multiple_of3A_16, %dma_start3A_79] : memref<10112x160xbf16, #tpu.memory_space<vmem_shared>> -> memref<128x160xbf16, #tpu.memory_space<vmem_shared>>
      %dma_start3A_81 = arith.constant 0 : i32
      %dma_start3A_82 = arith.constant 0 : i32
      %dma_start3A_83 = tpu.memref_slice %arg9[%dma_start3A_81, %dma_start3A_82] : memref<128x160xbf16, #tpu.memory_space<vmem>> -> memref<128x160xbf16, #tpu.memory_space<vmem>>
      %dma_start3A_84 = arith.constant 0 : i32
      %dma_start3A_85 = tpu.memref_slice %arg12[%multiple_of3A_16, %dma_start3A_84] : memref<10112x160xbf16, #tpu.memory_space<vmem_shared>> -> memref<128x160xbf16, #tpu.memory_space<vmem_shared>>
      tpu.enqueue_dma source(%dma_start3A_85 : memref<128x160xbf16, #tpu.memory_space<vmem_shared>>) target(%dma_start3A_83 : memref<128x160xbf16, #tpu.memory_space<vmem>>) target_semaphore(%run_scoped3A : memref<!tpu.dma_semaphore, #tpu.memory_space<semaphore_mem>>)
      %dma_wait3A = arith.constant 0 : i32
      %dma_wait3A_86 = arith.constant 0 : i32
      %dma_wait3A_87 = tpu.memref_slice %arg9[%dma_wait3A, %dma_wait3A_86] : memref<128x160xbf16, #tpu.memory_space<vmem>> -> memref<128x160xbf16, #tpu.memory_space<vmem>>
      %dma_wait3A_88 = arith.constant 0 : i32
      %dma_wait3A_89 = tpu.memref_slice %arg12[%multiple_of3A_16, %dma_wait3A_88] : memref<10112x160xbf16, #tpu.memory_space<vmem_shared>> -> memref<128x160xbf16, #tpu.memory_space<vmem_shared>>
      %dma_wait3A_90 = arith.constant 0 : i32
      %dma_wait3A_91 = arith.constant 0 : i32
      %dma_wait3A_92 = tpu.memref_slice %arg9[%dma_wait3A_90, %dma_wait3A_91] : memref<128x160xbf16, #tpu.memory_space<vmem>> -> memref<128x160xbf16, #tpu.memory_space<vmem>>
      %dma_wait3A_93 = arith.constant 0 : i32
      %dma_wait3A_94 = tpu.memref_slice %arg12[%multiple_of3A_16, %dma_wait3A_93] : memref<10112x160xbf16, #tpu.memory_space<vmem_shared>> -> memref<128x160xbf16, #tpu.memory_space<vmem_shared>>
      tpu.wait_dma2 semaphore(%run_scoped3A : memref<!tpu.dma_semaphore, #tpu.memory_space<semaphore_mem>>) src(%dma_wait3A_94 : memref<128x160xbf16, #tpu.memory_space<vmem_shared>>) dst(%dma_wait3A_92 : memref<128x160xbf16, #tpu.memory_space<vmem>>)
      tpu.yield
    }) : () -> ()
    "tpu.region"() ({
      %run_scoped3A = tpu.sem_alloc : memref<!tpu.dma_semaphore, #tpu.memory_space<semaphore_mem>>
      %dma_start3A = arith.constant 0 : i32
      %dma_start3A_77 = arith.constant 0 : i32
      %dma_start3A_78 = tpu.memref_slice %arg9[%dma_start3A, %dma_start3A_77] : memref<128x160xbf16, #tpu.memory_space<vmem>> -> memref<128x160xbf16, #tpu.memory_space<vmem>>
      %dma_start3A_79 = arith.constant 0 : i32
      %dma_start3A_80 = tpu.memref_slice %arg6[%multiple_of3A_24, %dma_start3A_79] : memref<20224x160xbf16, #tpu.memory_space<hbm>> -> memref<128x160xbf16, #tpu.memory_space<hbm>>
      %dma_start3A_81 = arith.constant 0 : i32
      %dma_start3A_82 = tpu.memref_slice %arg6[%multiple_of3A_24, %dma_start3A_81] : memref<20224x160xbf16, #tpu.memory_space<hbm>> -> memref<128x160xbf16, #tpu.memory_space<hbm>>
      %dma_start3A_83 = arith.constant 0 : i32
      %dma_start3A_84 = arith.constant 0 : i32
      %dma_start3A_85 = tpu.memref_slice %arg9[%dma_start3A_83, %dma_start3A_84] : memref<128x160xbf16, #tpu.memory_space<vmem>> -> memref<128x160xbf16, #tpu.memory_space<vmem>>
      tpu.enqueue_dma source(%dma_start3A_85 : memref<128x160xbf16, #tpu.memory_space<vmem>>) target(%dma_start3A_82 : memref<128x160xbf16, #tpu.memory_space<hbm>>) target_semaphore(%run_scoped3A : memref<!tpu.dma_semaphore, #tpu.memory_space<semaphore_mem>>)
      %dma_wait3A = arith.constant 0 : i32
      %dma_wait3A_86 = arith.constant 0 : i32
      %dma_wait3A_87 = tpu.memref_slice %arg9[%dma_wait3A, %dma_wait3A_86] : memref<128x160xbf16, #tpu.memory_space<vmem>> -> memref<128x160xbf16, #tpu.memory_space<vmem>>
      %dma_wait3A_88 = arith.constant 0 : i32
      %dma_wait3A_89 = tpu.memref_slice %arg6[%multiple_of3A_24, %dma_wait3A_88] : memref<20224x160xbf16, #tpu.memory_space<hbm>> -> memref<128x160xbf16, #tpu.memory_space<hbm>>
      %dma_wait3A_90 = arith.constant 0 : i32
      %dma_wait3A_91 = tpu.memref_slice %arg6[%multiple_of3A_24, %dma_wait3A_90] : memref<20224x160xbf16, #tpu.memory_space<hbm>> -> memref<128x160xbf16, #tpu.memory_space<hbm>>
      %dma_wait3A_92 = arith.constant 0 : i32
      %dma_wait3A_93 = arith.constant 0 : i32
      %dma_wait3A_94 = tpu.memref_slice %arg9[%dma_wait3A_92, %dma_wait3A_93] : memref<128x160xbf16, #tpu.memory_space<vmem>> -> memref<128x160xbf16, #tpu.memory_space<vmem>>
      tpu.wait_dma2 semaphore(%run_scoped3A : memref<!tpu.dma_semaphore, #tpu.memory_space<semaphore_mem>>) src(%dma_wait3A_94 : memref<128x160xbf16, #tpu.memory_space<vmem>>) dst(%dma_wait3A_91 : memref<128x160xbf16, #tpu.memory_space<hbm>>)
      tpu.yield
    }) : () -> ()
    %mul3A_25 = arith.constant 632 : i32
    %mul3A_26 = arith.muli %arg1, %mul3A_25 : i32
    %add3A_27 = arith.constant 128 : i32
    %add3A_28 = arith.addi %mul3A_26, %add3A_27 : i32
    %multiple_of3A_29 = tpu.assume_multiple %add3A_28, 8 : i32
    %mul3A_30 = arith.constant 10112 : i32
    %mul3A_31 = arith.muli %arg0, %mul3A_30 : i32
    %mul3A_32 = arith.constant 632 : i32
    %mul3A_33 = arith.muli %arg1, %mul3A_32 : i32
    %add3A_34 = arith.addi %mul3A_31, %mul3A_33 : i32
    %add3A_35 = arith.constant 128 : i32
    %add3A_36 = arith.addi %add3A_34, %add3A_35 : i32
    %multiple_of3A_37 = tpu.assume_multiple %add3A_36, 8 : i32
    "tpu.region"() ({
      %run_scoped3A = tpu.sem_alloc : memref<!tpu.dma_semaphore, #tpu.memory_space<semaphore_mem>>
      %dma_start3A = arith.constant 0 : i32
      %dma_start3A_77 = arith.constant 0 : i32
      %dma_start3A_78 = tpu.memref_slice %arg10[%dma_start3A, %dma_start3A_77] : memref<128x160xbf16, #tpu.memory_space<vmem>> -> memref<128x160xbf16, #tpu.memory_space<vmem>>
      %dma_start3A_79 = arith.constant 0 : i32
      %dma_start3A_80 = tpu.memref_slice %arg12[%multiple_of3A_29, %dma_start3A_79] : memref<10112x160xbf16, #tpu.memory_space<vmem_shared>> -> memref<128x160xbf16, #tpu.memory_space<vmem_shared>>
      %dma_start3A_81 = arith.constant 0 : i32
      %dma_start3A_82 = arith.constant 0 : i32
      %dma_start3A_83 = tpu.memref_slice %arg10[%dma_start3A_81, %dma_start3A_82] : memref<128x160xbf16, #tpu.memory_space<vmem>> -> memref<128x160xbf16, #tpu.memory_space<vmem>>
      %dma_start3A_84 = arith.constant 0 : i32
      %dma_start3A_85 = tpu.memref_slice %arg12[%multiple_of3A_29, %dma_start3A_84] : memref<10112x160xbf16, #tpu.memory_space<vmem_shared>> -> memref<128x160xbf16, #tpu.memory_space<vmem_shared>>
      tpu.enqueue_dma source(%dma_start3A_85 : memref<128x160xbf16, #tpu.memory_space<vmem_shared>>) target(%dma_start3A_83 : memref<128x160xbf16, #tpu.memory_space<vmem>>) target_semaphore(%run_scoped3A : memref<!tpu.dma_semaphore, #tpu.memory_space<semaphore_mem>>)
      %dma_wait3A = arith.constant 0 : i32
      %dma_wait3A_86 = arith.constant 0 : i32
      %dma_wait3A_87 = tpu.memref_slice %arg10[%dma_wait3A, %dma_wait3A_86] : memref<128x160xbf16, #tpu.memory_space<vmem>> -> memref<128x160xbf16, #tpu.memory_space<vmem>>
      %dma_wait3A_88 = arith.constant 0 : i32
      %dma_wait3A_89 = tpu.memref_slice %arg12[%multiple_of3A_29, %dma_wait3A_88] : memref<10112x160xbf16, #tpu.memory_space<vmem_shared>> -> memref<128x160xbf16, #tpu.memory_space<vmem_shared>>
      %dma_wait3A_90 = arith.constant 0 : i32
      %dma_wait3A_91 = arith.constant 0 : i32
      %dma_wait3A_92 = tpu.memref_slice %arg10[%dma_wait3A_90, %dma_wait3A_91] : memref<128x160xbf16, #tpu.memory_space<vmem>> -> memref<128x160xbf16, #tpu.memory_space<vmem>>
      %dma_wait3A_93 = arith.constant 0 : i32
      %dma_wait3A_94 = tpu.memref_slice %arg12[%multiple_of3A_29, %dma_wait3A_93] : memref<10112x160xbf16, #tpu.memory_space<vmem_shared>> -> memref<128x160xbf16, #tpu.memory_space<vmem_shared>>
      tpu.wait_dma2 semaphore(%run_scoped3A : memref<!tpu.dma_semaphore, #tpu.memory_space<semaphore_mem>>) src(%dma_wait3A_94 : memref<128x160xbf16, #tpu.memory_space<vmem_shared>>) dst(%dma_wait3A_92 : memref<128x160xbf16, #tpu.memory_space<vmem>>)
      tpu.yield
    }) : () -> ()
    "tpu.region"() ({
      %run_scoped3A = tpu.sem_alloc : memref<!tpu.dma_semaphore, #tpu.memory_space<semaphore_mem>>
      %dma_start3A = arith.constant 0 : i32
      %dma_start3A_77 = arith.constant 0 : i32
      %dma_start3A_78 = tpu.memref_slice %arg10[%dma_start3A, %dma_start3A_77] : memref<128x160xbf16, #tpu.memory_space<vmem>> -> memref<128x160xbf16, #tpu.memory_space<vmem>>
      %dma_start3A_79 = arith.constant 0 : i32
      %dma_start3A_80 = tpu.memref_slice %arg6[%multiple_of3A_37, %dma_start3A_79] : memref<20224x160xbf16, #tpu.memory_space<hbm>> -> memref<128x160xbf16, #tpu.memory_space<hbm>>
      %dma_start3A_81 = arith.constant 0 : i32
      %dma_start3A_82 = tpu.memref_slice %arg6[%multiple_of3A_37, %dma_start3A_81] : memref<20224x160xbf16, #tpu.memory_space<hbm>> -> memref<128x160xbf16, #tpu.memory_space<hbm>>
      %dma_start3A_83 = arith.constant 0 : i32
      %dma_start3A_84 = arith.constant 0 : i32
      %dma_start3A_85 = tpu.memref_slice %arg10[%dma_start3A_83, %dma_start3A_84] : memref<128x160xbf16, #tpu.memory_space<vmem>> -> memref<128x160xbf16, #tpu.memory_space<vmem>>
      tpu.enqueue_dma source(%dma_start3A_85 : memref<128x160xbf16, #tpu.memory_space<vmem>>) target(%dma_start3A_82 : memref<128x160xbf16, #tpu.memory_space<hbm>>) target_semaphore(%run_scoped3A : memref<!tpu.dma_semaphore, #tpu.memory_space<semaphore_mem>>)
      %dma_wait3A = arith.constant 0 : i32
      %dma_wait3A_86 = arith.constant 0 : i32
      %dma_wait3A_87 = tpu.memref_slice %arg10[%dma_wait3A, %dma_wait3A_86] : memref<128x160xbf16, #tpu.memory_space<vmem>> -> memref<128x160xbf16, #tpu.memory_space<vmem>>
      %dma_wait3A_88 = arith.constant 0 : i32
      %dma_wait3A_89 = tpu.memref_slice %arg6[%multiple_of3A_37, %dma_wait3A_88] : memref<20224x160xbf16, #tpu.memory_space<hbm>> -> memref<128x160xbf16, #tpu.memory_space<hbm>>
      %dma_wait3A_90 = arith.constant 0 : i32
      %dma_wait3A_91 = tpu.memref_slice %arg6[%multiple_of3A_37, %dma_wait3A_90] : memref<20224x160xbf16, #tpu.memory_space<hbm>> -> memref<128x160xbf16, #tpu.memory_space<hbm>>
      %dma_wait3A_92 = arith.constant 0 : i32
      %dma_wait3A_93 = arith.constant 0 : i32
      %dma_wait3A_94 = tpu.memref_slice %arg10[%dma_wait3A_92, %dma_wait3A_93] : memref<128x160xbf16, #tpu.memory_space<vmem>> -> memref<128x160xbf16, #tpu.memory_space<vmem>>
      tpu.wait_dma2 semaphore(%run_scoped3A : memref<!tpu.dma_semaphore, #tpu.memory_space<semaphore_mem>>) src(%dma_wait3A_94 : memref<128x160xbf16, #tpu.memory_space<vmem>>) dst(%dma_wait3A_91 : memref<128x160xbf16, #tpu.memory_space<hbm>>)
      tpu.yield
    }) : () -> ()
    %mul3A_38 = arith.constant 632 : i32
    %mul3A_39 = arith.muli %arg1, %mul3A_38 : i32
    %add3A_40 = arith.constant 256 : i32
    %add3A_41 = arith.addi %mul3A_39, %add3A_40 : i32
    %multiple_of3A_42 = tpu.assume_multiple %add3A_41, 8 : i32
    %mul3A_43 = arith.constant 10112 : i32
    %mul3A_44 = arith.muli %arg0, %mul3A_43 : i32
    %mul3A_45 = arith.constant 632 : i32
    %mul3A_46 = arith.muli %arg1, %mul3A_45 : i32
    %add3A_47 = arith.addi %mul3A_44, %mul3A_46 : i32
    %add3A_48 = arith.constant 256 : i32
    %add3A_49 = arith.addi %add3A_47, %add3A_48 : i32
    %multiple_of3A_50 = tpu.assume_multiple %add3A_49, 8 : i32
    "tpu.region"() ({
      %run_scoped3A = tpu.sem_alloc : memref<!tpu.dma_semaphore, #tpu.memory_space<semaphore_mem>>
      %dma_start3A = arith.constant 0 : i32
      %dma_start3A_77 = arith.constant 0 : i32
      %dma_start3A_78 = tpu.memref_slice %arg9[%dma_start3A, %dma_start3A_77] : memref<128x160xbf16, #tpu.memory_space<vmem>> -> memref<128x160xbf16, #tpu.memory_space<vmem>>
      %dma_start3A_79 = arith.constant 0 : i32
      %dma_start3A_80 = tpu.memref_slice %arg12[%multiple_of3A_42, %dma_start3A_79] : memref<10112x160xbf16, #tpu.memory_space<vmem_shared>> -> memref<128x160xbf16, #tpu.memory_space<vmem_shared>>
      %dma_start3A_81 = arith.constant 0 : i32
      %dma_start3A_82 = arith.constant 0 : i32
      %dma_start3A_83 = tpu.memref_slice %arg9[%dma_start3A_81, %dma_start3A_82] : memref<128x160xbf16, #tpu.memory_space<vmem>> -> memref<128x160xbf16, #tpu.memory_space<vmem>>
      %dma_start3A_84 = arith.constant 0 : i32
      %dma_start3A_85 = tpu.memref_slice %arg12[%multiple_of3A_42, %dma_start3A_84] : memref<10112x160xbf16, #tpu.memory_space<vmem_shared>> -> memref<128x160xbf16, #tpu.memory_space<vmem_shared>>
      tpu.enqueue_dma source(%dma_start3A_85 : memref<128x160xbf16, #tpu.memory_space<vmem_shared>>) target(%dma_start3A_83 : memref<128x160xbf16, #tpu.memory_space<vmem>>) target_semaphore(%run_scoped3A : memref<!tpu.dma_semaphore, #tpu.memory_space<semaphore_mem>>)
      %dma_wait3A = arith.constant 0 : i32
      %dma_wait3A_86 = arith.constant 0 : i32
      %dma_wait3A_87 = tpu.memref_slice %arg9[%dma_wait3A, %dma_wait3A_86] : memref<128x160xbf16, #tpu.memory_space<vmem>> -> memref<128x160xbf16, #tpu.memory_space<vmem>>
      %dma_wait3A_88 = arith.constant 0 : i32
      %dma_wait3A_89 = tpu.memref_slice %arg12[%multiple_of3A_42, %dma_wait3A_88] : memref<10112x160xbf16, #tpu.memory_space<vmem_shared>> -> memref<128x160xbf16, #tpu.memory_space<vmem_shared>>
      %dma_wait3A_90 = arith.constant 0 : i32
      %dma_wait3A_91 = arith.constant 0 : i32
      %dma_wait3A_92 = tpu.memref_slice %arg9[%dma_wait3A_90, %dma_wait3A_91] : memref<128x160xbf16, #tpu.memory_space<vmem>> -> memref<128x160xbf16, #tpu.memory_space<vmem>>
      %dma_wait3A_93 = arith.constant 0 : i32
      %dma_wait3A_94 = tpu.memref_slice %arg12[%multiple_of3A_42, %dma_wait3A_93] : memref<10112x160xbf16, #tpu.memory_space<vmem_shared>> -> memref<128x160xbf16, #tpu.memory_space<vmem_shared>>
      tpu.wait_dma2 semaphore(%run_scoped3A : memref<!tpu.dma_semaphore, #tpu.memory_space<semaphore_mem>>) src(%dma_wait3A_94 : memref<128x160xbf16, #tpu.memory_space<vmem_shared>>) dst(%dma_wait3A_92 : memref<128x160xbf16, #tpu.memory_space<vmem>>)
      tpu.yield
    }) : () -> ()
    "tpu.region"() ({
      %run_scoped3A = tpu.sem_alloc : memref<!tpu.dma_semaphore, #tpu.memory_space<semaphore_mem>>
      %dma_start3A = arith.constant 0 : i32
      %dma_start3A_77 = arith.constant 0 : i32
      %dma_start3A_78 = tpu.memref_slice %arg9[%dma_start3A, %dma_start3A_77] : memref<128x160xbf16, #tpu.memory_space<vmem>> -> memref<128x160xbf16, #tpu.memory_space<vmem>>
      %dma_start3A_79 = arith.constant 0 : i32
      %dma_start3A_80 = tpu.memref_slice %arg6[%multiple_of3A_50, %dma_start3A_79] : memref<20224x160xbf16, #tpu.memory_space<hbm>> -> memref<128x160xbf16, #tpu.memory_space<hbm>>
      %dma_start3A_81 = arith.constant 0 : i32
      %dma_start3A_82 = tpu.memref_slice %arg6[%multiple_of3A_50, %dma_start3A_81] : memref<20224x160xbf16, #tpu.memory_space<hbm>> -> memref<128x160xbf16, #tpu.memory_space<hbm>>
      %dma_start3A_83 = arith.constant 0 : i32
      %dma_start3A_84 = arith.constant 0 : i32
      %dma_start3A_85 = tpu.memref_slice %arg9[%dma_start3A_83, %dma_start3A_84] : memref<128x160xbf16, #tpu.memory_space<vmem>> -> memref<128x160xbf16, #tpu.memory_space<vmem>>
      tpu.enqueue_dma source(%dma_start3A_85 : memref<128x160xbf16, #tpu.memory_space<vmem>>) target(%dma_start3A_82 : memref<128x160xbf16, #tpu.memory_space<hbm>>) target_semaphore(%run_scoped3A : memref<!tpu.dma_semaphore, #tpu.memory_space<semaphore_mem>>)
      %dma_wait3A = arith.constant 0 : i32
      %dma_wait3A_86 = arith.constant 0 : i32
      %dma_wait3A_87 = tpu.memref_slice %arg9[%dma_wait3A, %dma_wait3A_86] : memref<128x160xbf16, #tpu.memory_space<vmem>> -> memref<128x160xbf16, #tpu.memory_space<vmem>>
      %dma_wait3A_88 = arith.constant 0 : i32
      %dma_wait3A_89 = tpu.memref_slice %arg6[%multiple_of3A_50, %dma_wait3A_88] : memref<20224x160xbf16, #tpu.memory_space<hbm>> -> memref<128x160xbf16, #tpu.memory_space<hbm>>
      %dma_wait3A_90 = arith.constant 0 : i32
      %dma_wait3A_91 = tpu.memref_slice %arg6[%multiple_of3A_50, %dma_wait3A_90] : memref<20224x160xbf16, #tpu.memory_space<hbm>> -> memref<128x160xbf16, #tpu.memory_space<hbm>>
      %dma_wait3A_92 = arith.constant 0 : i32
      %dma_wait3A_93 = arith.constant 0 : i32
      %dma_wait3A_94 = tpu.memref_slice %arg9[%dma_wait3A_92, %dma_wait3A_93] : memref<128x160xbf16, #tpu.memory_space<vmem>> -> memref<128x160xbf16, #tpu.memory_space<vmem>>
      tpu.wait_dma2 semaphore(%run_scoped3A : memref<!tpu.dma_semaphore, #tpu.memory_space<semaphore_mem>>) src(%dma_wait3A_94 : memref<128x160xbf16, #tpu.memory_space<vmem>>) dst(%dma_wait3A_91 : memref<128x160xbf16, #tpu.memory_space<hbm>>)
      tpu.yield
    }) : () -> ()
    %mul3A_51 = arith.constant 632 : i32
    %mul3A_52 = arith.muli %arg1, %mul3A_51 : i32
    %add3A_53 = arith.constant 384 : i32
    %add3A_54 = arith.addi %mul3A_52, %add3A_53 : i32
    %multiple_of3A_55 = tpu.assume_multiple %add3A_54, 8 : i32
    %mul3A_56 = arith.constant 10112 : i32
    %mul3A_57 = arith.muli %arg0, %mul3A_56 : i32
    %mul3A_58 = arith.constant 632 : i32
    %mul3A_59 = arith.muli %arg1, %mul3A_58 : i32
    %add3A_60 = arith.addi %mul3A_57, %mul3A_59 : i32
    %add3A_61 = arith.constant 384 : i32
    %add3A_62 = arith.addi %add3A_60, %add3A_61 : i32
    %multiple_of3A_63 = tpu.assume_multiple %add3A_62, 8 : i32
    "tpu.region"() ({
      %run_scoped3A = tpu.sem_alloc : memref<!tpu.dma_semaphore, #tpu.memory_space<semaphore_mem>>
      %dma_start3A = arith.constant 0 : i32
      %dma_start3A_77 = arith.constant 0 : i32
      %dma_start3A_78 = tpu.memref_slice %arg10[%dma_start3A, %dma_start3A_77] : memref<128x160xbf16, #tpu.memory_space<vmem>> -> memref<128x160xbf16, #tpu.memory_space<vmem>>
      %dma_start3A_79 = arith.constant 0 : i32
      %dma_start3A_80 = tpu.memref_slice %arg12[%multiple_of3A_55, %dma_start3A_79] : memref<10112x160xbf16, #tpu.memory_space<vmem_shared>> -> memref<128x160xbf16, #tpu.memory_space<vmem_shared>>
      %dma_start3A_81 = arith.constant 0 : i32
      %dma_start3A_82 = arith.constant 0 : i32
      %dma_start3A_83 = tpu.memref_slice %arg10[%dma_start3A_81, %dma_start3A_82] : memref<128x160xbf16, #tpu.memory_space<vmem>> -> memref<128x160xbf16, #tpu.memory_space<vmem>>
      %dma_start3A_84 = arith.constant 0 : i32
      %dma_start3A_85 = tpu.memref_slice %arg12[%multiple_of3A_55, %dma_start3A_84] : memref<10112x160xbf16, #tpu.memory_space<vmem_shared>> -> memref<128x160xbf16, #tpu.memory_space<vmem_shared>>
      tpu.enqueue_dma source(%dma_start3A_85 : memref<128x160xbf16, #tpu.memory_space<vmem_shared>>) target(%dma_start3A_83 : memref<128x160xbf16, #tpu.memory_space<vmem>>) target_semaphore(%run_scoped3A : memref<!tpu.dma_semaphore, #tpu.memory_space<semaphore_mem>>)
      %dma_wait3A = arith.constant 0 : i32
      %dma_wait3A_86 = arith.constant 0 : i32
      %dma_wait3A_87 = tpu.memref_slice %arg10[%dma_wait3A, %dma_wait3A_86] : memref<128x160xbf16, #tpu.memory_space<vmem>> -> memref<128x160xbf16, #tpu.memory_space<vmem>>
      %dma_wait3A_88 = arith.constant 0 : i32
      %dma_wait3A_89 = tpu.memref_slice %arg12[%multiple_of3A_55, %dma_wait3A_88] : memref<10112x160xbf16, #tpu.memory_space<vmem_shared>> -> memref<128x160xbf16, #tpu.memory_space<vmem_shared>>
      %dma_wait3A_90 = arith.constant 0 : i32
      %dma_wait3A_91 = arith.constant 0 : i32
      %dma_wait3A_92 = tpu.memref_slice %arg10[%dma_wait3A_90, %dma_wait3A_91] : memref<128x160xbf16, #tpu.memory_space<vmem>> -> memref<128x160xbf16, #tpu.memory_space<vmem>>
      %dma_wait3A_93 = arith.constant 0 : i32
      %dma_wait3A_94 = tpu.memref_slice %arg12[%multiple_of3A_55, %dma_wait3A_93] : memref<10112x160xbf16, #tpu.memory_space<vmem_shared>> -> memref<128x160xbf16, #tpu.memory_space<vmem_shared>>
      tpu.wait_dma2 semaphore(%run_scoped3A : memref<!tpu.dma_semaphore, #tpu.memory_space<semaphore_mem>>) src(%dma_wait3A_94 : memref<128x160xbf16, #tpu.memory_space<vmem_shared>>) dst(%dma_wait3A_92 : memref<128x160xbf16, #tpu.memory_space<vmem>>)
      tpu.yield
    }) : () -> ()
    "tpu.region"() ({
      %run_scoped3A = tpu.sem_alloc : memref<!tpu.dma_semaphore, #tpu.memory_space<semaphore_mem>>
      %dma_start3A = arith.constant 0 : i32
      %dma_start3A_77 = arith.constant 0 : i32
      %dma_start3A_78 = tpu.memref_slice %arg10[%dma_start3A, %dma_start3A_77] : memref<128x160xbf16, #tpu.memory_space<vmem>> -> memref<128x160xbf16, #tpu.memory_space<vmem>>
      %dma_start3A_79 = arith.constant 0 : i32
      %dma_start3A_80 = tpu.memref_slice %arg6[%multiple_of3A_63, %dma_start3A_79] : memref<20224x160xbf16, #tpu.memory_space<hbm>> -> memref<128x160xbf16, #tpu.memory_space<hbm>>
      %dma_start3A_81 = arith.constant 0 : i32
      %dma_start3A_82 = tpu.memref_slice %arg6[%multiple_of3A_63, %dma_start3A_81] : memref<20224x160xbf16, #tpu.memory_space<hbm>> -> memref<128x160xbf16, #tpu.memory_space<hbm>>
      %dma_start3A_83 = arith.constant 0 : i32
      %dma_start3A_84 = arith.constant 0 : i32
      %dma_start3A_85 = tpu.memref_slice %arg10[%dma_start3A_83, %dma_start3A_84] : memref<128x160xbf16, #tpu.memory_space<vmem>> -> memref<128x160xbf16, #tpu.memory_space<vmem>>
      tpu.enqueue_dma source(%dma_start3A_85 : memref<128x160xbf16, #tpu.memory_space<vmem>>) target(%dma_start3A_82 : memref<128x160xbf16, #tpu.memory_space<hbm>>) target_semaphore(%run_scoped3A : memref<!tpu.dma_semaphore, #tpu.memory_space<semaphore_mem>>)
      %dma_wait3A = arith.constant 0 : i32
      %dma_wait3A_86 = arith.constant 0 : i32
      %dma_wait3A_87 = tpu.memref_slice %arg10[%dma_wait3A, %dma_wait3A_86] : memref<128x160xbf16, #tpu.memory_space<vmem>> -> memref<128x160xbf16, #tpu.memory_space<vmem>>
      %dma_wait3A_88 = arith.constant 0 : i32
      %dma_wait3A_89 = tpu.memref_slice %arg6[%multiple_of3A_63, %dma_wait3A_88] : memref<20224x160xbf16, #tpu.memory_space<hbm>> -> memref<128x160xbf16, #tpu.memory_space<hbm>>
      %dma_wait3A_90 = arith.constant 0 : i32
      %dma_wait3A_91 = tpu.memref_slice %arg6[%multiple_of3A_63, %dma_wait3A_90] : memref<20224x160xbf16, #tpu.memory_space<hbm>> -> memref<128x160xbf16, #tpu.memory_space<hbm>>
      %dma_wait3A_92 = arith.constant 0 : i32
      %dma_wait3A_93 = arith.constant 0 : i32
      %dma_wait3A_94 = tpu.memref_slice %arg10[%dma_wait3A_92, %dma_wait3A_93] : memref<128x160xbf16, #tpu.memory_space<vmem>> -> memref<128x160xbf16, #tpu.memory_space<vmem>>
      tpu.wait_dma2 semaphore(%run_scoped3A : memref<!tpu.dma_semaphore, #tpu.memory_space<semaphore_mem>>) src(%dma_wait3A_94 : memref<128x160xbf16, #tpu.memory_space<vmem>>) dst(%dma_wait3A_91 : memref<128x160xbf16, #tpu.memory_space<hbm>>)
      tpu.yield
    }) : () -> ()
    %mul3A_64 = arith.constant 632 : i32
    %mul3A_65 = arith.muli %arg1, %mul3A_64 : i32
    %add3A_66 = arith.constant 512 : i32
    %add3A_67 = arith.addi %mul3A_65, %add3A_66 : i32
    %multiple_of3A_68 = tpu.assume_multiple %add3A_67, 8 : i32
    %mul3A_69 = arith.constant 10112 : i32
    %mul3A_70 = arith.muli %arg0, %mul3A_69 : i32
    %mul3A_71 = arith.constant 632 : i32
    %mul3A_72 = arith.muli %arg1, %mul3A_71 : i32
    %add3A_73 = arith.addi %mul3A_70, %mul3A_72 : i32
    %add3A_74 = arith.constant 512 : i32
    %add3A_75 = arith.addi %add3A_73, %add3A_74 : i32
    %multiple_of3A_76 = tpu.assume_multiple %add3A_75, 8 : i32
    "tpu.region"() ({
      %run_scoped3A = tpu.sem_alloc : memref<!tpu.dma_semaphore, #tpu.memory_space<semaphore_mem>>
      %dma_start3A = arith.constant 0 : i32
      %dma_start3A_77 = arith.constant 0 : i32
      %dma_start3A_78 = tpu.memref_slice %arg9[%dma_start3A, %dma_start3A_77] : memref<128x160xbf16, #tpu.memory_space<vmem>> -> memref<120x160xbf16, #tpu.memory_space<vmem>>
      %dma_start3A_79 = arith.constant 0 : i32
      %dma_start3A_80 = tpu.memref_slice %arg12[%multiple_of3A_68, %dma_start3A_79] : memref<10112x160xbf16, #tpu.memory_space<vmem_shared>> -> memref<120x160xbf16, #tpu.memory_space<vmem_shared>>
      %dma_start3A_81 = arith.constant 0 : i32
      %dma_start3A_82 = arith.constant 0 : i32
      %dma_start3A_83 = tpu.memref_slice %arg9[%dma_start3A_81, %dma_start3A_82] : memref<128x160xbf16, #tpu.memory_space<vmem>> -> memref<120x160xbf16, #tpu.memory_space<vmem>>
      %dma_start3A_84 = arith.constant 0 : i32
      %dma_start3A_85 = tpu.memref_slice %arg12[%multiple_of3A_68, %dma_start3A_84] : memref<10112x160xbf16, #tpu.memory_space<vmem_shared>> -> memref<120x160xbf16, #tpu.memory_space<vmem_shared>>
      tpu.enqueue_dma source(%dma_start3A_85 : memref<120x160xbf16, #tpu.memory_space<vmem_shared>>) target(%dma_start3A_83 : memref<120x160xbf16, #tpu.memory_space<vmem>>) target_semaphore(%run_scoped3A : memref<!tpu.dma_semaphore, #tpu.memory_space<semaphore_mem>>)
      %dma_wait3A = arith.constant 0 : i32
      %dma_wait3A_86 = arith.constant 0 : i32
      %dma_wait3A_87 = tpu.memref_slice %arg9[%dma_wait3A, %dma_wait3A_86] : memref<128x160xbf16, #tpu.memory_space<vmem>> -> memref<120x160xbf16, #tpu.memory_space<vmem>>
      %dma_wait3A_88 = arith.constant 0 : i32
      %dma_wait3A_89 = tpu.memref_slice %arg12[%multiple_of3A_68, %dma_wait3A_88] : memref<10112x160xbf16, #tpu.memory_space<vmem_shared>> -> memref<120x160xbf16, #tpu.memory_space<vmem_shared>>
      %dma_wait3A_90 = arith.constant 0 : i32
      %dma_wait3A_91 = arith.constant 0 : i32
      %dma_wait3A_92 = tpu.memref_slice %arg9[%dma_wait3A_90, %dma_wait3A_91] : memref<128x160xbf16, #tpu.memory_space<vmem>> -> memref<120x160xbf16, #tpu.memory_space<vmem>>
      %dma_wait3A_93 = arith.constant 0 : i32
      %dma_wait3A_94 = tpu.memref_slice %arg12[%multiple_of3A_68, %dma_wait3A_93] : memref<10112x160xbf16, #tpu.memory_space<vmem_shared>> -> memref<120x160xbf16, #tpu.memory_space<vmem_shared>>
      tpu.wait_dma2 semaphore(%run_scoped3A : memref<!tpu.dma_semaphore, #tpu.memory_space<semaphore_mem>>) src(%dma_wait3A_94 : memref<120x160xbf16, #tpu.memory_space<vmem_shared>>) dst(%dma_wait3A_92 : memref<120x160xbf16, #tpu.memory_space<vmem>>)
      tpu.yield
    }) : () -> ()
    "tpu.region"() ({
      %run_scoped3A = tpu.sem_alloc : memref<!tpu.dma_semaphore, #tpu.memory_space<semaphore_mem>>
      %dma_start3A = arith.constant 0 : i32
      %dma_start3A_77 = arith.constant 0 : i32
      %dma_start3A_78 = tpu.memref_slice %arg9[%dma_start3A, %dma_start3A_77] : memref<128x160xbf16, #tpu.memory_space<vmem>> -> memref<120x160xbf16, #tpu.memory_space<vmem>>
      %dma_start3A_79 = arith.constant 0 : i32
      %dma_start3A_80 = tpu.memref_slice %arg6[%multiple_of3A_76, %dma_start3A_79] : memref<20224x160xbf16, #tpu.memory_space<hbm>> -> memref<120x160xbf16, #tpu.memory_space<hbm>>
      %dma_start3A_81 = arith.constant 0 : i32
      %dma_start3A_82 = tpu.memref_slice %arg6[%multiple_of3A_76, %dma_start3A_81] : memref<20224x160xbf16, #tpu.memory_space<hbm>> -> memref<120x160xbf16, #tpu.memory_space<hbm>>
      %dma_start3A_83 = arith.constant 0 : i32
      %dma_start3A_84 = arith.constant 0 : i32
      %dma_start3A_85 = tpu.memref_slice %arg9[%dma_start3A_83, %dma_start3A_84] : memref<128x160xbf16, #tpu.memory_space<vmem>> -> memref<120x160xbf16, #tpu.memory_space<vmem>>
      tpu.enqueue_dma source(%dma_start3A_85 : memref<120x160xbf16, #tpu.memory_space<vmem>>) target(%dma_start3A_82 : memref<120x160xbf16, #tpu.memory_space<hbm>>) target_semaphore(%run_scoped3A : memref<!tpu.dma_semaphore, #tpu.memory_space<semaphore_mem>>)
      %dma_wait3A = arith.constant 0 : i32
      %dma_wait3A_86 = arith.constant 0 : i32
      %dma_wait3A_87 = tpu.memref_slice %arg9[%dma_wait3A, %dma_wait3A_86] : memref<128x160xbf16, #tpu.memory_space<vmem>> -> memref<120x160xbf16, #tpu.memory_space<vmem>>
      %dma_wait3A_88 = arith.constant 0 : i32
      %dma_wait3A_89 = tpu.memref_slice %arg6[%multiple_of3A_76, %dma_wait3A_88] : memref<20224x160xbf16, #tpu.memory_space<hbm>> -> memref<120x160xbf16, #tpu.memory_space<hbm>>
      %dma_wait3A_90 = arith.constant 0 : i32
      %dma_wait3A_91 = tpu.memref_slice %arg6[%multiple_of3A_76, %dma_wait3A_90] : memref<20224x160xbf16, #tpu.memory_space<hbm>> -> memref<120x160xbf16, #tpu.memory_space<hbm>>
      %dma_wait3A_92 = arith.constant 0 : i32
      %dma_wait3A_93 = arith.constant 0 : i32
      %dma_wait3A_94 = tpu.memref_slice %arg9[%dma_wait3A_92, %dma_wait3A_93] : memref<128x160xbf16, #tpu.memory_space<vmem>> -> memref<120x160xbf16, #tpu.memory_space<vmem>>
      tpu.wait_dma2 semaphore(%run_scoped3A : memref<!tpu.dma_semaphore, #tpu.memory_space<semaphore_mem>>) src(%dma_wait3A_94 : memref<120x160xbf16, #tpu.memory_space<vmem>>) dst(%dma_wait3A_91 : memref<120x160xbf16, #tpu.memory_space<hbm>>)
      tpu.yield
    }) : () -> ()
    return
  }
}

#map = affine_map<(d0, d1) -> (0, 0)>
#map1 = affine_map<(d0, d1) -> (0)>
module attributes {stable_mosaic.version = 14 : i64} {
  func.func @_agg_kernel_body(%arg0: i32, %arg1: i32, %arg2: memref<20224x160xbf16, #tpu.memory_space<hbm>>, %arg3: memref<5120x128xi32, #tpu.memory_space<hbm>>, %arg4: memref<5120x128xi32, #tpu.memory_space<hbm>>, %arg5: memref<10112x160xbf16, #tpu.memory_space<hbm>>, %arg6: memref<4096xi32, #tpu.memory_space<hbm>>, %arg7: memref<4096x160xbf16, #tpu.memory_space<hbm>>, %arg8: memref<8x128xi32, #tpu.memory_space<vmem>>, %arg9: memref<8x128xi32, #tpu.memory_space<vmem>>, %arg10: memref<128x160xbf16, #tpu.memory_space<vmem>>, %arg11: memref<128x160xbf16, #tpu.memory_space<vmem>>, %arg12: memref<10112x160xbf16, #tpu.memory_space<vmem_shared>>, %arg13: memref<10112x160xbf16, #tpu.memory_space<vmem_shared>>, %arg14: memref<!tpu.dma_semaphore, #tpu.memory_space<semaphore_mem>>, %arg15: memref<!tpu.dma_semaphore, #tpu.memory_space<semaphore_mem>>) attributes {dimension_semantics = [#tpu.dimension_semantics<core_parallel>, #tpu.dimension_semantics<subcore_parallel>], iteration_bounds = array<i64: 2, 16>, scalar_prefetch = 0 : i64, scratch_operands = 8 : i64, tpu.core_type = #tpu.core_type<sc_vector_subcore>, window_params = [{transform_indices = #map}, {transform_indices = #map}, {transform_indices = #map}, {transform_indices = #map}, {transform_indices = #map1}, {transform_indices = #map}]} {
    %mul3A = arith.constant 632 : i32
    %mul3A_0 = arith.muli %arg1, %mul3A : i32
    %multiple_of3A = tpu.assume_multiple %mul3A_0, 8 : i32
    %mul3A_1 = arith.constant 10112 : i32
    %mul3A_2 = arith.muli %arg0, %mul3A_1 : i32
    %mul3A_3 = arith.constant 632 : i32
    %mul3A_4 = arith.muli %arg1, %mul3A_3 : i32
    %add3A = arith.addi %mul3A_2, %mul3A_4 : i32
    %multiple_of3A_5 = tpu.assume_multiple %add3A, 8 : i32
    "tpu.region"() ({
      %run_scoped3A_30 = tpu.sem_alloc : memref<!tpu.dma_semaphore, #tpu.memory_space<semaphore_mem>>
      %dma_start3A_31 = arith.constant 0 : i32
      %dma_start3A_32 = tpu.memref_slice %arg12[%multiple_of3A, %dma_start3A_31] : memref<10112x160xbf16, #tpu.memory_space<vmem_shared>> -> memref<632x160xbf16, #tpu.memory_space<vmem_shared>>
      %dma_start3A_33 = arith.constant 0 : i32
      %dma_start3A_34 = tpu.memref_slice %arg2[%multiple_of3A_5, %dma_start3A_33] : memref<20224x160xbf16, #tpu.memory_space<hbm>> -> memref<632x160xbf16, #tpu.memory_space<hbm>>
      tpu.enqueue_dma source(%dma_start3A_34 : memref<632x160xbf16, #tpu.memory_space<hbm>>) target(%dma_start3A_32 : memref<632x160xbf16, #tpu.memory_space<vmem_shared>>) target_semaphore(%run_scoped3A_30 : memref<!tpu.dma_semaphore, #tpu.memory_space<semaphore_mem>>)
      %dma_wait3A_35 = arith.constant 0 : i32
      %dma_wait3A_36 = tpu.memref_slice %arg12[%multiple_of3A, %dma_wait3A_35] : memref<10112x160xbf16, #tpu.memory_space<vmem_shared>> -> memref<632x160xbf16, #tpu.memory_space<vmem_shared>>
      %dma_wait3A_37 = arith.constant 0 : i32
      %dma_wait3A_38 = tpu.memref_slice %arg2[%multiple_of3A_5, %dma_wait3A_37] : memref<20224x160xbf16, #tpu.memory_space<hbm>> -> memref<632x160xbf16, #tpu.memory_space<hbm>>
      tpu.wait_dma2 semaphore(%run_scoped3A_30 : memref<!tpu.dma_semaphore, #tpu.memory_space<semaphore_mem>>) src(%dma_wait3A_38 : memref<632x160xbf16, #tpu.memory_space<hbm>>) dst(%dma_wait3A_36 : memref<632x160xbf16, #tpu.memory_space<vmem_shared>>)
      tpu.yield
    }) : () -> ()
    "tpu.region"() ({
      %run_scoped3A_30 = tpu.sem_alloc : memref<!tpu.dma_semaphore, #tpu.memory_space<semaphore_mem>>
      %dma_start3A_31 = arith.constant 0 : i32
      %dma_start3A_32 = tpu.memref_slice %arg13[%multiple_of3A, %dma_start3A_31] : memref<10112x160xbf16, #tpu.memory_space<vmem_shared>> -> memref<632x160xbf16, #tpu.memory_space<vmem_shared>>
      %dma_start3A_33 = arith.constant 0 : i32
      %dma_start3A_34 = tpu.memref_slice %arg5[%multiple_of3A, %dma_start3A_33] : memref<10112x160xbf16, #tpu.memory_space<hbm>> -> memref<632x160xbf16, #tpu.memory_space<hbm>>
      tpu.enqueue_dma source(%dma_start3A_34 : memref<632x160xbf16, #tpu.memory_space<hbm>>) target(%dma_start3A_32 : memref<632x160xbf16, #tpu.memory_space<vmem_shared>>) target_semaphore(%run_scoped3A_30 : memref<!tpu.dma_semaphore, #tpu.memory_space<semaphore_mem>>)
      %dma_wait3A_35 = arith.constant 0 : i32
      %dma_wait3A_36 = tpu.memref_slice %arg13[%multiple_of3A, %dma_wait3A_35] : memref<10112x160xbf16, #tpu.memory_space<vmem_shared>> -> memref<632x160xbf16, #tpu.memory_space<vmem_shared>>
      %dma_wait3A_37 = arith.constant 0 : i32
      %dma_wait3A_38 = tpu.memref_slice %arg5[%multiple_of3A, %dma_wait3A_37] : memref<10112x160xbf16, #tpu.memory_space<hbm>> -> memref<632x160xbf16, #tpu.memory_space<hbm>>
      tpu.wait_dma2 semaphore(%run_scoped3A_30 : memref<!tpu.dma_semaphore, #tpu.memory_space<semaphore_mem>>) src(%dma_wait3A_38 : memref<632x160xbf16, #tpu.memory_space<hbm>>) dst(%dma_wait3A_36 : memref<632x160xbf16, #tpu.memory_space<vmem_shared>>)
      tpu.yield
    }) : () -> ()
    %barrier3A = arith.constant 0 : index
    tpu.barrier barrier_id(%barrier3A)
    %scan3A = arith.constant 0 : i32
    %scan3A_6 = arith.constant 0 : i32
    %scan3A_7 = arith.constant 20 : i32
    %scan3A_8 = arith.addi %scan3A_6, %scan3A_7 : i32
    %scan3A_9 = arith.constant 1 : i32
    scf.for %scan3A_30 = %scan3A_6 to %scan3A_8 step %scan3A_9  : i32 {
      %mul3A_31 = arith.constant 2560 : i32
      %mul3A_32 = arith.muli %arg0, %mul3A_31 : i32
      %mul3A_33 = arith.constant 160 : i32
      %mul3A_34 = arith.muli %arg1, %mul3A_33 : i32
      %add3A_35 = arith.addi %mul3A_32, %mul3A_34 : i32
      %mul3A_36 = arith.constant 8 : i32
      %mul3A_37 = arith.muli %scan3A_30, %mul3A_36 : i32
      %add3A_38 = arith.addi %add3A_35, %mul3A_37 : i32
      %multiple_of3A_39 = tpu.assume_multiple %add3A_38, 8 : i32
      "tpu.region"() ({
        %run_scoped3A_160 = tpu.sem_alloc : memref<!tpu.dma_semaphore, #tpu.memory_space<semaphore_mem>>
        %dma_start3A_161 = arith.constant 0 : i32
        %dma_start3A_162 = tpu.memref_slice %arg3[%multiple_of3A_39, %dma_start3A_161] : memref<5120x128xi32, #tpu.memory_space<hbm>> -> memref<8x128xi32, #tpu.memory_space<hbm>>
        %dma_start3A_163 = arith.constant 0 : i32
        %dma_start3A_164 = tpu.memref_slice %arg3[%multiple_of3A_39, %dma_start3A_163] : memref<5120x128xi32, #tpu.memory_space<hbm>> -> memref<8x128xi32, #tpu.memory_space<hbm>>
        tpu.enqueue_dma source(%dma_start3A_164 : memref<8x128xi32, #tpu.memory_space<hbm>>) target(%arg8 : memref<8x128xi32, #tpu.memory_space<vmem>>) target_semaphore(%run_scoped3A_160 : memref<!tpu.dma_semaphore, #tpu.memory_space<semaphore_mem>>)
        %dma_wait3A_165 = arith.constant 0 : i32
        %dma_wait3A_166 = tpu.memref_slice %arg3[%multiple_of3A_39, %dma_wait3A_165] : memref<5120x128xi32, #tpu.memory_space<hbm>> -> memref<8x128xi32, #tpu.memory_space<hbm>>
        %dma_wait3A_167 = arith.constant 0 : i32
        %dma_wait3A_168 = tpu.memref_slice %arg3[%multiple_of3A_39, %dma_wait3A_167] : memref<5120x128xi32, #tpu.memory_space<hbm>> -> memref<8x128xi32, #tpu.memory_space<hbm>>
        tpu.wait_dma2 semaphore(%run_scoped3A_160 : memref<!tpu.dma_semaphore, #tpu.memory_space<semaphore_mem>>) src(%dma_wait3A_168 : memref<8x128xi32, #tpu.memory_space<hbm>>) dst(%arg8 : memref<8x128xi32, #tpu.memory_space<vmem>>)
        tpu.yield
      }) : () -> ()
      "tpu.region"() ({
        %run_scoped3A_160 = tpu.sem_alloc : memref<!tpu.dma_semaphore, #tpu.memory_space<semaphore_mem>>
        %dma_start3A_161 = arith.constant 0 : i32
        %dma_start3A_162 = tpu.memref_slice %arg4[%multiple_of3A_39, %dma_start3A_161] : memref<5120x128xi32, #tpu.memory_space<hbm>> -> memref<8x128xi32, #tpu.memory_space<hbm>>
        %dma_start3A_163 = arith.constant 0 : i32
        %dma_start3A_164 = tpu.memref_slice %arg4[%multiple_of3A_39, %dma_start3A_163] : memref<5120x128xi32, #tpu.memory_space<hbm>> -> memref<8x128xi32, #tpu.memory_space<hbm>>
        tpu.enqueue_dma source(%dma_start3A_164 : memref<8x128xi32, #tpu.memory_space<hbm>>) target(%arg9 : memref<8x128xi32, #tpu.memory_space<vmem>>) target_semaphore(%run_scoped3A_160 : memref<!tpu.dma_semaphore, #tpu.memory_space<semaphore_mem>>)
        %dma_wait3A_165 = arith.constant 0 : i32
        %dma_wait3A_166 = tpu.memref_slice %arg4[%multiple_of3A_39, %dma_wait3A_165] : memref<5120x128xi32, #tpu.memory_space<hbm>> -> memref<8x128xi32, #tpu.memory_space<hbm>>
        %dma_wait3A_167 = arith.constant 0 : i32
        %dma_wait3A_168 = tpu.memref_slice %arg4[%multiple_of3A_39, %dma_wait3A_167] : memref<5120x128xi32, #tpu.memory_space<hbm>> -> memref<8x128xi32, #tpu.memory_space<hbm>>
        tpu.wait_dma2 semaphore(%run_scoped3A_160 : memref<!tpu.dma_semaphore, #tpu.memory_space<semaphore_mem>>) src(%dma_wait3A_168 : memref<8x128xi32, #tpu.memory_space<hbm>>) dst(%arg9 : memref<8x128xi32, #tpu.memory_space<vmem>>)
        tpu.yield
      }) : () -> ()
      %dma_start3A_40 = arith.constant 0 : i32
      %dma_start3A_41 = arith.constant 0 : i32
      %dma_start3A_42 = tpu.memref_slice %arg8[%dma_start3A_40, %dma_start3A_41] : memref<8x128xi32, #tpu.memory_space<vmem>> -> memref<1x128xi32, #tpu.memory_space<vmem>>
      %dma_start3A_43 = tpu.memref_squeeze %dma_start3A_42 : memref<1x128xi32, #tpu.memory_space<vmem>> -> memref<128xi32, #tpu.memory_space<vmem>>
      %dma_start3A_44 = arith.constant 0 : i32
      %dma_start3A_45 = arith.constant 0 : i32
      %dma_start3A_46 = tpu.memref_slice %arg12[%dma_start3A_44, %dma_start3A_45] : memref<10112x160xbf16, #tpu.memory_space<vmem_shared>> -> memref<10112x160xbf16, #tpu.memory_space<vmem_shared>>
      tpu.enqueue_indirect_dma source(%dma_start3A_46 : memref<10112x160xbf16, #tpu.memory_space<vmem_shared>>) target(%arg10 : memref<128x160xbf16, #tpu.memory_space<vmem>>) offsets(%dma_start3A_43 : memref<128xi32, #tpu.memory_space<vmem>>) semaphore(%arg14 : memref<!tpu.dma_semaphore, #tpu.memory_space<semaphore_mem>>)
      %dma_start3A_47 = arith.constant 1 : i32
      %dma_start3A_48 = arith.constant 0 : i32
      %dma_start3A_49 = tpu.memref_slice %arg8[%dma_start3A_47, %dma_start3A_48] : memref<8x128xi32, #tpu.memory_space<vmem>> -> memref<1x128xi32, #tpu.memory_space<vmem>>
      %dma_start3A_50 = tpu.memref_squeeze %dma_start3A_49 : memref<1x128xi32, #tpu.memory_space<vmem>> -> memref<128xi32, #tpu.memory_space<vmem>>
      %dma_start3A_51 = arith.constant 0 : i32
      %dma_start3A_52 = arith.constant 0 : i32
      %dma_start3A_53 = tpu.memref_slice %arg12[%dma_start3A_51, %dma_start3A_52] : memref<10112x160xbf16, #tpu.memory_space<vmem_shared>> -> memref<10112x160xbf16, #tpu.memory_space<vmem_shared>>
      tpu.enqueue_indirect_dma source(%dma_start3A_53 : memref<10112x160xbf16, #tpu.memory_space<vmem_shared>>) target(%arg11 : memref<128x160xbf16, #tpu.memory_space<vmem>>) offsets(%dma_start3A_50 : memref<128xi32, #tpu.memory_space<vmem>>) semaphore(%arg15 : memref<!tpu.dma_semaphore, #tpu.memory_space<semaphore_mem>>)
      %dma_wait3A_54 = arith.constant 0 : i32
      %dma_wait3A_55 = arith.constant 0 : i32
      %dma_wait3A_56 = tpu.memref_slice %arg8[%dma_wait3A_54, %dma_wait3A_55] : memref<8x128xi32, #tpu.memory_space<vmem>> -> memref<1x128xi32, #tpu.memory_space<vmem>>
      %dma_wait3A_57 = tpu.memref_squeeze %dma_wait3A_56 : memref<1x128xi32, #tpu.memory_space<vmem>> -> memref<128xi32, #tpu.memory_space<vmem>>
      %dma_wait3A_58 = arith.constant 0 : i32
      %dma_wait3A_59 = arith.constant 0 : i32
      %dma_wait3A_60 = tpu.memref_slice %arg12[%dma_wait3A_58, %dma_wait3A_59] : memref<10112x160xbf16, #tpu.memory_space<vmem_shared>> -> memref<10112x160xbf16, #tpu.memory_space<vmem_shared>>
      tpu.wait_indirect_dma semaphore(%arg14 : memref<!tpu.dma_semaphore, #tpu.memory_space<semaphore_mem>>) src(%dma_wait3A_60 : memref<10112x160xbf16, #tpu.memory_space<vmem_shared>>) dst(%arg10 : memref<128x160xbf16, #tpu.memory_space<vmem>>)
      %run_scoped3A_61 = arith.constant 0 : i32
      "tpu.region"() ({
        %run_scoped3A_160 = tpu.sem_alloc : memref<!tpu.dma_semaphore, #tpu.memory_space<semaphore_mem>>
        %dma_start3A_161 = arith.constant 0 : i32
        %dma_start3A_162 = tpu.memref_slice %arg9[%run_scoped3A_61, %dma_start3A_161] : memref<8x128xi32, #tpu.memory_space<vmem>> -> memref<1x128xi32, #tpu.memory_space<vmem>>
        %dma_start3A_163 = tpu.memref_squeeze %dma_start3A_162 : memref<1x128xi32, #tpu.memory_space<vmem>> -> memref<128xi32, #tpu.memory_space<vmem>>
        %dma_start3A_164 = arith.constant 0 : i32
        %dma_start3A_165 = arith.constant 0 : i32
        %dma_start3A_166 = tpu.memref_slice %arg13[%dma_start3A_164, %dma_start3A_165] : memref<10112x160xbf16, #tpu.memory_space<vmem_shared>> -> memref<10112x160xbf16, #tpu.memory_space<vmem_shared>>
        tpu.enqueue_indirect_dma source(%arg10 : memref<128x160xbf16, #tpu.memory_space<vmem>>) target(%dma_start3A_166 : memref<10112x160xbf16, #tpu.memory_space<vmem_shared>>) offsets(%dma_start3A_163 : memref<128xi32, #tpu.memory_space<vmem>>) semaphore(%run_scoped3A_160 : memref<!tpu.dma_semaphore, #tpu.memory_space<semaphore_mem>>) {add = true}
        %dma_wait3A_167 = arith.constant 0 : i32
        %dma_wait3A_168 = tpu.memref_slice %arg9[%run_scoped3A_61, %dma_wait3A_167] : memref<8x128xi32, #tpu.memory_space<vmem>> -> memref<1x128xi32, #tpu.memory_space<vmem>>
        %dma_wait3A_169 = tpu.memref_squeeze %dma_wait3A_168 : memref<1x128xi32, #tpu.memory_space<vmem>> -> memref<128xi32, #tpu.memory_space<vmem>>
        %dma_wait3A_170 = arith.constant 0 : i32
        %dma_wait3A_171 = arith.constant 0 : i32
        %dma_wait3A_172 = tpu.memref_slice %arg13[%dma_wait3A_170, %dma_wait3A_171] : memref<10112x160xbf16, #tpu.memory_space<vmem_shared>> -> memref<10112x160xbf16, #tpu.memory_space<vmem_shared>>
        tpu.wait_indirect_dma semaphore(%run_scoped3A_160 : memref<!tpu.dma_semaphore, #tpu.memory_space<semaphore_mem>>) src(%arg10 : memref<128x160xbf16, #tpu.memory_space<vmem>>) dst(%dma_wait3A_172 : memref<10112x160xbf16, #tpu.memory_space<vmem_shared>>)
        tpu.yield
      }) : () -> ()
      %dma_wait3A_62 = arith.constant 1 : i32
      %dma_wait3A_63 = arith.constant 0 : i32
      %dma_wait3A_64 = tpu.memref_slice %arg8[%dma_wait3A_62, %dma_wait3A_63] : memref<8x128xi32, #tpu.memory_space<vmem>> -> memref<1x128xi32, #tpu.memory_space<vmem>>
      %dma_wait3A_65 = tpu.memref_squeeze %dma_wait3A_64 : memref<1x128xi32, #tpu.memory_space<vmem>> -> memref<128xi32, #tpu.memory_space<vmem>>
      %dma_wait3A_66 = arith.constant 0 : i32
      %dma_wait3A_67 = arith.constant 0 : i32
      %dma_wait3A_68 = tpu.memref_slice %arg12[%dma_wait3A_66, %dma_wait3A_67] : memref<10112x160xbf16, #tpu.memory_space<vmem_shared>> -> memref<10112x160xbf16, #tpu.memory_space<vmem_shared>>
      tpu.wait_indirect_dma semaphore(%arg15 : memref<!tpu.dma_semaphore, #tpu.memory_space<semaphore_mem>>) src(%dma_wait3A_68 : memref<10112x160xbf16, #tpu.memory_space<vmem_shared>>) dst(%arg11 : memref<128x160xbf16, #tpu.memory_space<vmem>>)
      %run_scoped3A_69 = arith.constant 1 : i32
      "tpu.region"() ({
        %run_scoped3A_160 = tpu.sem_alloc : memref<!tpu.dma_semaphore, #tpu.memory_space<semaphore_mem>>
        %dma_start3A_161 = arith.constant 0 : i32
        %dma_start3A_162 = tpu.memref_slice %arg9[%run_scoped3A_69, %dma_start3A_161] : memref<8x128xi32, #tpu.memory_space<vmem>> -> memref<1x128xi32, #tpu.memory_space<vmem>>
        %dma_start3A_163 = tpu.memref_squeeze %dma_start3A_162 : memref<1x128xi32, #tpu.memory_space<vmem>> -> memref<128xi32, #tpu.memory_space<vmem>>
        %dma_start3A_164 = arith.constant 0 : i32
        %dma_start3A_165 = arith.constant 0 : i32
        %dma_start3A_166 = tpu.memref_slice %arg13[%dma_start3A_164, %dma_start3A_165] : memref<10112x160xbf16, #tpu.memory_space<vmem_shared>> -> memref<10112x160xbf16, #tpu.memory_space<vmem_shared>>
        tpu.enqueue_indirect_dma source(%arg11 : memref<128x160xbf16, #tpu.memory_space<vmem>>) target(%dma_start3A_166 : memref<10112x160xbf16, #tpu.memory_space<vmem_shared>>) offsets(%dma_start3A_163 : memref<128xi32, #tpu.memory_space<vmem>>) semaphore(%run_scoped3A_160 : memref<!tpu.dma_semaphore, #tpu.memory_space<semaphore_mem>>) {add = true}
        %dma_wait3A_167 = arith.constant 0 : i32
        %dma_wait3A_168 = tpu.memref_slice %arg9[%run_scoped3A_69, %dma_wait3A_167] : memref<8x128xi32, #tpu.memory_space<vmem>> -> memref<1x128xi32, #tpu.memory_space<vmem>>
        %dma_wait3A_169 = tpu.memref_squeeze %dma_wait3A_168 : memref<1x128xi32, #tpu.memory_space<vmem>> -> memref<128xi32, #tpu.memory_space<vmem>>
        %dma_wait3A_170 = arith.constant 0 : i32
        %dma_wait3A_171 = arith.constant 0 : i32
        %dma_wait3A_172 = tpu.memref_slice %arg13[%dma_wait3A_170, %dma_wait3A_171] : memref<10112x160xbf16, #tpu.memory_space<vmem_shared>> -> memref<10112x160xbf16, #tpu.memory_space<vmem_shared>>
        tpu.wait_indirect_dma semaphore(%run_scoped3A_160 : memref<!tpu.dma_semaphore, #tpu.memory_space<semaphore_mem>>) src(%arg11 : memref<128x160xbf16, #tpu.memory_space<vmem>>) dst(%dma_wait3A_172 : memref<10112x160xbf16, #tpu.memory_space<vmem_shared>>)
        tpu.yield
      }) : () -> ()
      %dma_start3A_70 = arith.constant 2 : i32
      %dma_start3A_71 = arith.constant 0 : i32
      %dma_start3A_72 = tpu.memref_slice %arg8[%dma_start3A_70, %dma_start3A_71] : memref<8x128xi32, #tpu.memory_space<vmem>> -> memref<1x128xi32, #tpu.memory_space<vmem>>
      %dma_start3A_73 = tpu.memref_squeeze %dma_start3A_72 : memref<1x128xi32, #tpu.memory_space<vmem>> -> memref<128xi32, #tpu.memory_space<vmem>>
      %dma_start3A_74 = arith.constant 0 : i32
      %dma_start3A_75 = arith.constant 0 : i32
      %dma_start3A_76 = tpu.memref_slice %arg12[%dma_start3A_74, %dma_start3A_75] : memref<10112x160xbf16, #tpu.memory_space<vmem_shared>> -> memref<10112x160xbf16, #tpu.memory_space<vmem_shared>>
      tpu.enqueue_indirect_dma source(%dma_start3A_76 : memref<10112x160xbf16, #tpu.memory_space<vmem_shared>>) target(%arg10 : memref<128x160xbf16, #tpu.memory_space<vmem>>) offsets(%dma_start3A_73 : memref<128xi32, #tpu.memory_space<vmem>>) semaphore(%arg14 : memref<!tpu.dma_semaphore, #tpu.memory_space<semaphore_mem>>)
      %dma_start3A_77 = arith.constant 3 : i32
      %dma_start3A_78 = arith.constant 0 : i32
      %dma_start3A_79 = tpu.memref_slice %arg8[%dma_start3A_77, %dma_start3A_78] : memref<8x128xi32, #tpu.memory_space<vmem>> -> memref<1x128xi32, #tpu.memory_space<vmem>>
      %dma_start3A_80 = tpu.memref_squeeze %dma_start3A_79 : memref<1x128xi32, #tpu.memory_space<vmem>> -> memref<128xi32, #tpu.memory_space<vmem>>
      %dma_start3A_81 = arith.constant 0 : i32
      %dma_start3A_82 = arith.constant 0 : i32
      %dma_start3A_83 = tpu.memref_slice %arg12[%dma_start3A_81, %dma_start3A_82] : memref<10112x160xbf16, #tpu.memory_space<vmem_shared>> -> memref<10112x160xbf16, #tpu.memory_space<vmem_shared>>
      tpu.enqueue_indirect_dma source(%dma_start3A_83 : memref<10112x160xbf16, #tpu.memory_space<vmem_shared>>) target(%arg11 : memref<128x160xbf16, #tpu.memory_space<vmem>>) offsets(%dma_start3A_80 : memref<128xi32, #tpu.memory_space<vmem>>) semaphore(%arg15 : memref<!tpu.dma_semaphore, #tpu.memory_space<semaphore_mem>>)
      %dma_wait3A_84 = arith.constant 2 : i32
      %dma_wait3A_85 = arith.constant 0 : i32
      %dma_wait3A_86 = tpu.memref_slice %arg8[%dma_wait3A_84, %dma_wait3A_85] : memref<8x128xi32, #tpu.memory_space<vmem>> -> memref<1x128xi32, #tpu.memory_space<vmem>>
      %dma_wait3A_87 = tpu.memref_squeeze %dma_wait3A_86 : memref<1x128xi32, #tpu.memory_space<vmem>> -> memref<128xi32, #tpu.memory_space<vmem>>
      %dma_wait3A_88 = arith.constant 0 : i32
      %dma_wait3A_89 = arith.constant 0 : i32
      %dma_wait3A_90 = tpu.memref_slice %arg12[%dma_wait3A_88, %dma_wait3A_89] : memref<10112x160xbf16, #tpu.memory_space<vmem_shared>> -> memref<10112x160xbf16, #tpu.memory_space<vmem_shared>>
      tpu.wait_indirect_dma semaphore(%arg14 : memref<!tpu.dma_semaphore, #tpu.memory_space<semaphore_mem>>) src(%dma_wait3A_90 : memref<10112x160xbf16, #tpu.memory_space<vmem_shared>>) dst(%arg10 : memref<128x160xbf16, #tpu.memory_space<vmem>>)
      %run_scoped3A_91 = arith.constant 2 : i32
      "tpu.region"() ({
        %run_scoped3A_160 = tpu.sem_alloc : memref<!tpu.dma_semaphore, #tpu.memory_space<semaphore_mem>>
        %dma_start3A_161 = arith.constant 0 : i32
        %dma_start3A_162 = tpu.memref_slice %arg9[%run_scoped3A_91, %dma_start3A_161] : memref<8x128xi32, #tpu.memory_space<vmem>> -> memref<1x128xi32, #tpu.memory_space<vmem>>
        %dma_start3A_163 = tpu.memref_squeeze %dma_start3A_162 : memref<1x128xi32, #tpu.memory_space<vmem>> -> memref<128xi32, #tpu.memory_space<vmem>>
        %dma_start3A_164 = arith.constant 0 : i32
        %dma_start3A_165 = arith.constant 0 : i32
        %dma_start3A_166 = tpu.memref_slice %arg13[%dma_start3A_164, %dma_start3A_165] : memref<10112x160xbf16, #tpu.memory_space<vmem_shared>> -> memref<10112x160xbf16, #tpu.memory_space<vmem_shared>>
        tpu.enqueue_indirect_dma source(%arg10 : memref<128x160xbf16, #tpu.memory_space<vmem>>) target(%dma_start3A_166 : memref<10112x160xbf16, #tpu.memory_space<vmem_shared>>) offsets(%dma_start3A_163 : memref<128xi32, #tpu.memory_space<vmem>>) semaphore(%run_scoped3A_160 : memref<!tpu.dma_semaphore, #tpu.memory_space<semaphore_mem>>) {add = true}
        %dma_wait3A_167 = arith.constant 0 : i32
        %dma_wait3A_168 = tpu.memref_slice %arg9[%run_scoped3A_91, %dma_wait3A_167] : memref<8x128xi32, #tpu.memory_space<vmem>> -> memref<1x128xi32, #tpu.memory_space<vmem>>
        %dma_wait3A_169 = tpu.memref_squeeze %dma_wait3A_168 : memref<1x128xi32, #tpu.memory_space<vmem>> -> memref<128xi32, #tpu.memory_space<vmem>>
        %dma_wait3A_170 = arith.constant 0 : i32
        %dma_wait3A_171 = arith.constant 0 : i32
        %dma_wait3A_172 = tpu.memref_slice %arg13[%dma_wait3A_170, %dma_wait3A_171] : memref<10112x160xbf16, #tpu.memory_space<vmem_shared>> -> memref<10112x160xbf16, #tpu.memory_space<vmem_shared>>
        tpu.wait_indirect_dma semaphore(%run_scoped3A_160 : memref<!tpu.dma_semaphore, #tpu.memory_space<semaphore_mem>>) src(%arg10 : memref<128x160xbf16, #tpu.memory_space<vmem>>) dst(%dma_wait3A_172 : memref<10112x160xbf16, #tpu.memory_space<vmem_shared>>)
        tpu.yield
      }) : () -> ()
      %dma_wait3A_92 = arith.constant 3 : i32
      %dma_wait3A_93 = arith.constant 0 : i32
      %dma_wait3A_94 = tpu.memref_slice %arg8[%dma_wait3A_92, %dma_wait3A_93] : memref<8x128xi32, #tpu.memory_space<vmem>> -> memref<1x128xi32, #tpu.memory_space<vmem>>
      %dma_wait3A_95 = tpu.memref_squeeze %dma_wait3A_94 : memref<1x128xi32, #tpu.memory_space<vmem>> -> memref<128xi32, #tpu.memory_space<vmem>>
      %dma_wait3A_96 = arith.constant 0 : i32
      %dma_wait3A_97 = arith.constant 0 : i32
      %dma_wait3A_98 = tpu.memref_slice %arg12[%dma_wait3A_96, %dma_wait3A_97] : memref<10112x160xbf16, #tpu.memory_space<vmem_shared>> -> memref<10112x160xbf16, #tpu.memory_space<vmem_shared>>
      tpu.wait_indirect_dma semaphore(%arg15 : memref<!tpu.dma_semaphore, #tpu.memory_space<semaphore_mem>>) src(%dma_wait3A_98 : memref<10112x160xbf16, #tpu.memory_space<vmem_shared>>) dst(%arg11 : memref<128x160xbf16, #tpu.memory_space<vmem>>)
      %run_scoped3A_99 = arith.constant 3 : i32
      "tpu.region"() ({
        %run_scoped3A_160 = tpu.sem_alloc : memref<!tpu.dma_semaphore, #tpu.memory_space<semaphore_mem>>
        %dma_start3A_161 = arith.constant 0 : i32
        %dma_start3A_162 = tpu.memref_slice %arg9[%run_scoped3A_99, %dma_start3A_161] : memref<8x128xi32, #tpu.memory_space<vmem>> -> memref<1x128xi32, #tpu.memory_space<vmem>>
        %dma_start3A_163 = tpu.memref_squeeze %dma_start3A_162 : memref<1x128xi32, #tpu.memory_space<vmem>> -> memref<128xi32, #tpu.memory_space<vmem>>
        %dma_start3A_164 = arith.constant 0 : i32
        %dma_start3A_165 = arith.constant 0 : i32
        %dma_start3A_166 = tpu.memref_slice %arg13[%dma_start3A_164, %dma_start3A_165] : memref<10112x160xbf16, #tpu.memory_space<vmem_shared>> -> memref<10112x160xbf16, #tpu.memory_space<vmem_shared>>
        tpu.enqueue_indirect_dma source(%arg11 : memref<128x160xbf16, #tpu.memory_space<vmem>>) target(%dma_start3A_166 : memref<10112x160xbf16, #tpu.memory_space<vmem_shared>>) offsets(%dma_start3A_163 : memref<128xi32, #tpu.memory_space<vmem>>) semaphore(%run_scoped3A_160 : memref<!tpu.dma_semaphore, #tpu.memory_space<semaphore_mem>>) {add = true}
        %dma_wait3A_167 = arith.constant 0 : i32
        %dma_wait3A_168 = tpu.memref_slice %arg9[%run_scoped3A_99, %dma_wait3A_167] : memref<8x128xi32, #tpu.memory_space<vmem>> -> memref<1x128xi32, #tpu.memory_space<vmem>>
        %dma_wait3A_169 = tpu.memref_squeeze %dma_wait3A_168 : memref<1x128xi32, #tpu.memory_space<vmem>> -> memref<128xi32, #tpu.memory_space<vmem>>
        %dma_wait3A_170 = arith.constant 0 : i32
        %dma_wait3A_171 = arith.constant 0 : i32
        %dma_wait3A_172 = tpu.memref_slice %arg13[%dma_wait3A_170, %dma_wait3A_171] : memref<10112x160xbf16, #tpu.memory_space<vmem_shared>> -> memref<10112x160xbf16, #tpu.memory_space<vmem_shared>>
        tpu.wait_indirect_dma semaphore(%run_scoped3A_160 : memref<!tpu.dma_semaphore, #tpu.memory_space<semaphore_mem>>) src(%arg11 : memref<128x160xbf16, #tpu.memory_space<vmem>>) dst(%dma_wait3A_172 : memref<10112x160xbf16, #tpu.memory_space<vmem_shared>>)
        tpu.yield
      }) : () -> ()
      %dma_start3A_100 = arith.constant 4 : i32
      %dma_start3A_101 = arith.constant 0 : i32
      %dma_start3A_102 = tpu.memref_slice %arg8[%dma_start3A_100, %dma_start3A_101] : memref<8x128xi32, #tpu.memory_space<vmem>> -> memref<1x128xi32, #tpu.memory_space<vmem>>
      %dma_start3A_103 = tpu.memref_squeeze %dma_start3A_102 : memref<1x128xi32, #tpu.memory_space<vmem>> -> memref<128xi32, #tpu.memory_space<vmem>>
      %dma_start3A_104 = arith.constant 0 : i32
      %dma_start3A_105 = arith.constant 0 : i32
      %dma_start3A_106 = tpu.memref_slice %arg12[%dma_start3A_104, %dma_start3A_105] : memref<10112x160xbf16, #tpu.memory_space<vmem_shared>> -> memref<10112x160xbf16, #tpu.memory_space<vmem_shared>>
      tpu.enqueue_indirect_dma source(%dma_start3A_106 : memref<10112x160xbf16, #tpu.memory_space<vmem_shared>>) target(%arg10 : memref<128x160xbf16, #tpu.memory_space<vmem>>) offsets(%dma_start3A_103 : memref<128xi32, #tpu.memory_space<vmem>>) semaphore(%arg14 : memref<!tpu.dma_semaphore, #tpu.memory_space<semaphore_mem>>)
      %dma_start3A_107 = arith.constant 5 : i32
      %dma_start3A_108 = arith.constant 0 : i32
      %dma_start3A_109 = tpu.memref_slice %arg8[%dma_start3A_107, %dma_start3A_108] : memref<8x128xi32, #tpu.memory_space<vmem>> -> memref<1x128xi32, #tpu.memory_space<vmem>>
      %dma_start3A_110 = tpu.memref_squeeze %dma_start3A_109 : memref<1x128xi32, #tpu.memory_space<vmem>> -> memref<128xi32, #tpu.memory_space<vmem>>
      %dma_start3A_111 = arith.constant 0 : i32
      %dma_start3A_112 = arith.constant 0 : i32
      %dma_start3A_113 = tpu.memref_slice %arg12[%dma_start3A_111, %dma_start3A_112] : memref<10112x160xbf16, #tpu.memory_space<vmem_shared>> -> memref<10112x160xbf16, #tpu.memory_space<vmem_shared>>
      tpu.enqueue_indirect_dma source(%dma_start3A_113 : memref<10112x160xbf16, #tpu.memory_space<vmem_shared>>) target(%arg11 : memref<128x160xbf16, #tpu.memory_space<vmem>>) offsets(%dma_start3A_110 : memref<128xi32, #tpu.memory_space<vmem>>) semaphore(%arg15 : memref<!tpu.dma_semaphore, #tpu.memory_space<semaphore_mem>>)
      %dma_wait3A_114 = arith.constant 4 : i32
      %dma_wait3A_115 = arith.constant 0 : i32
      %dma_wait3A_116 = tpu.memref_slice %arg8[%dma_wait3A_114, %dma_wait3A_115] : memref<8x128xi32, #tpu.memory_space<vmem>> -> memref<1x128xi32, #tpu.memory_space<vmem>>
      %dma_wait3A_117 = tpu.memref_squeeze %dma_wait3A_116 : memref<1x128xi32, #tpu.memory_space<vmem>> -> memref<128xi32, #tpu.memory_space<vmem>>
      %dma_wait3A_118 = arith.constant 0 : i32
      %dma_wait3A_119 = arith.constant 0 : i32
      %dma_wait3A_120 = tpu.memref_slice %arg12[%dma_wait3A_118, %dma_wait3A_119] : memref<10112x160xbf16, #tpu.memory_space<vmem_shared>> -> memref<10112x160xbf16, #tpu.memory_space<vmem_shared>>
      tpu.wait_indirect_dma semaphore(%arg14 : memref<!tpu.dma_semaphore, #tpu.memory_space<semaphore_mem>>) src(%dma_wait3A_120 : memref<10112x160xbf16, #tpu.memory_space<vmem_shared>>) dst(%arg10 : memref<128x160xbf16, #tpu.memory_space<vmem>>)
      %run_scoped3A_121 = arith.constant 4 : i32
      "tpu.region"() ({
        %run_scoped3A_160 = tpu.sem_alloc : memref<!tpu.dma_semaphore, #tpu.memory_space<semaphore_mem>>
        %dma_start3A_161 = arith.constant 0 : i32
        %dma_start3A_162 = tpu.memref_slice %arg9[%run_scoped3A_121, %dma_start3A_161] : memref<8x128xi32, #tpu.memory_space<vmem>> -> memref<1x128xi32, #tpu.memory_space<vmem>>
        %dma_start3A_163 = tpu.memref_squeeze %dma_start3A_162 : memref<1x128xi32, #tpu.memory_space<vmem>> -> memref<128xi32, #tpu.memory_space<vmem>>
        %dma_start3A_164 = arith.constant 0 : i32
        %dma_start3A_165 = arith.constant 0 : i32
        %dma_start3A_166 = tpu.memref_slice %arg13[%dma_start3A_164, %dma_start3A_165] : memref<10112x160xbf16, #tpu.memory_space<vmem_shared>> -> memref<10112x160xbf16, #tpu.memory_space<vmem_shared>>
        tpu.enqueue_indirect_dma source(%arg10 : memref<128x160xbf16, #tpu.memory_space<vmem>>) target(%dma_start3A_166 : memref<10112x160xbf16, #tpu.memory_space<vmem_shared>>) offsets(%dma_start3A_163 : memref<128xi32, #tpu.memory_space<vmem>>) semaphore(%run_scoped3A_160 : memref<!tpu.dma_semaphore, #tpu.memory_space<semaphore_mem>>) {add = true}
        %dma_wait3A_167 = arith.constant 0 : i32
        %dma_wait3A_168 = tpu.memref_slice %arg9[%run_scoped3A_121, %dma_wait3A_167] : memref<8x128xi32, #tpu.memory_space<vmem>> -> memref<1x128xi32, #tpu.memory_space<vmem>>
        %dma_wait3A_169 = tpu.memref_squeeze %dma_wait3A_168 : memref<1x128xi32, #tpu.memory_space<vmem>> -> memref<128xi32, #tpu.memory_space<vmem>>
        %dma_wait3A_170 = arith.constant 0 : i32
        %dma_wait3A_171 = arith.constant 0 : i32
        %dma_wait3A_172 = tpu.memref_slice %arg13[%dma_wait3A_170, %dma_wait3A_171] : memref<10112x160xbf16, #tpu.memory_space<vmem_shared>> -> memref<10112x160xbf16, #tpu.memory_space<vmem_shared>>
        tpu.wait_indirect_dma semaphore(%run_scoped3A_160 : memref<!tpu.dma_semaphore, #tpu.memory_space<semaphore_mem>>) src(%arg10 : memref<128x160xbf16, #tpu.memory_space<vmem>>) dst(%dma_wait3A_172 : memref<10112x160xbf16, #tpu.memory_space<vmem_shared>>)
        tpu.yield
      }) : () -> ()
      %dma_wait3A_122 = arith.constant 5 : i32
      %dma_wait3A_123 = arith.constant 0 : i32
      %dma_wait3A_124 = tpu.memref_slice %arg8[%dma_wait3A_122, %dma_wait3A_123] : memref<8x128xi32, #tpu.memory_space<vmem>> -> memref<1x128xi32, #tpu.memory_space<vmem>>
      %dma_wait3A_125 = tpu.memref_squeeze %dma_wait3A_124 : memref<1x128xi32, #tpu.memory_space<vmem>> -> memref<128xi32, #tpu.memory_space<vmem>>
      %dma_wait3A_126 = arith.constant 0 : i32
      %dma_wait3A_127 = arith.constant 0 : i32
      %dma_wait3A_128 = tpu.memref_slice %arg12[%dma_wait3A_126, %dma_wait3A_127] : memref<10112x160xbf16, #tpu.memory_space<vmem_shared>> -> memref<10112x160xbf16, #tpu.memory_space<vmem_shared>>
      tpu.wait_indirect_dma semaphore(%arg15 : memref<!tpu.dma_semaphore, #tpu.memory_space<semaphore_mem>>) src(%dma_wait3A_128 : memref<10112x160xbf16, #tpu.memory_space<vmem_shared>>) dst(%arg11 : memref<128x160xbf16, #tpu.memory_space<vmem>>)
      %run_scoped3A_129 = arith.constant 5 : i32
      "tpu.region"() ({
        %run_scoped3A_160 = tpu.sem_alloc : memref<!tpu.dma_semaphore, #tpu.memory_space<semaphore_mem>>
        %dma_start3A_161 = arith.constant 0 : i32
        %dma_start3A_162 = tpu.memref_slice %arg9[%run_scoped3A_129, %dma_start3A_161] : memref<8x128xi32, #tpu.memory_space<vmem>> -> memref<1x128xi32, #tpu.memory_space<vmem>>
        %dma_start3A_163 = tpu.memref_squeeze %dma_start3A_162 : memref<1x128xi32, #tpu.memory_space<vmem>> -> memref<128xi32, #tpu.memory_space<vmem>>
        %dma_start3A_164 = arith.constant 0 : i32
        %dma_start3A_165 = arith.constant 0 : i32
        %dma_start3A_166 = tpu.memref_slice %arg13[%dma_start3A_164, %dma_start3A_165] : memref<10112x160xbf16, #tpu.memory_space<vmem_shared>> -> memref<10112x160xbf16, #tpu.memory_space<vmem_shared>>
        tpu.enqueue_indirect_dma source(%arg11 : memref<128x160xbf16, #tpu.memory_space<vmem>>) target(%dma_start3A_166 : memref<10112x160xbf16, #tpu.memory_space<vmem_shared>>) offsets(%dma_start3A_163 : memref<128xi32, #tpu.memory_space<vmem>>) semaphore(%run_scoped3A_160 : memref<!tpu.dma_semaphore, #tpu.memory_space<semaphore_mem>>) {add = true}
        %dma_wait3A_167 = arith.constant 0 : i32
        %dma_wait3A_168 = tpu.memref_slice %arg9[%run_scoped3A_129, %dma_wait3A_167] : memref<8x128xi32, #tpu.memory_space<vmem>> -> memref<1x128xi32, #tpu.memory_space<vmem>>
        %dma_wait3A_169 = tpu.memref_squeeze %dma_wait3A_168 : memref<1x128xi32, #tpu.memory_space<vmem>> -> memref<128xi32, #tpu.memory_space<vmem>>
        %dma_wait3A_170 = arith.constant 0 : i32
        %dma_wait3A_171 = arith.constant 0 : i32
        %dma_wait3A_172 = tpu.memref_slice %arg13[%dma_wait3A_170, %dma_wait3A_171] : memref<10112x160xbf16, #tpu.memory_space<vmem_shared>> -> memref<10112x160xbf16, #tpu.memory_space<vmem_shared>>
        tpu.wait_indirect_dma semaphore(%run_scoped3A_160 : memref<!tpu.dma_semaphore, #tpu.memory_space<semaphore_mem>>) src(%arg11 : memref<128x160xbf16, #tpu.memory_space<vmem>>) dst(%dma_wait3A_172 : memref<10112x160xbf16, #tpu.memory_space<vmem_shared>>)
        tpu.yield
      }) : () -> ()
      %dma_start3A_130 = arith.constant 6 : i32
      %dma_start3A_131 = arith.constant 0 : i32
      %dma_start3A_132 = tpu.memref_slice %arg8[%dma_start3A_130, %dma_start3A_131] : memref<8x128xi32, #tpu.memory_space<vmem>> -> memref<1x128xi32, #tpu.memory_space<vmem>>
      %dma_start3A_133 = tpu.memref_squeeze %dma_start3A_132 : memref<1x128xi32, #tpu.memory_space<vmem>> -> memref<128xi32, #tpu.memory_space<vmem>>
      %dma_start3A_134 = arith.constant 0 : i32
      %dma_start3A_135 = arith.constant 0 : i32
      %dma_start3A_136 = tpu.memref_slice %arg12[%dma_start3A_134, %dma_start3A_135] : memref<10112x160xbf16, #tpu.memory_space<vmem_shared>> -> memref<10112x160xbf16, #tpu.memory_space<vmem_shared>>
      tpu.enqueue_indirect_dma source(%dma_start3A_136 : memref<10112x160xbf16, #tpu.memory_space<vmem_shared>>) target(%arg10 : memref<128x160xbf16, #tpu.memory_space<vmem>>) offsets(%dma_start3A_133 : memref<128xi32, #tpu.memory_space<vmem>>) semaphore(%arg14 : memref<!tpu.dma_semaphore, #tpu.memory_space<semaphore_mem>>)
      %dma_start3A_137 = arith.constant 7 : i32
      %dma_start3A_138 = arith.constant 0 : i32
      %dma_start3A_139 = tpu.memref_slice %arg8[%dma_start3A_137, %dma_start3A_138] : memref<8x128xi32, #tpu.memory_space<vmem>> -> memref<1x128xi32, #tpu.memory_space<vmem>>
      %dma_start3A_140 = tpu.memref_squeeze %dma_start3A_139 : memref<1x128xi32, #tpu.memory_space<vmem>> -> memref<128xi32, #tpu.memory_space<vmem>>
      %dma_start3A_141 = arith.constant 0 : i32
      %dma_start3A_142 = arith.constant 0 : i32
      %dma_start3A_143 = tpu.memref_slice %arg12[%dma_start3A_141, %dma_start3A_142] : memref<10112x160xbf16, #tpu.memory_space<vmem_shared>> -> memref<10112x160xbf16, #tpu.memory_space<vmem_shared>>
      tpu.enqueue_indirect_dma source(%dma_start3A_143 : memref<10112x160xbf16, #tpu.memory_space<vmem_shared>>) target(%arg11 : memref<128x160xbf16, #tpu.memory_space<vmem>>) offsets(%dma_start3A_140 : memref<128xi32, #tpu.memory_space<vmem>>) semaphore(%arg15 : memref<!tpu.dma_semaphore, #tpu.memory_space<semaphore_mem>>)
      %dma_wait3A_144 = arith.constant 6 : i32
      %dma_wait3A_145 = arith.constant 0 : i32
      %dma_wait3A_146 = tpu.memref_slice %arg8[%dma_wait3A_144, %dma_wait3A_145] : memref<8x128xi32, #tpu.memory_space<vmem>> -> memref<1x128xi32, #tpu.memory_space<vmem>>
      %dma_wait3A_147 = tpu.memref_squeeze %dma_wait3A_146 : memref<1x128xi32, #tpu.memory_space<vmem>> -> memref<128xi32, #tpu.memory_space<vmem>>
      %dma_wait3A_148 = arith.constant 0 : i32
      %dma_wait3A_149 = arith.constant 0 : i32
      %dma_wait3A_150 = tpu.memref_slice %arg12[%dma_wait3A_148, %dma_wait3A_149] : memref<10112x160xbf16, #tpu.memory_space<vmem_shared>> -> memref<10112x160xbf16, #tpu.memory_space<vmem_shared>>
      tpu.wait_indirect_dma semaphore(%arg14 : memref<!tpu.dma_semaphore, #tpu.memory_space<semaphore_mem>>) src(%dma_wait3A_150 : memref<10112x160xbf16, #tpu.memory_space<vmem_shared>>) dst(%arg10 : memref<128x160xbf16, #tpu.memory_space<vmem>>)
      %run_scoped3A_151 = arith.constant 6 : i32
      "tpu.region"() ({
        %run_scoped3A_160 = tpu.sem_alloc : memref<!tpu.dma_semaphore, #tpu.memory_space<semaphore_mem>>
        %dma_start3A_161 = arith.constant 0 : i32
        %dma_start3A_162 = tpu.memref_slice %arg9[%run_scoped3A_151, %dma_start3A_161] : memref<8x128xi32, #tpu.memory_space<vmem>> -> memref<1x128xi32, #tpu.memory_space<vmem>>
        %dma_start3A_163 = tpu.memref_squeeze %dma_start3A_162 : memref<1x128xi32, #tpu.memory_space<vmem>> -> memref<128xi32, #tpu.memory_space<vmem>>
        %dma_start3A_164 = arith.constant 0 : i32
        %dma_start3A_165 = arith.constant 0 : i32
        %dma_start3A_166 = tpu.memref_slice %arg13[%dma_start3A_164, %dma_start3A_165] : memref<10112x160xbf16, #tpu.memory_space<vmem_shared>> -> memref<10112x160xbf16, #tpu.memory_space<vmem_shared>>
        tpu.enqueue_indirect_dma source(%arg10 : memref<128x160xbf16, #tpu.memory_space<vmem>>) target(%dma_start3A_166 : memref<10112x160xbf16, #tpu.memory_space<vmem_shared>>) offsets(%dma_start3A_163 : memref<128xi32, #tpu.memory_space<vmem>>) semaphore(%run_scoped3A_160 : memref<!tpu.dma_semaphore, #tpu.memory_space<semaphore_mem>>) {add = true}
        %dma_wait3A_167 = arith.constant 0 : i32
        %dma_wait3A_168 = tpu.memref_slice %arg9[%run_scoped3A_151, %dma_wait3A_167] : memref<8x128xi32, #tpu.memory_space<vmem>> -> memref<1x128xi32, #tpu.memory_space<vmem>>
        %dma_wait3A_169 = tpu.memref_squeeze %dma_wait3A_168 : memref<1x128xi32, #tpu.memory_space<vmem>> -> memref<128xi32, #tpu.memory_space<vmem>>
        %dma_wait3A_170 = arith.constant 0 : i32
        %dma_wait3A_171 = arith.constant 0 : i32
        %dma_wait3A_172 = tpu.memref_slice %arg13[%dma_wait3A_170, %dma_wait3A_171] : memref<10112x160xbf16, #tpu.memory_space<vmem_shared>> -> memref<10112x160xbf16, #tpu.memory_space<vmem_shared>>
        tpu.wait_indirect_dma semaphore(%run_scoped3A_160 : memref<!tpu.dma_semaphore, #tpu.memory_space<semaphore_mem>>) src(%arg10 : memref<128x160xbf16, #tpu.memory_space<vmem>>) dst(%dma_wait3A_172 : memref<10112x160xbf16, #tpu.memory_space<vmem_shared>>)
        tpu.yield
      }) : () -> ()
      %dma_wait3A_152 = arith.constant 7 : i32
      %dma_wait3A_153 = arith.constant 0 : i32
      %dma_wait3A_154 = tpu.memref_slice %arg8[%dma_wait3A_152, %dma_wait3A_153] : memref<8x128xi32, #tpu.memory_space<vmem>> -> memref<1x128xi32, #tpu.memory_space<vmem>>
      %dma_wait3A_155 = tpu.memref_squeeze %dma_wait3A_154 : memref<1x128xi32, #tpu.memory_space<vmem>> -> memref<128xi32, #tpu.memory_space<vmem>>
      %dma_wait3A_156 = arith.constant 0 : i32
      %dma_wait3A_157 = arith.constant 0 : i32
      %dma_wait3A_158 = tpu.memref_slice %arg12[%dma_wait3A_156, %dma_wait3A_157] : memref<10112x160xbf16, #tpu.memory_space<vmem_shared>> -> memref<10112x160xbf16, #tpu.memory_space<vmem_shared>>
      tpu.wait_indirect_dma semaphore(%arg15 : memref<!tpu.dma_semaphore, #tpu.memory_space<semaphore_mem>>) src(%dma_wait3A_158 : memref<10112x160xbf16, #tpu.memory_space<vmem_shared>>) dst(%arg11 : memref<128x160xbf16, #tpu.memory_space<vmem>>)
      %run_scoped3A_159 = arith.constant 7 : i32
      "tpu.region"() ({
        %run_scoped3A_160 = tpu.sem_alloc : memref<!tpu.dma_semaphore, #tpu.memory_space<semaphore_mem>>
        %dma_start3A_161 = arith.constant 0 : i32
        %dma_start3A_162 = tpu.memref_slice %arg9[%run_scoped3A_159, %dma_start3A_161] : memref<8x128xi32, #tpu.memory_space<vmem>> -> memref<1x128xi32, #tpu.memory_space<vmem>>
        %dma_start3A_163 = tpu.memref_squeeze %dma_start3A_162 : memref<1x128xi32, #tpu.memory_space<vmem>> -> memref<128xi32, #tpu.memory_space<vmem>>
        %dma_start3A_164 = arith.constant 0 : i32
        %dma_start3A_165 = arith.constant 0 : i32
        %dma_start3A_166 = tpu.memref_slice %arg13[%dma_start3A_164, %dma_start3A_165] : memref<10112x160xbf16, #tpu.memory_space<vmem_shared>> -> memref<10112x160xbf16, #tpu.memory_space<vmem_shared>>
        tpu.enqueue_indirect_dma source(%arg11 : memref<128x160xbf16, #tpu.memory_space<vmem>>) target(%dma_start3A_166 : memref<10112x160xbf16, #tpu.memory_space<vmem_shared>>) offsets(%dma_start3A_163 : memref<128xi32, #tpu.memory_space<vmem>>) semaphore(%run_scoped3A_160 : memref<!tpu.dma_semaphore, #tpu.memory_space<semaphore_mem>>) {add = true}
        %dma_wait3A_167 = arith.constant 0 : i32
        %dma_wait3A_168 = tpu.memref_slice %arg9[%run_scoped3A_159, %dma_wait3A_167] : memref<8x128xi32, #tpu.memory_space<vmem>> -> memref<1x128xi32, #tpu.memory_space<vmem>>
        %dma_wait3A_169 = tpu.memref_squeeze %dma_wait3A_168 : memref<1x128xi32, #tpu.memory_space<vmem>> -> memref<128xi32, #tpu.memory_space<vmem>>
        %dma_wait3A_170 = arith.constant 0 : i32
        %dma_wait3A_171 = arith.constant 0 : i32
        %dma_wait3A_172 = tpu.memref_slice %arg13[%dma_wait3A_170, %dma_wait3A_171] : memref<10112x160xbf16, #tpu.memory_space<vmem_shared>> -> memref<10112x160xbf16, #tpu.memory_space<vmem_shared>>
        tpu.wait_indirect_dma semaphore(%run_scoped3A_160 : memref<!tpu.dma_semaphore, #tpu.memory_space<semaphore_mem>>) src(%arg11 : memref<128x160xbf16, #tpu.memory_space<vmem>>) dst(%dma_wait3A_172 : memref<10112x160xbf16, #tpu.memory_space<vmem_shared>>)
        tpu.yield
      }) : () -> ()
    }
    %scan3A_10 = arith.constant 20 : i32
    %barrier3A_11 = arith.constant 0 : index
    tpu.barrier barrier_id(%barrier3A_11)
    %mul3A_12 = arith.constant 2048 : i32
    %mul3A_13 = arith.muli %arg0, %mul3A_12 : i32
    %mul3A_14 = arith.constant 128 : i32
    %mul3A_15 = arith.muli %arg1, %mul3A_14 : i32
    %add3A_16 = arith.addi %mul3A_13, %mul3A_15 : i32
    %multiple_of3A_17 = tpu.assume_multiple %add3A_16, 8 : i32
    %run_scoped3A = arith.constant 0 : i32
    "tpu.region"() ({
      %run_scoped3A_30 = tpu.sem_alloc : memref<!tpu.dma_semaphore, #tpu.memory_space<semaphore_mem>>
      %dma_start3A_31 = arith.constant 0 : i32
      %dma_start3A_32 = tpu.memref_slice %arg8[%run_scoped3A, %dma_start3A_31] : memref<8x128xi32, #tpu.memory_space<vmem>> -> memref<1x128xi32, #tpu.memory_space<vmem>>
      %dma_start3A_33 = tpu.memref_squeeze %dma_start3A_32 : memref<1x128xi32, #tpu.memory_space<vmem>> -> memref<128xi32, #tpu.memory_space<vmem>>
      %dma_start3A_34 = tpu.memref_slice %arg6[%multiple_of3A_17] : memref<4096xi32, #tpu.memory_space<hbm>> -> memref<128xi32, #tpu.memory_space<hbm>>
      %dma_start3A_35 = arith.constant 0 : i32
      %dma_start3A_36 = tpu.memref_slice %arg8[%run_scoped3A, %dma_start3A_35] : memref<8x128xi32, #tpu.memory_space<vmem>> -> memref<1x128xi32, #tpu.memory_space<vmem>>
      %dma_start3A_37 = tpu.memref_squeeze %dma_start3A_36 : memref<1x128xi32, #tpu.memory_space<vmem>> -> memref<128xi32, #tpu.memory_space<vmem>>
      %dma_start3A_38 = tpu.memref_slice %arg6[%multiple_of3A_17] : memref<4096xi32, #tpu.memory_space<hbm>> -> memref<128xi32, #tpu.memory_space<hbm>>
      tpu.enqueue_dma source(%dma_start3A_38 : memref<128xi32, #tpu.memory_space<hbm>>) target(%dma_start3A_37 : memref<128xi32, #tpu.memory_space<vmem>>) target_semaphore(%run_scoped3A_30 : memref<!tpu.dma_semaphore, #tpu.memory_space<semaphore_mem>>)
      %dma_wait3A_39 = arith.constant 0 : i32
      %dma_wait3A_40 = tpu.memref_slice %arg8[%run_scoped3A, %dma_wait3A_39] : memref<8x128xi32, #tpu.memory_space<vmem>> -> memref<1x128xi32, #tpu.memory_space<vmem>>
      %dma_wait3A_41 = tpu.memref_squeeze %dma_wait3A_40 : memref<1x128xi32, #tpu.memory_space<vmem>> -> memref<128xi32, #tpu.memory_space<vmem>>
      %dma_wait3A_42 = tpu.memref_slice %arg6[%multiple_of3A_17] : memref<4096xi32, #tpu.memory_space<hbm>> -> memref<128xi32, #tpu.memory_space<hbm>>
      %dma_wait3A_43 = arith.constant 0 : i32
      %dma_wait3A_44 = tpu.memref_slice %arg8[%run_scoped3A, %dma_wait3A_43] : memref<8x128xi32, #tpu.memory_space<vmem>> -> memref<1x128xi32, #tpu.memory_space<vmem>>
      %dma_wait3A_45 = tpu.memref_squeeze %dma_wait3A_44 : memref<1x128xi32, #tpu.memory_space<vmem>> -> memref<128xi32, #tpu.memory_space<vmem>>
      %dma_wait3A_46 = tpu.memref_slice %arg6[%multiple_of3A_17] : memref<4096xi32, #tpu.memory_space<hbm>> -> memref<128xi32, #tpu.memory_space<hbm>>
      tpu.wait_dma2 semaphore(%run_scoped3A_30 : memref<!tpu.dma_semaphore, #tpu.memory_space<semaphore_mem>>) src(%dma_wait3A_46 : memref<128xi32, #tpu.memory_space<hbm>>) dst(%dma_wait3A_45 : memref<128xi32, #tpu.memory_space<vmem>>)
      tpu.yield
    }) : () -> ()
    %dma_start3A = arith.constant 0 : i32
    %dma_start3A_18 = arith.constant 0 : i32
    %dma_start3A_19 = tpu.memref_slice %arg8[%dma_start3A, %dma_start3A_18] : memref<8x128xi32, #tpu.memory_space<vmem>> -> memref<1x128xi32, #tpu.memory_space<vmem>>
    %dma_start3A_20 = tpu.memref_squeeze %dma_start3A_19 : memref<1x128xi32, #tpu.memory_space<vmem>> -> memref<128xi32, #tpu.memory_space<vmem>>
    %dma_start3A_21 = arith.constant 0 : i32
    %dma_start3A_22 = arith.constant 0 : i32
    %dma_start3A_23 = tpu.memref_slice %arg13[%dma_start3A_21, %dma_start3A_22] : memref<10112x160xbf16, #tpu.memory_space<vmem_shared>> -> memref<10112x160xbf16, #tpu.memory_space<vmem_shared>>
    tpu.enqueue_indirect_dma source(%dma_start3A_23 : memref<10112x160xbf16, #tpu.memory_space<vmem_shared>>) target(%arg10 : memref<128x160xbf16, #tpu.memory_space<vmem>>) offsets(%dma_start3A_20 : memref<128xi32, #tpu.memory_space<vmem>>) semaphore(%arg14 : memref<!tpu.dma_semaphore, #tpu.memory_space<semaphore_mem>>)
    %dma_wait3A = arith.constant 0 : i32
    %dma_wait3A_24 = arith.constant 0 : i32
    %dma_wait3A_25 = tpu.memref_slice %arg8[%dma_wait3A, %dma_wait3A_24] : memref<8x128xi32, #tpu.memory_space<vmem>> -> memref<1x128xi32, #tpu.memory_space<vmem>>
    %dma_wait3A_26 = tpu.memref_squeeze %dma_wait3A_25 : memref<1x128xi32, #tpu.memory_space<vmem>> -> memref<128xi32, #tpu.memory_space<vmem>>
    %dma_wait3A_27 = arith.constant 0 : i32
    %dma_wait3A_28 = arith.constant 0 : i32
    %dma_wait3A_29 = tpu.memref_slice %arg13[%dma_wait3A_27, %dma_wait3A_28] : memref<10112x160xbf16, #tpu.memory_space<vmem_shared>> -> memref<10112x160xbf16, #tpu.memory_space<vmem_shared>>
    tpu.wait_indirect_dma semaphore(%arg14 : memref<!tpu.dma_semaphore, #tpu.memory_space<semaphore_mem>>) src(%dma_wait3A_29 : memref<10112x160xbf16, #tpu.memory_space<vmem_shared>>) dst(%arg10 : memref<128x160xbf16, #tpu.memory_space<vmem>>)
    "tpu.region"() ({
      %run_scoped3A_30 = tpu.sem_alloc : memref<!tpu.dma_semaphore, #tpu.memory_space<semaphore_mem>>
      %dma_start3A_31 = arith.constant 0 : i32
      %dma_start3A_32 = tpu.memref_slice %arg7[%multiple_of3A_17, %dma_start3A_31] : memref<4096x160xbf16, #tpu.memory_space<hbm>> -> memref<128x160xbf16, #tpu.memory_space<hbm>>
      %dma_start3A_33 = arith.constant 0 : i32
      %dma_start3A_34 = tpu.memref_slice %arg7[%multiple_of3A_17, %dma_start3A_33] : memref<4096x160xbf16, #tpu.memory_space<hbm>> -> memref<128x160xbf16, #tpu.memory_space<hbm>>
      tpu.enqueue_dma source(%arg10 : memref<128x160xbf16, #tpu.memory_space<vmem>>) target(%dma_start3A_34 : memref<128x160xbf16, #tpu.memory_space<hbm>>) target_semaphore(%run_scoped3A_30 : memref<!tpu.dma_semaphore, #tpu.memory_space<semaphore_mem>>)
      %dma_wait3A_35 = arith.constant 0 : i32
      %dma_wait3A_36 = tpu.memref_slice %arg7[%multiple_of3A_17, %dma_wait3A_35] : memref<4096x160xbf16, #tpu.memory_space<hbm>> -> memref<128x160xbf16, #tpu.memory_space<hbm>>
      %dma_wait3A_37 = arith.constant 0 : i32
      %dma_wait3A_38 = tpu.memref_slice %arg7[%multiple_of3A_17, %dma_wait3A_37] : memref<4096x160xbf16, #tpu.memory_space<hbm>> -> memref<128x160xbf16, #tpu.memory_space<hbm>>
      tpu.wait_dma2 semaphore(%run_scoped3A_30 : memref<!tpu.dma_semaphore, #tpu.memory_space<semaphore_mem>>) src(%arg10 : memref<128x160xbf16, #tpu.memory_space<vmem>>) dst(%dma_wait3A_38 : memref<128x160xbf16, #tpu.memory_space<hbm>>)
      tpu.yield
    }) : () -> ()
    return
  }
}

module attributes {stable_mosaic.version = 14 : i64} {
  func.func @_h1_body(%arg0: i32, %arg1: memref<1264x160xbf16, #tpu.memory_space<vmem>>, %arg2: memref<128x128xf32, #tpu.memory_space<vmem>>, %arg3: memref<1264x160xbf16, #tpu.memory_space<vmem>>) attributes {dimension_semantics = [#tpu.dimension_semantics<arbitrary>], iteration_bounds = array<i64: 16>, scalar_prefetch = 0 : i64, scratch_operands = 0 : i64, tpu.core_type = #tpu.core_type<tc>, window_params = [{transform_indices = @transform_0, window_bounds = array<i64: 1264, 160>}, {pipeline_mode = #tpu.pipeline_mode<synchronous>, transform_indices = @transform_1, window_bounds = array<i64: 128, 128>}, {transform_indices = @transform_2, window_bounds = array<i64: 1264, 160>}]} {
    %get3A = arith.constant 0 : index
    %get3A_0 = arith.constant 0 : index
    %get3A_1 = vector.load %arg1[%get3A, %get3A_0] : memref<1264x160xbf16, #tpu.memory_space<vmem>>, vector<1264x160xbf16>
    %convert_element_type3A = arith.extf %get3A_1 : vector<1264x160xbf16> to vector<1264x160xf32>
    %slice3A = vector.extract_strided_slice %convert_element_type3A {offsets = [0, 128], sizes = [1264, 1], strides = [1, 1]} : vector<1264x160xf32> to vector<1264x1xf32>
    %max3A = arith.constant 1.000000e+00 : f32
    %max3A_2 = vector.broadcast %max3A : f32 to vector<1264x1xf32>
    %max3A_3 = arith.maximumf %slice3A, %max3A_2 : vector<1264x1xf32>
    %slice3A_4 = vector.extract_strided_slice %convert_element_type3A {offsets = [0, 0], sizes = [1264, 128], strides = [1, 1]} : vector<1264x160xf32> to vector<1264x128xf32>
    %div3A = vector.broadcast %max3A_3 : vector<1264x1xf32> to vector<1264x128xf32>
    %div3A_5 = arith.divf %slice3A_4, %div3A : vector<1264x128xf32>
    %get3A_6 = arith.constant 0 : index
    %get3A_7 = arith.constant 0 : index
    %get3A_8 = vector.load %arg2[%get3A_6, %get3A_7] : memref<128x128xf32, #tpu.memory_space<vmem>>, vector<128x128xf32>
    %dot_general3A = arith.constant dense<0.000000e+00> : vector<1264x128xf32>
    %dot_general3A_9 = tpu.matmul %div3A_5, %get3A_8, %dot_general3A {dimension_numbers = #tpu.dot_dimension_numbers<[1], [0], [0], [1], [0, 0, 1, 1], [], []>, transpose_lhs_hint = false} : vector<1264x128xf32>, vector<128x128xf32>, vector<1264x128xf32> -> vector<1264x128xf32>
    %max3A_10 = arith.constant 0.000000e+00 : f32
    %max3A_11 = vector.broadcast %max3A_10 : f32 to vector<1264x128xf32>
    %max3A_12 = arith.maximumf %dot_general3A_9, %max3A_11 : vector<1264x128xf32>
    %iota3A = tpu.iota {dimensions = array<i32: 1>} : vector<1264x32xi32>
    %eq3A = arith.constant 0 : i32
    %eq3A_13 = vector.broadcast %eq3A : i32 to vector<1264x32xi32>
    %eq3A_14 = arith.cmpi eq, %iota3A, %eq3A_13 : vector<1264x32xi32>
    %jit3A = arith.constant 1.000000e+00 : f32
    %jit3A_15 = arith.constant 0.000000e+00 : f32
    %broadcast_in_dim3A = vector.broadcast %jit3A : f32 to vector<1264x32xf32>
    %broadcast_in_dim3A_16 = vector.broadcast %jit3A_15 : f32 to vector<1264x32xf32>
    %select_n3A = arith.select %eq3A_14, %broadcast_in_dim3A, %broadcast_in_dim3A_16 : vector<1264x32xi1>, vector<1264x32xf32>
    %concatenate3A = tpu.concatenate %max3A_12, %select_n3A in 1 : vector<1264x128xf32>, vector<1264x32xf32> -> vector<1264x160xf32>
    %convert_element_type3A_17 = arith.truncf %concatenate3A : vector<1264x160xf32> to vector<1264x160xbf16>
    %swap3A = arith.constant 0 : index
    %swap3A_18 = arith.constant 0 : index
    %swap3A_19 = vector.load %arg3[%swap3A, %swap3A_18] : memref<1264x160xbf16, #tpu.memory_space<vmem>>, vector<1264x160xbf16>
    tpu.vector_store %arg3[%swap3A, %swap3A_18], %convert_element_type3A_17 {strides = array<i32>} : memref<1264x160xbf16, #tpu.memory_space<vmem>>, vector<1264x160xbf16>,
    return
  }
  func.func @transform_0(%arg0: i32) -> (i32, i32) {
    %c0_i32 = arith.constant 0 : i32
    %c0_i32_0 = arith.constant 0 : i32
    return %arg0, %c0_i32 : i32, i32
  }
  func.func @transform_1(%arg0: i32) -> (i32, i32) {
    %c0_i32 = arith.constant 0 : i32
    %c0_i32_0 = arith.constant 0 : i32
    %c0_i32_1 = arith.constant 0 : i32
    return %c0_i32, %c0_i32_0 : i32, i32
  }
  func.func @transform_2(%arg0: i32) -> (i32, i32) {
    %c0_i32 = arith.constant 0 : i32
    %c0_i32_0 = arith.constant 0 : i32
    return %arg0, %c0_i32 : i32, i32
  }
}

module attributes {stable_mosaic.version = 14 : i64} {
  func.func @_loss_body(%arg0: memref<4096x160xbf16, #tpu.memory_space<vmem>>, %arg1: memref<128x128xf32, #tpu.memory_space<vmem>>, %arg2: memref<1x1xf32, #tpu.memory_space<smem>>) attributes {dimension_semantics = [], scalar_prefetch = 0 : i64, scratch_operands = 0 : i64, tpu.core_type = #tpu.core_type<tc>} {
    %get3A = arith.constant 0 : index
    %get3A_0 = arith.constant 0 : index
    %get3A_1 = vector.load %arg0[%get3A, %get3A_0] : memref<4096x160xbf16, #tpu.memory_space<vmem>>, vector<4096x160xbf16>
    %convert_element_type3A = arith.extf %get3A_1 : vector<4096x160xbf16> to vector<4096x160xf32>
    %slice3A = vector.extract_strided_slice %convert_element_type3A {offsets = [0, 128], sizes = [4096, 1], strides = [1, 1]} : vector<4096x160xf32> to vector<4096x1xf32>
    %max3A = arith.constant 1.000000e+00 : f32
    %max3A_2 = vector.broadcast %max3A : f32 to vector<4096x1xf32>
    %max3A_3 = arith.maximumf %slice3A, %max3A_2 : vector<4096x1xf32>
    %slice3A_4 = vector.extract_strided_slice %convert_element_type3A {offsets = [0, 0], sizes = [4096, 128], strides = [1, 1]} : vector<4096x160xf32> to vector<4096x128xf32>
    %div3A = vector.broadcast %max3A_3 : vector<4096x1xf32> to vector<4096x128xf32>
    %div3A_5 = arith.divf %slice3A_4, %div3A : vector<4096x128xf32>
    %get3A_6 = arith.constant 0 : index
    %get3A_7 = arith.constant 0 : index
    %get3A_8 = vector.load %arg1[%get3A_6, %get3A_7] : memref<128x128xf32, #tpu.memory_space<vmem>>, vector<128x128xf32>
    %dot_general3A = arith.constant dense<0.000000e+00> : vector<4096x128xf32>
    %dot_general3A_9 = tpu.matmul %div3A_5, %get3A_8, %dot_general3A {dimension_numbers = #tpu.dot_dimension_numbers<[1], [0], [0], [1], [0, 0, 1, 1], [], []>, transpose_lhs_hint = false} : vector<4096x128xf32>, vector<128x128xf32>, vector<4096x128xf32> -> vector<4096x128xf32>
    %slice3A_10 = vector.extract_strided_slice %dot_general3A_9 {offsets = [0, 0], sizes = [1024, 128], strides = [1, 1]} : vector<4096x128xf32> to vector<1024x128xf32>
    %slice3A_11 = vector.extract_strided_slice %dot_general3A_9 {offsets = [1024, 0], sizes = [1024, 128], strides = [1, 1]} : vector<4096x128xf32> to vector<1024x128xf32>
    %slice3A_12 = vector.extract_strided_slice %dot_general3A_9 {offsets = [2048, 0], sizes = [1024, 128], strides = [1, 1]} : vector<4096x128xf32> to vector<1024x128xf32>
    %slice3A_13 = vector.extract_strided_slice %dot_general3A_9 {offsets = [3072, 0], sizes = [1024, 128], strides = [1, 1]} : vector<4096x128xf32> to vector<1024x128xf32>
    %sub3A = arith.subf %slice3A_10, %slice3A_12 : vector<1024x128xf32>
    %abs3A = math.absf %sub3A : vector<1024x128xf32>
    %reduce_sum3A = arith.constant dense<0.000000e+00> : vector<1024xf32>
    %reduce_sum3A_14 = vector.multi_reduction <add>, %abs3A, %reduce_sum3A [1] : vector<1024x128xf32> to vector<1024xf32>
    %broadcast_in_dim3A = vector.shape_cast %reduce_sum3A_14 : vector<1024xf32> to vector<1024x1xf32>
    %sub3A_15 = arith.subf %slice3A_10, %slice3A_13 : vector<1024x128xf32>
    %abs3A_16 = math.absf %sub3A_15 : vector<1024x128xf32>
    %reduce_sum3A_17 = arith.constant dense<0.000000e+00> : vector<1024xf32>
    %reduce_sum3A_18 = vector.multi_reduction <add>, %abs3A_16, %reduce_sum3A_17 [1] : vector<1024x128xf32> to vector<1024xf32>
    %broadcast_in_dim3A_19 = vector.shape_cast %reduce_sum3A_18 : vector<1024xf32> to vector<1024x1xf32>
    %sub3A_20 = arith.subf %slice3A_11, %slice3A_12 : vector<1024x128xf32>
    %abs3A_21 = math.absf %sub3A_20 : vector<1024x128xf32>
    %reduce_sum3A_22 = arith.constant dense<0.000000e+00> : vector<1024xf32>
    %reduce_sum3A_23 = vector.multi_reduction <add>, %abs3A_21, %reduce_sum3A_22 [1] : vector<1024x128xf32> to vector<1024xf32>
    %broadcast_in_dim3A_24 = vector.shape_cast %reduce_sum3A_23 : vector<1024xf32> to vector<1024x1xf32>
    %sub3A_25 = arith.subf %broadcast_in_dim3A, %broadcast_in_dim3A_19 : vector<1024x1xf32>
    %add3A = arith.constant 3.000000e+00 : f32
    %add3A_26 = vector.broadcast %add3A : f32 to vector<1024x1xf32>
    %add3A_27 = arith.addf %sub3A_25, %add3A_26 : vector<1024x1xf32>
    %max3A_28 = arith.constant 0.000000e+00 : f32
    %max3A_29 = vector.broadcast %max3A_28 : f32 to vector<1024x1xf32>
    %max3A_30 = arith.maximumf %add3A_27, %max3A_29 : vector<1024x1xf32>
    %sub3A_31 = arith.subf %broadcast_in_dim3A, %broadcast_in_dim3A_24 : vector<1024x1xf32>
    %add3A_32 = arith.constant 3.000000e+00 : f32
    %add3A_33 = vector.broadcast %add3A_32 : f32 to vector<1024x1xf32>
    %add3A_34 = arith.addf %sub3A_31, %add3A_33 : vector<1024x1xf32>
    %max3A_35 = arith.constant 0.000000e+00 : f32
    %max3A_36 = vector.broadcast %max3A_35 : f32 to vector<1024x1xf32>
    %max3A_37 = arith.maximumf %add3A_34, %max3A_36 : vector<1024x1xf32>
    %reduce_sum3A_38 = vector.shape_cast %max3A_30 : vector<1024x1xf32> to vector<1x1024x1xf32>
    %reduce_sum3A_39 = arith.constant dense<0.000000e+00> : vector<1xf32>
    %reduce_sum3A_40 = vector.multi_reduction <add>, %reduce_sum3A_38, %reduce_sum3A_39 [1, 2] : vector<1x1024x1xf32> to vector<1xf32>
    %reduce_sum3A_41 = vector.shape_cast %reduce_sum3A_40 : vector<1xf32> to vector<1x1x1xf32>
    %reduce_sum3A_42 = vector.extract %reduce_sum3A_41[0, 0, 0] : f32 from vector<1x1x1xf32>
    %reduce_sum3A_43 = vector.shape_cast %max3A_37 : vector<1024x1xf32> to vector<1x1024x1xf32>
    %reduce_sum3A_44 = arith.constant dense<0.000000e+00> : vector<1xf32>
    %reduce_sum3A_45 = vector.multi_reduction <add>, %reduce_sum3A_43, %reduce_sum3A_44 [1, 2] : vector<1x1024x1xf32> to vector<1xf32>
    %reduce_sum3A_46 = vector.shape_cast %reduce_sum3A_45 : vector<1xf32> to vector<1x1x1xf32>
    %reduce_sum3A_47 = vector.extract %reduce_sum3A_46[0, 0, 0] : f32 from vector<1x1x1xf32>
    %add3A_48 = arith.addf %reduce_sum3A_42, %reduce_sum3A_47 : f32
    %div3A_49 = arith.constant 1.024000e+03 : f32
    %div3A_50 = arith.divf %add3A_48, %div3A_49 : f32
    %swap3A = arith.constant 0 : index
    %swap3A_51 = arith.constant 0 : index
    %swap3A_52 = memref.load %arg2[%swap3A, %swap3A_51] : memref<1x1xf32, #tpu.memory_space<smem>>
    memref.store %div3A_50, %arg2[%swap3A, %swap3A_51] : memref<1x1xf32, #tpu.memory_space<smem>>
    return
  }
}

</mosaic_0001>

<sc_bundles>
// kernel: kernel.6.cloned.1.call-start
scs
__scs_entry_jumppad:
0x0: {  	(pc) =	sbr.rel $0x88, $3  }
0x1: {  	(tag) =	ssettag $0x0;
	lr =	simm.s32 $0x1  }
0x2: {  	[smem:$0x3F98] =	sst lr;
	_ =	strace $0xD0000000  }
0x3: {  	_ = 	snop  }
0x4: {  	_ = 	snop  }
0x5: {  	_ = 	snop  }
0x6: {  	_ = 	snop  }
0x7: {  	_ = 	snop  }
__scs_overlays_trampoline_lowered:
0x8: {  	[smem:$0x3FA7] =	sst s0  }
0x9: {  	[smem:$0x3FA8] =	sst s1  }
0xa: {  	[smem:$0x3FA9] =	sst s2  }
0xb: {  	[smem:$0x3FAA] =	sst s3  }
0xc: {  	[smem:$0x3FAB] =	sst s4  }
0xd: {  	[smem:$0x3FAC] =	sst s5  }
0xe: {  	[smem:$0x3FAD] =	sst s6  }
0xf: {  	[smem:$0x3FAE] =	sst s7  }
0x10: {  	[smem:$0x3FAF] =	sst s8  }
0x11: {  	[smem:$0x3FB0] =	sst s9;
	s0 =	simm.s32 @!p0 $0x0  }
0x12: {  	s1 =	sld [smem:$0x3F96];
	s0 =	simm.s32 @p0 $0x1  }
0x13: {  	[smem:$0x3FB1] =	sst s0;
	s0 =	simm.s32 @!p1 $0x0  }
0x14: {  	s2 =	sld [smem:$0x3F95];
	s0 =	simm.s32 @p1 $0x1  }
0x15: {  	[smem:$0x3FB2] =	sst s0;
	s0 =	simm.s32 @!p2 $0x0  }
0x16: {  	s3 =	sld [smem:$0x3FDB];
	s0 =	simm.s32 @p2 $0x1  }
0x17: {  	s4 =	simm.s32 $0x1BF5;
	[smem:$0x3FB4] =	sst s0  }
0x18: {  	s0 =	sld [smem:$0x3F97];
	_ =	swait.ge [sflag:s4], $0x0  }
0x19: {  	s7 =	sld [smem:$0x3F98]  }
0x1a: {  	s8 =	sadd.s32 $0xFFFFE003, lr  }
0x1b: {  	s9 =	sadd.s32 $0xFFFFFEF7, lr;
	s5 =	simm.s32 $0xFFFFFFFF;
	p2 =	slt.u32 s8, $0xFFFFF086  }
0x1c: {  	p1 =	slt.u32 s9, $0xF7A;
	s5 =	simm.s32 @!p2 $0x0  }
0x1d: {  	s5 =	simm.s32 @p1 $0x1;
	p0 =	seq.s32 s7, s2  }
0x1e: {  	s7 =	smul.u32 @!p0 $0xF7A, s2;
	p2 =	seq.s32 @!p0 s5, $0x0  }
0x1f: {  	s9 =	smul.u32 $0xF7A, s1;
	s8 =	simm.s32 @!p0 $0x1BF5;
	p2 =	por !p2, p0  }
0x20: {  	[sflag:s8] =	ssyncset.s32 @!p0 $0xFFFFF086;
	s6 =	sadd.s32 @!p0 s3, s7;
	s7 =	simm.s32 @!p0 $0x108  }
0x21: {  	s3 =	sadd.s32 s3, s9;
	s6 =	sadd.s32 @!p0 $0x88, s6;
	s7 =	simm.s32 @p2 $0x1082  }
0x22: {  	[simem:s7], [sflag:s8] =	dma.local @!p0 [hbm:s6], $0xF7A  }
0x23: {  	s9 =	sor.u32 $0xD0000000, s2;
	s6 =	simm.s32 $0x108;
	_ =	swait.ge @!p0 [sflag:s8], $0x0  }
0x24: {  	s3 =	sadd.s32 $0x88, s3;
	s6 =	simm.s32 @!p1 $0x1082;
	[sflag:s4] =	ssyncset.s32 $0xFFFFF086  }
0x25: {  	[simem:s6], [sflag:s4] =	dma.local [hbm:s3], $0xF7A  }
0x26: {  	[smem:$0x3F98] =	sst s1;
	(tag) =	ssettag s2;
	_ =	strace s9  }
0x27: {  	s1 =	sld [smem:$0x3FA8]  }
0x28: {  	s2 =	sld [smem:$0x3FA9]  }
0x29: {  	s4 =	sld [smem:$0x3FAB]  }
0x2a: {  	p0 =	seq.s32 s5, $0x0;
	s5 =	sld [smem:$0x3FAC]  }
0x2b: {  	s6 =	sld [smem:$0x3FAD]  }
0x2c: {  	s7 =	sld [smem:$0x3FAE]  }
0x2d: {  	s3 =	simm.s32 $0x108;
	s8 =	sld [smem:$0x3FAF]  }
0x2e: {  	s3 =	simm.s32 @!p0 $0x1082;
	s9 =	sld [smem:$0x3FB0]  }
0x2f: {  	lr =	sadd.s32 s0, s3;
	s0 =	sld [smem:$0x3FA7]  }
0x30: {  	s3 =	sld [smem:$0x3FAA]  }
0x31: {  	[smem:$0x3FB3] =	sst s10  }
0x32: {  	s10 =	sld [smem:$0x3FB1];
	_ =	sdelay $0x3  }
0x33: {  	p0 =	seq.s32 s10, $0x1;
	s10 =	sld [smem:$0x3FB3];
	_ =	sdelay $0x3  }
0x34: {  	[smem:$0x3FB3] =	sst s10  }
0x35: {  	s10 =	sld [smem:$0x3FB2];
	_ =	sdelay $0x3  }
0x36: {  	p1 =	seq.s32 s10, $0x1;
	s10 =	sld [smem:$0x3FB3];
	_ =	sdelay $0x3  }
0x37: {  	[smem:$0x3FB3] =	sst s10  }
0x38: {  	s10 =	sld [smem:$0x3FB4]  }
0x39: {  	_ = 	snop;
	(pc) =	sbr.ind lr, $3  }
0x3a: {  	_ = 	snop  }
0x3b: {  	_ = 	snop  }
0x3c: {  	p2 =	seq.s32 s10, $0x1;
	s10 =	sld [smem:$0x3FB3]  }
0x3d: {  	_ =	shalt  }
0x3e: {  	_ =	shalt  }
0x3f: {  	_ =	shalt  }
0x40: {  	_ =	shalt  }
0x41: {  	_ =	shalt  }
0x42: {  	_ =	shalt  }
0x43: {  	_ =	shalt  }
0x44: {  	_ =	shalt  }
0x45: {  	_ =	shalt  }
0x46: {  	_ =	shalt  }
0x47: {  	_ =	shalt  }
0x48: {  	_ =	shalt  }
0x49: {  	_ =	shalt  }
0x4a: {  	_ =	shalt  }
0x4b: {  	_ =	shalt  }
0x4c: {  	_ =	shalt  }
0x4d: {  	_ =	shalt  }
0x4e: {  	_ =	shalt  }
0x4f: {  	_ =	shalt  }
0x50: {  	_ =	shalt  }
0x51: {  	_ =	shalt  }
0x52: {  	_ =	shalt  }
0x53: {  	_ =	shalt  }
0x54: {  	_ =	shalt  }
0x55: {  	_ =	shalt  }
0x56: {  	_ =	shalt  }
0x57: {  	_ =	shalt  }
0x58: {  	_ =	shalt  }
0x59: {  	_ =	shalt  }
0x5a: {  	_ =	shalt  }
0x5b: {  	_ =	shalt  }
0x5c: {  	_ =	shalt  }
0x5d: {  	_ =	shalt  }
0x5e: {  	_ =	shalt  }
0x5f: {  	_ =	shalt  }
0x60: {  	_ =	shalt  }
0x61: {  	_ =	shalt  }
0x62: {  	_ =	shalt  }
0x63: {  	_ =	shalt  }
0x64: {  	_ =	shalt  }
0x65: {  	_ =	shalt  }
0x66: {  	_ =	shalt  }
0x67: {  	_ =	shalt  }
0x68: {  	_ =	shalt  }
0x69: {  	_ =	shalt  }
0x6a: {  	_ =	shalt  }
0x6b: {  	_ =	shalt  }
0x6c: {  	_ =	shalt  }
0x6d: {  	_ =	shalt  }
0x6e: {  	_ =	shalt  }
0x6f: {  	_ =	shalt  }
0x70: {  	_ =	shalt  }
0x71: {  	_ =	shalt  }
0x72: {  	_ =	shalt  }
0x73: {  	_ =	shalt  }
0x74: {  	_ =	shalt  }
0x75: {  	_ =	shalt  }
0x76: {  	_ =	shalt  }
0x77: {  	_ =	shalt  }
0x78: {  	_ =	shalt  }
0x79: {  	_ =	shalt  }
0x7a: {  	_ =	shalt  }
0x7b: {  	_ =	shalt  }
0x7c: {  	_ =	shalt  }
0x7d: {  	_ =	shalt  }
0x7e: {  	_ =	shalt  }
0x7f: {  	_ =	shalt  }
0x80: {  	_ =	shalt  }
0x81: {  	_ =	shalt  }
0x82: {  	_ =	shalt  }
0x83: {  	_ =	shalt  }
0x84: {  	_ =	shalt  }
0x85: {  	_ =	shalt  }
0x86: {  	_ =	shalt  }
0x87: {  	_ =	shalt  }
.Lfunc_end0:
.L_simem_size_0:
called_computation_lowered:
.L_overlay_start_0:
0x88: {  	s2 =	sld [smem:$0x3FD9]  }
0x89: {  	s3 =	sld [smem:$0x3FFE];
	_ =	sdelay $0x1  }
0x8a: {  	s1 =	srdreg.scid  }
0x8b: {  	s0 =	sand.u32 $0x1, s1  }
0x8c: {  	s16 =	sshll.u32 s0, $0xA;
	s2 =	sadd.s32 s3, s2  }
0x8d: {  	s2 =	sadd.s32 s2, s16  }
0x8e: {  	[smem:$0x3FBF] =	sst s2  }
0x8f: {  	_ = 	snop  }
0x90: {  	(tm) =	ssettm $0x1  }
0x91: {  	s17 =	sld [smem:$0x3FFB];
	_ =	sdelay $0x3  }
0x92: {  	_ =	strace s17  }
0x93: {  	s2 =	sld [smem:$0x3FFC];
	_ =	sdelay $0x3  }
0x94: {  	_ =	strace s2  }
0x95: {  	s2 =	sld [smem:$0x3FFD];
	_ =	sdelay $0x3  }
0x96: {  	_ =	strace s2  }
0x97: {  	_ =	strace $0x8FFFFFFF  }
0x98: {  	s18 =	sld [smem:$0x3FDB];
	_ =	sdelay $0x1  }
0x99: {  	s19 =	simm.s32 $_scs_section_size  }
0x9a: {  	s4 =	simm.s32 $_size__tile_overlayer_lowered;
	s5 =	simm.s32 $_tile_overlayer_lowered  }
0x9b: {  	s22 =	simm.s32 $0x1BFF;
	s21 =	sshll.u32 s5, $0x1;
	s2 =	sadd.s32 s19, s18  }
0x9c: {  	s6 =	simm.s32 $0x0;
	s20 =	sshll.u32 s4, $0x1;
	s4 =	sadd.s32 s21, s2  }
0x9d: {  	[timem:s6], [sflag:s22] =	dma.local [hbm:s4], s20  }
0x9e: {  	_ =	swait.ge [sflag:s22], s20  }
0x9f: {  	s3 =	ssub.s32 $0x0, s20;
	[sflag:s22] =	ssyncset.done $0x0  }
0xa0: {  	[sflag:s22] =	ssyncadd.s32 s3;
	_ =	sdelay $0x1  }
0xa1: {  	s23 =	simm.s32 $0x1B8B  }
0xa2: {  	_ =	swait.ge [sflag:s23], $0x1  }
0xa3: {  	[sflag:s23] =	ssyncset.done $0x0  }
0xa4: {  	s25 =	simm.s32 $0x1B8E;
	s24 =	sld [smem:$0x3FFE];
	[sflag:s23] =	ssyncadd.s32 $0xFFFFFFFF  }
0xa5: {  	s26 =	simm.s32 $execute0_lowered;
	[smem:$0x3FD2] =	sst s25  }
0xa6: {  	s4 =	sshll.u32 s26, $0x1;
	_ =	strace $0x80000046;
	[dreg:$0x1] =	wrdreg $0xFFFFFFFF  }
0xa7: {  	s28 =	simm.s32 $_size_execute0_lowered;
	s2 =	sadd.s32 s2, s4;
	[dreg:$0x0] =	wrdreg $0x0  }
0xa8: {  	s4 =	sshll.u32 s28, $0x1;
	[dreg:$0x2] =	wrdreg s2  }
0xa9: {  	[dreg:$0x3] =	wrdreg s4  }
0xaa: {  	[dreg:$0x4] =	wrdreg $0xC0  }
0xab: {  	_ =	task [dreg:s6], $0x5FFFF  }
0xac: {  	[dreg:$0x1] =	wrdreg $0xFFFFFFFF  }
0xad: {  	[dreg:$0x0] =	wrdreg $0x60  }
0xae: {  	[dreg:$0x2] =	wrdreg s24  }
0xaf: {  	[dreg:$0x3] =	wrdreg $0x58000  }
0xb0: {  	[dreg:$0x4] =	wrdreg $0x11D800  }
0xb1: {  	[dreg:$0x5] =	wrdreg $0x9  }
0xb2: {  	_ =	task.clear_ibuf [dreg:s6], $0x6FFFF;
	_ =	strace $0x90000046  }
0xb3: {  	s29 =	simm.s32 $0x9;
	_ =	strace $0x80000048  }
0xb4: {  	_ =	swait.ge [sflag:s29], $0x1  }
0xb5: {  	[sflag:s29] =	ssyncadd.s32 $0xFFFFFFFF  }
0xb6: {  	_ =	strace $0x90000048  }
0xb7: {  	_ =	sfence  }
0xb8: {  	s30 =	sld [smem:$0x0];
	_ =	sdelay $0x2  }
0xb9: {  	s31 =	sshll.u32 s1, $0xD;
	s1 =	sshrl.u32 s1, $0x2  }
0xba: {  	s3 =	sand.u32 $0x4000, s31;
	s1 =	sadd.s32 s1, s30  }
0xbb: {  	s0 =	sor.u32 s3, s0;
	s1 =	sshll.u32 s1, $0x11  }
0xbc: {  	s0 =	sor.u32 s1, s0  }
0xbd: {  	s0 =	sadd.s32 $0x8F2B, s0  }
0xbe: {  	[sflag:s0] =	ssyncadd.remote.s32 $0x1  }
0xbf: {  	_ =	sfence.sel $0xFFFF  }
0xc0: {  	[dreg:$0x0] =	wrdreg $0xFFFFFFFF;
	(pc) =	sbr.abs _section_cstart, $3  }
0xc1: {  	[dreg:$0x1] =	wrdreg $0xFFFFFFFF  }
0xc2: {  	_ =	task.clear_ibuf [dreg:s6], $0x2FFFF;
	_ =	strace $0x9FFFFFFF  }
0xc3: {  	(tm) =	ssettm $0x7FFFFFFF  }
tec
execute0_lowered:
.L_overlay_start_1:
0x0: {  	(tag) =	ssettag $0x1  }
0x1: {  	s0 =	srdreg.scid;
	s14 =	stileid.u32  }
0x2: {  	s5 =	rddreg [dreg:$0x0];
	s1 =	smul.u32 $0x278, s14  }
0x3: {  	s2 =	rddreg [dreg:$0x1];
	s6 =	smul.u32 $0x18B00, s14  }
0x4: {  	s3 =	rddreg [dreg:$0x2];
	s28 =	simm.s32 $0x1;
	s12 =	smul.u32 $0x31600, s14  }
0x5: {  	s29 =	simm.s32 $0x2;
	s0 =	sand.u32 $0x1, s0;
	s21 =	smul.u32 $0xA00, s14  }
0x6: {  	s30 =	simm.s32 $0x480;
	s31 =	simm.s32 $0x100;
	s4 =	smul.u32 $0x2780, s0  }
0x7: {  	s26 =	sshll.u32 s14, $0x6;
	s7 =	smul.u32 $0xA000, s0;
	s0 =	ssub.s32 $0x2, s0  }
0x8: {  	s14 =	simm.s32 $0x700;
	s10 =	sshrl.u32 s6, $0x4;
	s24 =	sshrl.u32 s0, $0x1  }
0x9: {  	s25 =	sshrl.u32 s6, $0x1;
	s6 =	sor.u32 $0x1C03, s26;
	s12 =	sshrl.u32 s12, $0x2  }
0xa: {  	s1 =	sadd.s32 s1, s4;
	s4 =	simm.s32 $0x0;
	s11 =	sadd.s32 s7, s5  }
0xb: {  	s10 =	sadd.s32 s10, s5;
	s0 =	ssub.s32 s0, s24;
	s13 =	sadd.s32 s25, s2  }
0xc: {  	s17 =	sadd.s32 s25, s3;
	s8 =	smul.u32 $0xA, s1;
	[smem:$0x7FF] =	sst s4  }
0xd: {  	s1 =	smul.u32 $0xA0, s1;
	s15 =	sadd.s32 $0x32E00, s10;
	s0 =	smax.u32 s0, $0x1  }
0xe: {  	s25 =	sadd.s32 s21, s11;
	_ =	strace $0x80000047;
	[dreg:$0x5] =	wrdreg s6  }
0xf: {  	s26 =	sshrl.u32 s13, $0x3;
	s10 =	simm.s32 $0x600;
	[dreg:$0x7] =	wrdreg s15  }
0x10: {  	s11 =	simm.s32 $0x680;
	s13 =	simm.s32 $0x380;
	[dreg:$0x11] =	wrdreg s0  }
0x11: {  	[dreg:$0x12] =	wrdreg s26;
	s26 =	simm.s32 $0x3000;
	s0 =	simm.s32 $0x500  }
0x12: {  	s15 =	simm.s32 $0x780;
	[dreg:$0x6] =	wrdreg s17;
	s9 =	sadd.s32 s8, s5  }
0x13: {  	s5 =	sadd.s32 $0x73A00, s5;
	s1 =	sshrl.u32 s1, $0x4;
	s9 =	sadd.s32 $0x1800, s9  }
0x14: {  	s1 =	sadd.s32 s5, s1;
	s5 =	sadd.s32 s5, s8;
	[dreg:$0x4] =	wrdreg s9  }
0x15: {  	s8 =	simm.s32 $0x200;
	[dreg:$0x8] =	wrdreg s5;
	s18 =	sadd.s32 $0x500, s1  }
0x16: {  	s9 =	sadd.s32 s12, s3;
	s20 =	sadd.s32 $0xA00, s1;
	[dreg:$0xa] =	wrdreg s18  }
0x17: {  	s23 =	sadd.s32 $0xF00, s1;
	s1 =	sadd.s32 $0x1400, s1;
	[dreg:$0xc] =	wrdreg s20  }
0x18: {  	s5 =	simm.s32 $0x580;
	s12 =	simm.s32 $0x300;
	[dreg:$0xe] =	wrdreg s23  }
0x19: {  	s16 =	sadd.s32 $0x2800, s9;
	s19 =	sadd.s32 $0x5000, s9;
	[dreg:$0x10] =	wrdreg s1  }
0x1a: {  	s22 =	sadd.s32 $0x7800, s9;
	s24 =	sadd.s32 $0xA000, s9;
	[dreg:$0x9] =	wrdreg s16  }
0x1b: {  	s20 =	sadd.s32 $0x4BA00, s25;
	s23 =	simm.s32 $0x400;
	[dreg:$0xb] =	wrdreg s19  }
0x1c: {  	s1 =	simm.s32 $0x180;
	s9 =	simm.s32 $0x280;
	[dreg:$0xd] =	wrdreg s22  }
0x1d: {  	[dreg:$0xf] =	wrdreg s24;
	s19 =	sadd.s32 $0x5FA00, s25;
	s22 =	simm.s32 $0x3  }
0x1e: {  	s24 =	simm.s32 $0x80;
	s25 =	simm.s32 $0x800;
	s16 =	simm.s32 $0x0  }
.LBB2_1:
0x1f: {  	s6 =	rddreg [dreg:$0x4]  }
0x20: {  	s7 =	rddreg [dreg:$0x5]  }
0x21: {  	s18 =	rddreg [dreg:$0x12]  }
0x22: {  	[spmem:s18], [sflag:s7] =	dma.local [hbm:s6], $0x18B0  }
0x23: {  	_ =	swait.ge [sflag:s22], $0x18B0  }
0x24: {  	[sflag:s22] =	ssyncset.done $0x0  }
0x25: {  	s17 =	sshrl.u32 s17, $0x3;
	s21 =	rddreg [dreg:$0x7];
	[sflag:s22] =	ssyncadd.s32 $0xFFFFE750  }
0x26: {  	[spmem:s17], [sflag:s7] =	dma.local [hbm:s21], $0x18B0  }
0x27: {  	_ =	swait.ge [sflag:s22], $0x18B0  }
0x28: {  	[sflag:s22] =	ssyncset.done $0x0  }
0x29: {  	[sflag:s22] =	ssyncadd.s32 $0xFFFFE750  }
0x2a: {  	s18 =	sadd.s32 $0x0, s19;
	[bflag:$0x0] =	sbarrier.arrive $0xFFFF  }
0x2b: {  	[tilespmem:s4], [sflag:$0x3] =	stream.linear.gather [hbm4b:s18+s4], $0x400, $0x38;
	[tilespmem:$0x1E300] =	vst v63  }
0x2c: {  	_ =	swait.ge [sflag:s22], $0x400  }
0x2d: {  	[sflag:s22] =	ssyncset.done $0x0  }
0x2e: {  	s21 =	sadd.s32 $0x0, s20;
	[sflag:s22] =	ssyncadd.s32 $0xFFFFFC00  }
0x2f: {  	[tilespmem:s23], [sflag:$0x3] =	stream.linear.gather [hbm4b:s21+s4], $0x400, $0x38;
	[tilespmem:$0x1E300] =	vst v63  }
0x30: {  	_ =	swait.ge [sflag:s22], $0x400  }
0x31: {  	[sflag:s22] =	ssyncset.done $0x0  }
0x32: {  	[sflag:s22] =	ssyncadd.s32 $0xFFFFFC00  }
0x33: {  	[tilespmem:s25], [sflag:$0x1] =	stream.indirect.gather [spmem:s2], $0x50, s4, s24, $0xb8;
	[tilespmem:$0x1E300] =	vst v63  }
0x34: {  	_ = 	snop  }
0x35: {  	[tilespmem:s26], [sflag:$0x2] =	stream.indirect.gather [spmem:s2], $0x50, s24, s24, $0xb8;
	[tilespmem:$0x1E300] =	vst v63  }
0x36: {  	_ =	swait.ge [sflag:s28], $0x2800  }
0x37: {  	[sflag:s28] =	ssyncset.done $0x0  }
0x38: {  	[sflag:s28] =	ssyncadd.s32 $0xFFFFD800  }
0x39: {  	[spmem:s3] =	stream.indirect.scatter.add.bf16 [tilespmem:s25], [sflag:$0x3], $0x50, s23, s24, $0xb8;
	[tilespmem:$0x1E300] =	vst v63  }
0x3a: {  	_ =	swait.ge [sflag:s22], $0x2800  }
0x3b: {  	[sflag:s22] =	ssyncset.done $0x0  }
0x3c: {  	[sflag:s22] =	ssyncadd.s32 $0xFFFFD800  }
0x3d: {  	_ =	swait.ge [sflag:s29], $0x2800  }
0x3e: {  	[sflag:s29] =	ssyncset.done $0x0  }
0x3f: {  	[sflag:s29] =	ssyncadd.s32 $0xFFFFD800  }
0x40: {  	[spmem:s3] =	stream.indirect.scatter.add.bf16 [tilespmem:s26], [sflag:$0x3], $0x50, s30, s24, $0xb8;
	[tilespmem:$0x1E300] =	vst v63  }
0x41: {  	_ =	swait.ge [sflag:s22], $0x2800  }
0x42: {  	[sflag:s22] =	ssyncset.done $0x0  }
0x43: {  	[sflag:s22] =	ssyncadd.s32 $0xFFFFD800  }
0x44: {  	[tilespmem:s25], [sflag:$0x1] =	stream.indirect.gather [spmem:s2], $0x50, s31, s24, $0xb8;
	[tilespmem:$0x1E300] =	vst v63  }
0x45: {  	_ = 	snop  }
0x46: {  	[tilespmem:s26], [sflag:$0x2] =	stream.indirect.gather [spmem:s2], $0x50, s1, s24, $0xb8;
	[tilespmem:$0x1E300] =	vst v63  }
0x47: {  	_ =	swait.ge [sflag:s28], $0x2800  }
0x48: {  	[sflag:s28] =	ssyncset.done $0x0  }
0x49: {  	[sflag:s28] =	ssyncadd.s32 $0xFFFFD800  }
0x4a: {  	[spmem:s3] =	stream.indirect.scatter.add.bf16 [tilespmem:s25], [sflag:$0x3], $0x50, s0, s24, $0xb8;
	[tilespmem:$0x1E300] =	vst v63  }
0x4b: {  	_ =	swait.ge [sflag:s22], $0x2800  }
0x4c: {  	[sflag:s22] =	ssyncset.done $0x0  }
0x4d: {  	[sflag:s22] =	ssyncadd.s32 $0xFFFFD800  }
0x4e: {  	_ =	swait.ge [sflag:s29], $0x2800  }
0x4f: {  	[sflag:s29] =	ssyncset.done $0x0  }
0x50: {  	[sflag:s29] =	ssyncadd.s32 $0xFFFFD800  }
0x51: {  	[spmem:s3] =	stream.indirect.scatter.add.bf16 [tilespmem:s26], [sflag:$0x3], $0x50, s5, s24, $0xb8;
	[tilespmem:$0x1E300] =	vst v63  }
0x52: {  	_ =	swait.ge [sflag:s22], $0x2800  }
0x53: {  	[sflag:s22] =	ssyncset.done $0x0  }
0x54: {  	[sflag:s22] =	ssyncadd.s32 $0xFFFFD800  }
0x55: {  	[tilespmem:s25], [sflag:$0x1] =	stream.indirect.gather [spmem:s2], $0x50, s8, s24, $0xb8;
	[tilespmem:$0x1E300] =	vst v63  }
0x56: {  	_ = 	snop  }
0x57: {  	[tilespmem:s26], [sflag:$0x2] =	stream.indirect.gather [spmem:s2], $0x50, s9, s24, $0xb8;
	[tilespmem:$0x1E300] =	vst v63  }
0x58: {  	_ =	swait.ge [sflag:s28], $0x2800  }
0x59: {  	[sflag:s28] =	ssyncset.done $0x0  }
0x5a: {  	[sflag:s28] =	ssyncadd.s32 $0xFFFFD800  }
0x5b: {  	[spmem:s3] =	stream.indirect.scatter.add.bf16 [tilespmem:s25], [sflag:$0x3], $0x50, s10, s24, $0xb8;
	[tilespmem:$0x1E300] =	vst v63  }
0x5c: {  	_ =	swait.ge [sflag:s22], $0x2800  }
0x5d: {  	[sflag:s22] =	ssyncset.done $0x0  }
0x5e: {  	[sflag:s22] =	ssyncadd.s32 $0xFFFFD800  }
0x5f: {  	_ =	swait.ge [sflag:s29], $0x2800  }
0x60: {  	[sflag:s29] =	ssyncset.done $0x0  }
0x61: {  	[sflag:s29] =	ssyncadd.s32 $0xFFFFD800  }
0x62: {  	[spmem:s3] =	stream.indirect.scatter.add.bf16 [tilespmem:s26], [sflag:$0x3], $0x50, s11, s24, $0xb8;
	[tilespmem:$0x1E300] =	vst v63  }
0x63: {  	_ =	swait.ge [sflag:s22], $0x2800  }
0x64: {  	[sflag:s22] =	ssyncset.done $0x0  }
0x65: {  	[sflag:s22] =	ssyncadd.s32 $0xFFFFD800  }
0x66: {  	[tilespmem:s25], [sflag:$0x1] =	stream.indirect.gather [spmem:s2], $0x50, s12, s24, $0xb8;
	[tilespmem:$0x1E300] =	vst v63  }
0x67: {  	_ = 	snop  }
0x68: {  	[tilespmem:s26], [sflag:$0x2] =	stream.indirect.gather [spmem:s2], $0x50, s13, s24, $0xb8;
	[tilespmem:$0x1E300] =	vst v63  }
0x69: {  	_ =	swait.ge [sflag:s28], $0x2800  }
0x6a: {  	[sflag:s28] =	ssyncset.done $0x0  }
0x6b: {  	[sflag:s28] =	ssyncadd.s32 $0xFFFFD800  }
0x6c: {  	[spmem:s3] =	stream.indirect.scatter.add.bf16 [tilespmem:s25], [sflag:$0x3], $0x50, s14, s24, $0xb8;
	[tilespmem:$0x1E300] =	vst v63  }
0x6d: {  	_ =	swait.ge [sflag:s22], $0x2800  }
0x6e: {  	[sflag:s22] =	ssyncset.done $0x0  }
0x6f: {  	[sflag:s22] =	ssyncadd.s32 $0xFFFFD800  }
0x70: {  	_ =	swait.ge [sflag:s29], $0x2800  }
0x71: {  	[sflag:s29] =	ssyncset.done $0x0  }
0x72: {  	[sflag:s29] =	ssyncadd.s32 $0xFFFFD800  }
0x73: {  	[spmem:s3] =	stream.indirect.scatter.add.bf16 [tilespmem:s26], [sflag:$0x3], $0x50, s15, s24, $0xb8;
	[tilespmem:$0x1E300] =	vst v63  }
0x74: {  	_ =	swait.ge [sflag:s22], $0x2800  }
0x75: {  	s17 =	simm.s32 $0x80;
	s18 =	simm.s32 $0x100;
	[sflag:s22] =	ssyncset.done $0x0  }
.LBB2_2:
0x76: {  	s6 =	sadd.s32 s17, s19  }
0x77: {  	[sflag:s22] =	ssyncadd.s32 $0xFFFFD800;
	s7 =	smov.u32 s18;
	s21 =	sadd.s32 $0x80, s18  }
0x78: {  	[tilespmem:s4], [sflag:$0x3] =	stream.linear.gather [hbm4b:s6+s4], $0x400, $0x38;
	[tilespmem:$0x1E300] =	vst v63  }
0x79: {  	p0 =	sne.s32 s18, $0x980;
	_ =	swait.ge [sflag:s22], $0x400  }
0x7a: {  	[sflag:s22] =	ssyncset.done $0x0  }
0x7b: {  	s6 =	sadd.s32 s17, s20;
	s17 =	smov.u32 s7;
	[sflag:s22] =	ssyncadd.s32 $0xFFFFFC00  }
0x7c: {  	[tilespmem:s23], [sflag:$0x3] =	stream.linear.gather [hbm4b:s6+s4], $0x400, $0x38;
	[tilespmem:$0x1E300] =	vst v63  }
0x7d: {  	_ =	swait.ge [sflag:s22], $0x400  }
0x7e: {  	[sflag:s22] =	ssyncset.done $0x0  }
0x7f: {  	[sflag:s22] =	ssyncadd.s32 $0xFFFFFC00  }
0x80: {  	[tilespmem:s25], [sflag:$0x1] =	stream.indirect.gather [spmem:s2], $0x50, s4, s24, $0xb8;
	[tilespmem:$0x1E300] =	vst v63  }
0x81: {  	_ = 	snop  }
0x82: {  	[tilespmem:s26], [sflag:$0x2] =	stream.indirect.gather [spmem:s2], $0x50, s24, s24, $0xb8;
	[tilespmem:$0x1E300] =	vst v63  }
0x83: {  	_ =	swait.ge [sflag:s28], $0x2800  }
0x84: {  	[sflag:s28] =	ssyncset.done $0x0  }
0x85: {  	[sflag:s28] =	ssyncadd.s32 $0xFFFFD800  }
0x86: {  	[spmem:s3] =	stream.indirect.scatter.add.bf16 [tilespmem:s25], [sflag:$0x3], $0x50, s23, s24, $0xb8;
	[tilespmem:$0x1E300] =	vst v63  }
0x87: {  	_ =	swait.ge [sflag:s22], $0x2800  }
0x88: {  	[sflag:s22] =	ssyncset.done $0x0  }
0x89: {  	[sflag:s22] =	ssyncadd.s32 $0xFFFFD800  }
0x8a: {  	_ =	swait.ge [sflag:s29], $0x2800  }
0x8b: {  	[sflag:s29] =	ssyncset.done $0x0  }
0x8c: {  	[sflag:s29] =	ssyncadd.s32 $0xFFFFD800  }
0x8d: {  	[spmem:s3] =	stream.indirect.scatter.add.bf16 [tilespmem:s26], [sflag:$0x3], $0x50, s30, s24, $0xb8;
	[tilespmem:$0x1E300] =	vst v63  }
0x8e: {  	_ =	swait.ge [sflag:s22], $0x2800  }
0x8f: {  	[sflag:s22] =	ssyncset.done $0x0  }
0x90: {  	[sflag:s22] =	ssyncadd.s32 $0xFFFFD800  }
0x91: {  	[tilespmem:s25], [sflag:$0x1] =	stream.indirect.gather [spmem:s2], $0x50, s31, s24, $0xb8;
	[tilespmem:$0x1E300] =	vst v63  }
0x92: {  	_ = 	snop  }
0x93: {  	[tilespmem:s26], [sflag:$0x2] =	stream.indirect.gather [spmem:s2], $0x50, s1, s24, $0xb8;
	[tilespmem:$0x1E300] =	vst v63  }
0x94: {  	_ =	swait.ge [sflag:s28], $0x2800  }
0x95: {  	[sflag:s28] =	ssyncset.done $0x0  }
0x96: {  	[sflag:s28] =	ssyncadd.s32 $0xFFFFD800  }
0x97: {  	[spmem:s3] =	stream.indirect.scatter.add.bf16 [tilespmem:s25], [sflag:$0x3], $0x50, s0, s24, $0xb8;
	[tilespmem:$0x1E300] =	vst v63  }
0x98: {  	_ =	swait.ge [sflag:s22], $0x2800  }
0x99: {  	[sflag:s22] =	ssyncset.done $0x0  }
0x9a: {  	[sflag:s22] =	ssyncadd.s32 $0xFFFFD800  }
0x9b: {  	_ =	swait.ge [sflag:s29], $0x2800  }
0x9c: {  	[sflag:s29] =	ssyncset.done $0x0  }
0x9d: {  	[sflag:s29] =	ssyncadd.s32 $0xFFFFD800  }
0x9e: {  	[spmem:s3] =	stream.indirect.scatter.add.bf16 [tilespmem:s26], [sflag:$0x3], $0x50, s5, s24, $0xb8;
	[tilespmem:$0x1E300] =	vst v63  }
0x9f: {  	_ =	swait.ge [sflag:s22], $0x2800  }
0xa0: {  	[sflag:s22] =	ssyncset.done $0x0  }
0xa1: {  	[sflag:s22] =	ssyncadd.s32 $0xFFFFD800  }
0xa2: {  	[tilespmem:s25], [sflag:$0x1] =	stream.indirect.gather [spmem:s2], $0x50, s8, s24, $0xb8;
	[tilespmem:$0x1E300] =	vst v63  }
0xa3: {  	_ = 	snop  }
0xa4: {  	[tilespmem:s26], [sflag:$0x2] =	stream.indirect.gather [spmem:s2], $0x50, s9, s24, $0xb8;
	[tilespmem:$0x1E300] =	vst v63  }
0xa5: {  	_ =	swait.ge [sflag:s28], $0x2800  }
0xa6: {  	[sflag:s28] =	ssyncset.done $0x0  }
0xa7: {  	[sflag:s28] =	ssyncadd.s32 $0xFFFFD800  }
0xa8: {  	[spmem:s3] =	stream.indirect.scatter.add.bf16 [tilespmem:s25], [sflag:$0x3], $0x50, s10, s24, $0xb8;
	[tilespmem:$0x1E300] =	vst v63  }
0xa9: {  	_ =	swait.ge [sflag:s22], $0x2800  }
0xaa: {  	[sflag:s22] =	ssyncset.done $0x0  }
0xab: {  	[sflag:s22] =	ssyncadd.s32 $0xFFFFD800  }
0xac: {  	_ =	swait.ge [sflag:s29], $0x2800  }
0xad: {  	[sflag:s29] =	ssyncset.done $0x0  }
0xae: {  	[sflag:s29] =	ssyncadd.s32 $0xFFFFD800  }
0xaf: {  	[spmem:s3] =	stream.indirect.scatter.add.bf16 [tilespmem:s26], [sflag:$0x3], $0x50, s11, s24, $0xb8;
	[tilespmem:$0x1E300] =	vst v63  }
0xb0: {  	_ =	swait.ge [sflag:s22], $0x2800  }
0xb1: {  	[sflag:s22] =	ssyncset.done $0x0  }
0xb2: {  	[sflag:s22] =	ssyncadd.s32 $0xFFFFD800  }
0xb3: {  	[tilespmem:s25], [sflag:$0x1] =	stream.indirect.gather [spmem:s2], $0x50, s12, s24, $0xb8;
	[tilespmem:$0x1E300] =	vst v63  }
0xb4: {  	_ = 	snop  }
0xb5: {  	[tilespmem:s26], [sflag:$0x2] =	stream.indirect.gather [spmem:s2], $0x50, s13, s24, $0xb8;
	[tilespmem:$0x1E300] =	vst v63  }
0xb6: {  	_ =	swait.ge [sflag:s28], $0x2800  }
0xb7: {  	[sflag:s28] =	ssyncset.done $0x0  }
0xb8: {  	[sflag:s28] =	ssyncadd.s32 $0xFFFFD800  }
0xb9: {  	[spmem:s3] =	stream.indirect.scatter.add.bf16 [tilespmem:s25], [sflag:$0x3], $0x50, s14, s24, $0xb8;
	[tilespmem:$0x1E300] =	vst v63  }
0xba: {  	_ =	swait.ge [sflag:s22], $0x2800  }
0xbb: {  	[sflag:s22] =	ssyncset.done $0x0  }
0xbc: {  	[sflag:s22] =	ssyncadd.s32 $0xFFFFD800  }
0xbd: {  	_ =	swait.ge [sflag:s29], $0x2800  }
.Ltmp0:
0xbe: {  	[sflag:s29] =	ssyncset.done $0x0;
	(pc) =	sbr.rel @p0 .LBB2_2-.Ltmp0, $4  }
0xbf: {  	[sflag:s29] =	ssyncadd.s32 $0xFFFFD800  }
0xc0: {  	[spmem:s3] =	stream.indirect.scatter.add.bf16 [tilespmem:s26], [sflag:$0x3], $0x50, s15, s24, $0xb8;
	[tilespmem:$0x1E300] =	vst v63  }
0xc1: {  	_ =	swait.ge [sflag:s22], $0x2800  }
0xc2: {  	s18 =	smov.u32 s21;
	[sflag:s22] =	ssyncset.done $0x0  }
0xc3: {  	s6 =	sadd.s32 s17, s19;
	[sflag:s22] =	ssyncadd.s32 $0xFFFFD800  }
0xc4: {  	[tilespmem:s4], [sflag:$0x3] =	stream.linear.gather [hbm4b:s6+s4], $0x400, $0x38;
	[tilespmem:$0x1E300] =	vst v63  }
0xc5: {  	_ =	swait.ge [sflag:s22], $0x400  }
0xc6: {  	[sflag:s22] =	ssyncset.done $0x0  }
0xc7: {  	s18 =	sadd.s32 s17, s20;
	[sflag:s22] =	ssyncadd.s32 $0xFFFFFC00  }
0xc8: {  	[tilespmem:s23], [sflag:$0x3] =	stream.linear.gather [hbm4b:s18+s4], $0x400, $0x38;
	[tilespmem:$0x1E300] =	vst v63  }
0xc9: {  	_ =	swait.ge [sflag:s22], $0x400  }
0xca: {  	[sflag:s22] =	ssyncset.done $0x0  }
0xcb: {  	[sflag:s22] =	ssyncadd.s32 $0xFFFFFC00  }
0xcc: {  	[tilespmem:s25], [sflag:$0x1] =	stream.indirect.gather [spmem:s2], $0x50, s4, s24, $0xb8;
	[tilespmem:$0x1E300] =	vst v63  }
0xcd: {  	_ = 	snop  }
0xce: {  	[tilespmem:s26], [sflag:$0x2] =	stream.indirect.gather [spmem:s2], $0x50, s24, s24, $0xb8;
	[tilespmem:$0x1E300] =	vst v63  }
0xcf: {  	_ =	swait.ge [sflag:s28], $0x2800  }
0xd0: {  	[sflag:s28] =	ssyncset.done $0x0  }
0xd1: {  	[sflag:s28] =	ssyncadd.s32 $0xFFFFD800  }
0xd2: {  	[spmem:s3] =	stream.indirect.scatter.add.bf16 [tilespmem:s25], [sflag:$0x3], $0x50, s23, s24, $0xb8;
	[tilespmem:$0x1E300] =	vst v63  }
0xd3: {  	_ =	swait.ge [sflag:s22], $0x2800  }
0xd4: {  	[sflag:s22] =	ssyncset.done $0x0  }
0xd5: {  	[sflag:s22] =	ssyncadd.s32 $0xFFFFD800  }
0xd6: {  	_ =	swait.ge [sflag:s29], $0x2800  }
0xd7: {  	[sflag:s29] =	ssyncset.done $0x0  }
0xd8: {  	[sflag:s29] =	ssyncadd.s32 $0xFFFFD800  }
0xd9: {  	[spmem:s3] =	stream.indirect.scatter.add.bf16 [tilespmem:s26], [sflag:$0x3], $0x50, s30, s24, $0xb8;
	[tilespmem:$0x1E300] =	vst v63  }
0xda: {  	_ =	swait.ge [sflag:s22], $0x2800  }
0xdb: {  	[sflag:s22] =	ssyncset.done $0x0  }
0xdc: {  	[sflag:s22] =	ssyncadd.s32 $0xFFFFD800  }
0xdd: {  	[tilespmem:s25], [sflag:$0x1] =	stream.indirect.gather [spmem:s2], $0x50, s31, s24, $0xb8;
	[tilespmem:$0x1E300] =	vst v63  }
0xde: {  	_ = 	snop  }
0xdf: {  	[tilespmem:s26], [sflag:$0x2] =	stream.indirect.gather [spmem:s2], $0x50, s1, s24, $0xb8;
	[tilespmem:$0x1E300] =	vst v63  }
0xe0: {  	_ =	swait.ge [sflag:s28], $0x2800  }
0xe1: {  	[sflag:s28] =	ssyncset.done $0x0  }
0xe2: {  	[sflag:s28] =	ssyncadd.s32 $0xFFFFD800  }
0xe3: {  	[spmem:s3] =	stream.indirect.scatter.add.bf16 [tilespmem:s25], [sflag:$0x3], $0x50, s0, s24, $0xb8;
	[tilespmem:$0x1E300] =	vst v63  }
0xe4: {  	_ =	swait.ge [sflag:s22], $0x2800  }
0xe5: {  	[sflag:s22] =	ssyncset.done $0x0  }
0xe6: {  	[sflag:s22] =	ssyncadd.s32 $0xFFFFD800  }
0xe7: {  	_ =	swait.ge [sflag:s29], $0x2800  }
0xe8: {  	[sflag:s29] =	ssyncset.done $0x0  }
0xe9: {  	[sflag:s29] =	ssyncadd.s32 $0xFFFFD800  }
0xea: {  	[spmem:s3] =	stream.indirect.scatter.add.bf16 [tilespmem:s26], [sflag:$0x3], $0x50, s5, s24, $0xb8;
	[tilespmem:$0x1E300] =	vst v63  }
0xeb: {  	_ =	swait.ge [sflag:s22], $0x2800  }
0xec: {  	[sflag:s22] =	ssyncset.done $0x0  }
0xed: {  	[sflag:s22] =	ssyncadd.s32 $0xFFFFD800  }
0xee: {  	[tilespmem:s25], [sflag:$0x1] =	stream.indirect.gather [spmem:s2], $0x50, s8, s24, $0xb8;
	[tilespmem:$0x1E300] =	vst v63  }
0xef: {  	_ = 	snop  }
0xf0: {  	[tilespmem:s26], [sflag:$0x2] =	stream.indirect.gather [spmem:s2], $0x50, s9, s24, $0xb8;
	[tilespmem:$0x1E300] =	vst v63  }
0xf1: {  	_ =	swait.ge [sflag:s28], $0x2800  }
0xf2: {  	[sflag:s28] =	ssyncset.done $0x0  }
0xf3: {  	[sflag:s28] =	ssyncadd.s32 $0xFFFFD800  }
0xf4: {  	[spmem:s3] =	stream.indirect.scatter.add.bf16 [tilespmem:s25], [sflag:$0x3], $0x50, s10, s24, $0xb8;
	[tilespmem:$0x1E300] =	vst v63  }
0xf5: {  	_ =	swait.ge [sflag:s22], $0x2800  }
0xf6: {  	[sflag:s22] =	ssyncset.done $0x0  }
0xf7: {  	[sflag:s22] =	ssyncadd.s32 $0xFFFFD800  }
0xf8: {  	_ =	swait.ge [sflag:s29], $0x2800  }
0xf9: {  	[sflag:s29] =	ssyncset.done $0x0  }
0xfa: {  	[sflag:s29] =	ssyncadd.s32 $0xFFFFD800  }
0xfb: {  	[spmem:s3] =	stream.indirect.scatter.add.bf16 [tilespmem:s26], [sflag:$0x3], $0x50, s11, s24, $0xb8;
	[tilespmem:$0x1E300] =	vst v63  }
0xfc: {  	_ =	swait.ge [sflag:s22], $0x2800  }
0xfd: {  	[sflag:s22] =	ssyncset.done $0x0  }
0xfe: {  	[sflag:s22] =	ssyncadd.s32 $0xFFFFD800  }
0xff: {  	[tilespmem:s25], [sflag:$0x1] =	stream.indirect.gather [spmem:s2], $0x50, s12, s24, $0xb8;
	[tilespmem:$0x1E300] =	vst v63  }
0x100: {  	_ = 	snop  }
0x101: {  	[tilespmem:s26], [sflag:$0x2] =	stream.indirect.gather [spmem:s2], $0x50, s13, s24, $0xb8;
	[tilespmem:$0x1E300] =	vst v63  }
0x102: {  	_ =	swait.ge [sflag:s28], $0x2800  }
0x103: {  	[sflag:s28] =	ssyncset.done $0x0  }
0x104: {  	[sflag:s28] =	ssyncadd.s32 $0xFFFFD800  }
0x105: {  	[spmem:s3] =	stream.indirect.scatter.add.bf16 [tilespmem:s25], [sflag:$0x3], $0x50, s14, s24, $0xb8;
	[tilespmem:$0x1E300] =	vst v63  }
0x106: {  	_ =	swait.ge [sflag:s22], $0x2800  }
0x107: {  	[sflag:s22] =	ssyncset.done $0x0  }
0x108: {  	[sflag:s22] =	ssyncadd.s32 $0xFFFFD800  }
0x109: {  	_ =	swait.ge [sflag:s29], $0x2800  }
0x10a: {  	[sflag:s29] =	ssyncset.done $0x0  }
0x10b: {  	[sflag:s29] =	ssyncadd.s32 $0xFFFFD800  }
0x10c: {  	[spmem:s3] =	stream.indirect.scatter.add.bf16 [tilespmem:s26], [sflag:$0x3], $0x50, s15, s24, $0xb8;
	[tilespmem:$0x1E300] =	vst v63  }
0x10d: {  	_ =	swait.ge [sflag:s22], $0x2800  }
0x10e: {  	[sflag:s22] =	ssyncset.done $0x0  }
0x10f: {  	[sflag:s22] =	ssyncadd.s32 $0xFFFFD800  }
0x110: {  	[bflag:$0x0] =	sbarrier.arrive $0xFFFF  }
0x111: {  	s17 =	rddreg [dreg:$0x6]  }
0x112: {  	[tilespmem:s25], [sflag:$0x3] =	stream.linear.gather [spmem:s17], $0x2800, $0x38;
	[tilespmem:$0x1E300] =	vst v63  }
0x113: {  	_ =	swait.ge [sflag:s22], $0x2800  }
0x114: {  	[sflag:s22] =	ssyncset.done $0x0  }
0x115: {  	s21 =	rddreg [dreg:$0x8];
	[sflag:s22] =	ssyncadd.s32 $0xFFFFD800  }
0x116: {  	[hbm4b:s21+s4] =	stream.linear.scatter [tilespmem:s25], [sflag:$0x3], $0x2800, $0x38;
	[tilespmem:$0x1E300] =	vst v63  }
0x117: {  	_ =	swait.ge [sflag:s22], $0x2800  }
0x118: {  	[sflag:s22] =	ssyncset.done $0x0  }
0x119: {  	s7 =	rddreg [dreg:$0x9];
	[sflag:s22] =	ssyncadd.s32 $0xFFFFD800  }
0x11a: {  	[tilespmem:s26], [sflag:$0x3] =	stream.linear.gather [spmem:s7], $0x2800, $0x38;
	[tilespmem:$0x1E300] =	vst v63  }
0x11b: {  	_ =	swait.ge [sflag:s22], $0x2800  }
0x11c: {  	[sflag:s22] =	ssyncset.done $0x0  }
0x11d: {  	s18 =	rddreg [dreg:$0xa];
	[sflag:s22] =	ssyncadd.s32 $0xFFFFD800  }
0x11e: {  	[hbm4b:s18+s4] =	stream.linear.scatter [tilespmem:s26], [sflag:$0x3], $0x2800, $0x38;
	[tilespmem:$0x1E300] =	vst v63  }
0x11f: {  	_ =	swait.ge [sflag:s22], $0x2800  }
0x120: {  	[sflag:s22] =	ssyncset.done $0x0  }
0x121: {  	s21 =	rddreg [dreg:$0xb];
	[sflag:s22] =	ssyncadd.s32 $0xFFFFD800  }
0x122: {  	[tilespmem:s25], [sflag:$0x3] =	stream.linear.gather [spmem:s21], $0x2800, $0x38;
	[tilespmem:$0x1E300] =	vst v63  }
0x123: {  	_ =	swait.ge [sflag:s22], $0x2800  }
0x124: {  	[sflag:s22] =	ssyncset.done $0x0  }
0x125: {  	s7 =	rddreg [dreg:$0xc];
	[sflag:s22] =	ssyncadd.s32 $0xFFFFD800  }
0x126: {  	[hbm4b:s7+s4] =	stream.linear.scatter [tilespmem:s25], [sflag:$0x3], $0x2800, $0x38;
	[tilespmem:$0x1E300] =	vst v63  }
0x127: {  	_ =	swait.ge [sflag:s22], $0x2800  }
0x128: {  	[sflag:s22] =	ssyncset.done $0x0  }
0x129: {  	s18 =	rddreg [dreg:$0xd];
	[sflag:s22] =	ssyncadd.s32 $0xFFFFD800  }
0x12a: {  	[tilespmem:s26], [sflag:$0x3] =	stream.linear.gather [spmem:s18], $0x2800, $0x38;
	[tilespmem:$0x1E300] =	vst v63  }
0x12b: {  	_ =	swait.ge [sflag:s22], $0x2800  }
0x12c: {  	[sflag:s22] =	ssyncset.done $0x0  }
0x12d: {  	s21 =	rddreg [dreg:$0xe];
	[sflag:s22] =	ssyncadd.s32 $0xFFFFD800  }
0x12e: {  	[hbm4b:s21+s4] =	stream.linear.scatter [tilespmem:s26], [sflag:$0x3], $0x2800, $0x38;
	[tilespmem:$0x1E300] =	vst v63  }
0x12f: {  	_ =	swait.ge [sflag:s22], $0x2800  }
0x130: {  	[sflag:s22] =	ssyncset.done $0x0  }
0x131: {  	s7 =	rddreg [dreg:$0xf];
	[sflag:s22] =	ssyncadd.s32 $0xFFFFD800  }
0x132: {  	[tilespmem:s25], [sflag:$0x3] =	stream.linear.gather [spmem:s7], $0x2580, $0x38;
	[tilespmem:$0x1E300] =	vst v63  }
0x133: {  	_ =	swait.ge [sflag:s22], $0x2580  }
0x134: {  	[sflag:s22] =	ssyncset.done $0x0  }
0x135: {  	s18 =	rddreg [dreg:$0x10];
	[sflag:s22] =	ssyncadd.s32 $0xFFFFDA80  }
0x136: {  	[hbm4b:s18+s4] =	stream.linear.scatter [tilespmem:s25], [sflag:$0x3], $0x2580, $0x38;
	[tilespmem:$0x1E300] =	vst v63  }
0x137: {  	_ =	swait.ge [sflag:s22], $0x2580  }
0x138: {  	s16 =	sadd.s32 $0x1, s16;
	s21 =	rddreg [dreg:$0x11]  }
0x139: {  	p0 =	sne.s32 s16, s21  }
.Ltmp1:
0x13a: {  	_ = 	snop;
	(pc) =	sbr.rel @p0 .LBB2_1-.Ltmp1, $3  }
0x13b: {  	_ =	sdelay $0x1  }
0x13c: {  	[sflag:s22] =	ssyncset.done $0x0  }
0x13d: {  	[sflag:s22] =	ssyncadd.s32 $0xFFFFDA80  }
0x13e: {  	_ =	sfence.sel $0x180000  }
0x13f: {  	[bflag:$0x0] =	sbarrier.arrive $0xFFFF  }
0x140: {  	_ =	strace $0x90000047  }
0x141: {  	s0 =	stileid.u32;
	[bflag:$0x2] =	sbarrier.arrive $0xFFFF  }
0x142: {  	p0 =	sne.s32 s0, $0x0;
	s0 =	rddreg [dreg:$0x3]  }
0x143: {  	s0 =	sadd.s32 @!p0 $0x100000, s0  }
0x144: {  	[sflag:s0] =	ssyncadd.tile.s32 @!p0 $0x1;
	_ =	shalt  }
.Lfunc_end2:
_tile_overlayer_lowered:
.L_overlay_start_2:
0x145: {  	(tag) =	ssettag $0x2  }
0x146: {  	s0 =	rddreg [dreg:$0x0];
	s2 =	stileid.u32  }
0x147: {  	s1 =	rddreg [dreg:$0x1];
	p0 =	sne.s32 s2, $0x0  }
0x148: {  	s3 =	rddreg [dreg:$0x2];
	[bflag:$0x3] =	sbarrier.arrive $0xFFFF;
	s2 =	simm.s32 @!p0 $0x1C03  }
0x149: {  	[timem:s3], [sflag:s2] =	dma.local @!p0 [hbm:s0], s1  }
0x14a: {  	s0 =	simm.s32 @!p0 $0x3  }
0x14b: {  	_ =	swait.ge @!p0 [sflag:s0], s1  }
0x14c: {  	s1 =	ssub.s32 @!p0 $0x0, s1;
	[sflag:s0] =	ssyncset.done @!p0 $0x0  }
0x14d: {  	[sflag:s0] =	ssyncadd.s32 @!p0 s1  }
0x14e: {  	[bflag:$0x3] =	sbarrier.arrive $0xFFFF  }
0x14f: {  	_ =	shalt  }

// kernel: kernel.9.cloned.1.call-start
scs
__scs_entry_jumppad:
0x0: {  	(pc) =	sbr.rel $0x88, $3  }
0x1: {  	(tag) =	ssettag $0x0;
	lr =	simm.s32 $0x1  }
0x2: {  	[smem:$0x3F98] =	sst lr;
	_ =	strace $0xD0000000  }
0x3: {  	_ = 	snop  }
0x4: {  	_ = 	snop  }
0x5: {  	_ = 	snop  }
0x6: {  	_ = 	snop  }
0x7: {  	_ = 	snop  }
__scs_overlays_trampoline_lowered:
0x8: {  	[smem:$0x3FA7] =	sst s0  }
0x9: {  	[smem:$0x3FA8] =	sst s1  }
0xa: {  	[smem:$0x3FA9] =	sst s2  }
0xb: {  	[smem:$0x3FAA] =	sst s3  }
0xc: {  	[smem:$0x3FAB] =	sst s4  }
0xd: {  	[smem:$0x3FAC] =	sst s5  }
0xe: {  	[smem:$0x3FAD] =	sst s6  }
0xf: {  	[smem:$0x3FAE] =	sst s7  }
0x10: {  	[smem:$0x3FAF] =	sst s8  }
0x11: {  	[smem:$0x3FB0] =	sst s9;
	s0 =	simm.s32 @!p0 $0x0  }
0x12: {  	s1 =	sld [smem:$0x3F96];
	s0 =	simm.s32 @p0 $0x1  }
0x13: {  	[smem:$0x3FB1] =	sst s0;
	s0 =	simm.s32 @!p1 $0x0  }
0x14: {  	s2 =	sld [smem:$0x3F95];
	s0 =	simm.s32 @p1 $0x1  }
0x15: {  	[smem:$0x3FB2] =	sst s0;
	s0 =	simm.s32 @!p2 $0x0  }
0x16: {  	s3 =	sld [smem:$0x3FDB];
	s0 =	simm.s32 @p2 $0x1  }
0x17: {  	s4 =	simm.s32 $0x1BF5;
	[smem:$0x3FB4] =	sst s0  }
0x18: {  	s0 =	sld [smem:$0x3F97];
	_ =	swait.ge [sflag:s4], $0x0  }
0x19: {  	s7 =	sld [smem:$0x3F98]  }
0x1a: {  	s8 =	sadd.s32 $0xFFFFE003, lr  }
0x1b: {  	s9 =	sadd.s32 $0xFFFFFEF7, lr;
	s5 =	simm.s32 $0xFFFFFFFF;
	p2 =	slt.u32 s8, $0xFFFFF086  }
0x1c: {  	p1 =	slt.u32 s9, $0xF7A;
	s5 =	simm.s32 @!p2 $0x0  }
0x1d: {  	s5 =	simm.s32 @p1 $0x1;
	p0 =	seq.s32 s7, s2  }
0x1e: {  	s7 =	smul.u32 @!p0 $0xF7A, s2;
	p2 =	seq.s32 @!p0 s5, $0x0  }
0x1f: {  	s9 =	smul.u32 $0xF7A, s1;
	s8 =	simm.s32 @!p0 $0x1BF5;
	p2 =	por !p2, p0  }
0x20: {  	[sflag:s8] =	ssyncset.s32 @!p0 $0xFFFFF086;
	s6 =	sadd.s32 @!p0 s3, s7;
	s7 =	simm.s32 @!p0 $0x108  }
0x21: {  	s3 =	sadd.s32 s3, s9;
	s6 =	sadd.s32 @!p0 $0x88, s6;
	s7 =	simm.s32 @p2 $0x1082  }
0x22: {  	[simem:s7], [sflag:s8] =	dma.local @!p0 [hbm:s6], $0xF7A  }
0x23: {  	s9 =	sor.u32 $0xD0000000, s2;
	s6 =	simm.s32 $0x108;
	_ =	swait.ge @!p0 [sflag:s8], $0x0  }
0x24: {  	s3 =	sadd.s32 $0x88, s3;
	s6 =	simm.s32 @!p1 $0x1082;
	[sflag:s4] =	ssyncset.s32 $0xFFFFF086  }
0x25: {  	[simem:s6], [sflag:s4] =	dma.local [hbm:s3], $0xF7A  }
0x26: {  	[smem:$0x3F98] =	sst s1;
	(tag) =	ssettag s2;
	_ =	strace s9  }
0x27: {  	s1 =	sld [smem:$0x3FA8]  }
0x28: {  	s2 =	sld [smem:$0x3FA9]  }
0x29: {  	s4 =	sld [smem:$0x3FAB]  }
0x2a: {  	p0 =	seq.s32 s5, $0x0;
	s5 =	sld [smem:$0x3FAC]  }
0x2b: {  	s6 =	sld [smem:$0x3FAD]  }
0x2c: {  	s7 =	sld [smem:$0x3FAE]  }
0x2d: {  	s3 =	simm.s32 $0x108;
	s8 =	sld [smem:$0x3FAF]  }
0x2e: {  	s3 =	simm.s32 @!p0 $0x1082;
	s9 =	sld [smem:$0x3FB0]  }
0x2f: {  	lr =	sadd.s32 s0, s3;
	s0 =	sld [smem:$0x3FA7]  }
0x30: {  	s3 =	sld [smem:$0x3FAA]  }
0x31: {  	[smem:$0x3FB3] =	sst s10  }
0x32: {  	s10 =	sld [smem:$0x3FB1];
	_ =	sdelay $0x3  }
0x33: {  	p0 =	seq.s32 s10, $0x1;
	s10 =	sld [smem:$0x3FB3];
	_ =	sdelay $0x3  }
0x34: {  	[smem:$0x3FB3] =	sst s10  }
0x35: {  	s10 =	sld [smem:$0x3FB2];
	_ =	sdelay $0x3  }
0x36: {  	p1 =	seq.s32 s10, $0x1;
	s10 =	sld [smem:$0x3FB3];
	_ =	sdelay $0x3  }
0x37: {  	[smem:$0x3FB3] =	sst s10  }
0x38: {  	s10 =	sld [smem:$0x3FB4]  }
0x39: {  	_ = 	snop;
	(pc) =	sbr.ind lr, $3  }
0x3a: {  	_ = 	snop  }
0x3b: {  	_ = 	snop  }
0x3c: {  	p2 =	seq.s32 s10, $0x1;
	s10 =	sld [smem:$0x3FB3]  }
0x3d: {  	_ =	shalt  }
0x3e: {  	_ =	shalt  }
0x3f: {  	_ =	shalt  }
0x40: {  	_ =	shalt  }
0x41: {  	_ =	shalt  }
0x42: {  	_ =	shalt  }
0x43: {  	_ =	shalt  }
0x44: {  	_ =	shalt  }
0x45: {  	_ =	shalt  }
0x46: {  	_ =	shalt  }
0x47: {  	_ =	shalt  }
0x48: {  	_ =	shalt  }
0x49: {  	_ =	shalt  }
0x4a: {  	_ =	shalt  }
0x4b: {  	_ =	shalt  }
0x4c: {  	_ =	shalt  }
0x4d: {  	_ =	shalt  }
0x4e: {  	_ =	shalt  }
0x4f: {  	_ =	shalt  }
0x50: {  	_ =	shalt  }
0x51: {  	_ =	shalt  }
0x52: {  	_ =	shalt  }
0x53: {  	_ =	shalt  }
0x54: {  	_ =	shalt  }
0x55: {  	_ =	shalt  }
0x56: {  	_ =	shalt  }
0x57: {  	_ =	shalt  }
0x58: {  	_ =	shalt  }
0x59: {  	_ =	shalt  }
0x5a: {  	_ =	shalt  }
0x5b: {  	_ =	shalt  }
0x5c: {  	_ =	shalt  }
0x5d: {  	_ =	shalt  }
0x5e: {  	_ =	shalt  }
0x5f: {  	_ =	shalt  }
0x60: {  	_ =	shalt  }
0x61: {  	_ =	shalt  }
0x62: {  	_ =	shalt  }
0x63: {  	_ =	shalt  }
0x64: {  	_ =	shalt  }
0x65: {  	_ =	shalt  }
0x66: {  	_ =	shalt  }
0x67: {  	_ =	shalt  }
0x68: {  	_ =	shalt  }
0x69: {  	_ =	shalt  }
0x6a: {  	_ =	shalt  }
0x6b: {  	_ =	shalt  }
0x6c: {  	_ =	shalt  }
0x6d: {  	_ =	shalt  }
0x6e: {  	_ =	shalt  }
0x6f: {  	_ =	shalt  }
0x70: {  	_ =	shalt  }
0x71: {  	_ =	shalt  }
0x72: {  	_ =	shalt  }
0x73: {  	_ =	shalt  }
0x74: {  	_ =	shalt  }
0x75: {  	_ =	shalt  }
0x76: {  	_ =	shalt  }
0x77: {  	_ =	shalt  }
0x78: {  	_ =	shalt  }
0x79: {  	_ =	shalt  }
0x7a: {  	_ =	shalt  }
0x7b: {  	_ =	shalt  }
0x7c: {  	_ =	shalt  }
0x7d: {  	_ =	shalt  }
0x7e: {  	_ =	shalt  }
0x7f: {  	_ =	shalt  }
0x80: {  	_ =	shalt  }
0x81: {  	_ =	shalt  }
0x82: {  	_ =	shalt  }
0x83: {  	_ =	shalt  }
0x84: {  	_ =	shalt  }
0x85: {  	_ =	shalt  }
0x86: {  	_ =	shalt  }
0x87: {  	_ =	shalt  }
.Lfunc_end0:
.L_simem_size_0:
called_computation.1_lowered:
.L_overlay_start_0:
0x88: {  	s2 =	sld [smem:$0x3FD9]  }
0x89: {  	s3 =	sld [smem:$0x3FFE];
	_ =	sdelay $0x1  }
0x8a: {  	s1 =	srdreg.scid  }
0x8b: {  	s0 =	sand.u32 $0x1, s1  }
0x8c: {  	s16 =	sshll.u32 s0, $0xA;
	s2 =	sadd.s32 s3, s2  }
0x8d: {  	s2 =	sadd.s32 s2, s16  }
0x8e: {  	[smem:$0x3FBF] =	sst s2  }
0x8f: {  	_ = 	snop  }
0x90: {  	(tm) =	ssettm $0x1  }
0x91: {  	s17 =	sld [smem:$0x3FFB];
	_ =	sdelay $0x3  }
0x92: {  	_ =	strace s17  }
0x93: {  	s2 =	sld [smem:$0x3FFC];
	_ =	sdelay $0x3  }
0x94: {  	_ =	strace s2  }
0x95: {  	s2 =	sld [smem:$0x3FFD];
	_ =	sdelay $0x3  }
0x96: {  	_ =	strace s2  }
0x97: {  	_ =	strace $0x8FFFFFFF  }
0x98: {  	s18 =	sld [smem:$0x3FDB];
	_ =	sdelay $0x1  }
0x99: {  	s19 =	simm.s32 $_scs_section_size  }
0x9a: {  	s4 =	simm.s32 $_size__tile_overlayer_lowered;
	s5 =	simm.s32 $_tile_overlayer_lowered  }
0x9b: {  	s22 =	simm.s32 $0x1BFF;
	s21 =	sshll.u32 s5, $0x1;
	s2 =	sadd.s32 s19, s18  }
0x9c: {  	s6 =	simm.s32 $0x0;
	s20 =	sshll.u32 s4, $0x1;
	s4 =	sadd.s32 s21, s2  }
0x9d: {  	[timem:s6], [sflag:s22] =	dma.local [hbm:s4], s20  }
0x9e: {  	_ =	swait.ge [sflag:s22], s20  }
0x9f: {  	s3 =	ssub.s32 $0x0, s20;
	[sflag:s22] =	ssyncset.done $0x0  }
0xa0: {  	[sflag:s22] =	ssyncadd.s32 s3;
	_ =	sdelay $0x1  }
0xa1: {  	s23 =	simm.s32 $0x1B8B  }
0xa2: {  	_ =	swait.ge [sflag:s23], $0x1  }
0xa3: {  	[sflag:s23] =	ssyncset.done $0x0  }
0xa4: {  	s25 =	simm.s32 $0x1B8E;
	s24 =	sld [smem:$0x3FFE];
	[sflag:s23] =	ssyncadd.s32 $0xFFFFFFFF  }
0xa5: {  	s26 =	simm.s32 $execute0_lowered;
	[smem:$0x3FD2] =	sst s25  }
0xa6: {  	s4 =	sshll.u32 s26, $0x1;
	_ =	strace $0x80000049;
	[dreg:$0x1] =	wrdreg $0xFFFFFFFF  }
0xa7: {  	s28 =	simm.s32 $_size_execute0_lowered;
	s2 =	sadd.s32 s2, s4;
	[dreg:$0x0] =	wrdreg $0x0  }
0xa8: {  	s4 =	sshll.u32 s28, $0x1;
	[dreg:$0x2] =	wrdreg s2  }
0xa9: {  	[dreg:$0x3] =	wrdreg s4  }
0xaa: {  	[dreg:$0x4] =	wrdreg $0xC0  }
0xab: {  	_ =	task [dreg:s6], $0x5FFFF  }
0xac: {  	[dreg:$0x1] =	wrdreg $0xFFFFFFFF  }
0xad: {  	[dreg:$0x0] =	wrdreg $0x60  }
0xae: {  	[dreg:$0x2] =	wrdreg s24  }
0xaf: {  	[dreg:$0x3] =	wrdreg $0x58000  }
0xb0: {  	[dreg:$0x4] =	wrdreg $0x11D800  }
0xb1: {  	[dreg:$0x5] =	wrdreg $0x9  }
0xb2: {  	_ =	task.clear_ibuf [dreg:s6], $0x6FFFF;
	_ =	strace $0x90000049  }
0xb3: {  	s29 =	simm.s32 $0x9;
	_ =	strace $0x8000004B  }
0xb4: {  	_ =	swait.ge [sflag:s29], $0x1  }
0xb5: {  	[sflag:s29] =	ssyncadd.s32 $0xFFFFFFFF  }
0xb6: {  	_ =	strace $0x9000004B  }
0xb7: {  	_ =	sfence  }
0xb8: {  	s30 =	sld [smem:$0x0];
	_ =	sdelay $0x2  }
0xb9: {  	s31 =	sshll.u32 s1, $0xD;
	s1 =	sshrl.u32 s1, $0x2  }
0xba: {  	s3 =	sand.u32 $0x4000, s31;
	s1 =	sadd.s32 s1, s30  }
0xbb: {  	s0 =	sor.u32 s3, s0;
	s1 =	sshll.u32 s1, $0x11  }
0xbc: {  	s0 =	sor.u32 s1, s0  }
0xbd: {  	s0 =	sadd.s32 $0x8F2B, s0  }
0xbe: {  	[sflag:s0] =	ssyncadd.remote.s32 $0x1  }
0xbf: {  	_ =	sfence.sel $0xFFFF  }
0xc0: {  	[dreg:$0x0] =	wrdreg $0xFFFFFFFF;
	(pc) =	sbr.abs _section_cstart, $3  }
0xc1: {  	[dreg:$0x1] =	wrdreg $0xFFFFFFFF  }
0xc2: {  	_ =	task.clear_ibuf [dreg:s6], $0x2FFFF;
	_ =	strace $0x9FFFFFFF  }
0xc3: {  	(tm) =	ssettm $0x7FFFFFFF  }
tec
execute0_lowered:
.L_overlay_start_1:
0x0: {  	(tag) =	ssettag $0x1  }
0x1: {  	s0 =	rddreg [dreg:$0x0]  }
0x2: {  	s2 =	rddreg [dreg:$0x1]  }
0x3: {  	s1 =	srdreg.scid;
	s3 =	rddreg [dreg:$0x2]  }
0x4: {  	s12 =	stileid.u32;
	s4 =	simm.s32 $0x0;
	s14 =	simm.s32 $0x3  }
0x5: {  	s28 =	simm.s32 $0x200;
	s29 =	simm.s32 $0x280;
	s6 =	smul.u32 $0x18B0, s12  }
0x6: {  	s30 =	simm.s32 $0x600;
	s31 =	simm.s32 $0x680;
	s16 =	smul.u32 $0x18B00, s12  }
0x7: {  	s1 =	sand.u32 $0x1, s1;
	[smem:$0x7FF] =	sst s4;
	s19 =	smul.u32 $0xA00, s12  }
0x8: {  	s9 =	sshll.u32 s12, $0x7;
	s18 =	sshll.u32 s12, $0x6;
	s5 =	smul.u32 $0x18B00, s1  }
0x9: {  	s7 =	smul.u32 $0xA000, s1;
	_ =	strace $0x8000004A;
	s8 =	sshll.u32 s1, $0xB  }
0xa: {  	s1 =	ssub.s32 $0x2, s1;
	s20 =	sor.u32 $0x1C03, s18;
	s18 =	simm.s32 $0x800  }
0xb: {  	s10 =	sshrl.u32 s16, $0x4;
	s8 =	sor.u32 s9, s8;
	s11 =	sshrl.u32 s1, $0x1  }
0xc: {  	s17 =	sshrl.u32 s16, $0x1;
	[dreg:$0x5] =	wrdreg s20;
	s16 =	simm.s32 $0x400  }
0xd: {  	s20 =	simm.s32 $0x1;
	s5 =	sadd.s32 s6, s5;
	s7 =	sadd.s32 s7, s0  }
0xe: {  	s9 =	sshrl.u32 s8, $0x3;
	s8 =	smul.u32 $0xA, s8;
	s10 =	sadd.s32 s10, s0  }
0xf: {  	s1 =	ssub.s32 s1, s11;
	s13 =	sadd.s32 s17, s2;
	s21 =	sadd.s32 s17, s3  }
0x10: {  	s17 =	simm.s32 $0x80;
	s5 =	sadd.s32 s5, s0;
	s9 =	sadd.s32 s9, s0  }
0x11: {  	s22 =	sadd.s32 $0x32E00, s10;
	s7 =	sadd.s32 s19, s7;
	s24 =	smax.u32 s1, $0x1  }
0x12: {  	s25 =	sshrl.u32 s13, $0x3;
	s26 =	sshrl.u32 s21, $0x3;
	s19 =	simm.s32 $0x3000  }
0x13: {  	s21 =	simm.s32 $0x2;
	s1 =	simm.s32 $0x380;
	[dreg:$0x6] =	wrdreg s22  }
0x14: {  	s0 =	sadd.s32 s8, s0;
	s5 =	sadd.s32 $0x1800, s5;
	[dreg:$0x9] =	wrdreg s24  }
0x15: {  	s23 =	sadd.s32 $0xA5000, s9;
	s11 =	sadd.s32 $0x5FA00, s7;
	[dreg:$0xa] =	wrdreg s25  }
0x16: {  	s12 =	sadd.s32 $0x4BA00, s7;
	[dreg:$0xb] =	wrdreg s26;
	s22 =	simm.s32 $0x480  }
0x17: {  	s24 =	simm.s32 $0x180;
	s25 =	simm.s32 $0x500;
	s26 =	simm.s32 $0x580  }
0x18: {  	s7 =	simm.s32 $0x780;
	s8 =	simm.s32 $0x0;
	[dreg:$0x4] =	wrdreg s5  }
0x19: {  	[dreg:$0x7] =	wrdreg s23;
	s0 =	sadd.s32 $0x73A00, s0;
	s23 =	simm.s32 $0x100  }
0x1a: {  	s5 =	simm.s32 $0x700;
	[dreg:$0x8] =	wrdreg s0;
	s0 =	simm.s32 $0x300  }
.LBB2_1:
0x1b: {  	s6 =	rddreg [dreg:$0x4]  }
0x1c: {  	s9 =	rddreg [dreg:$0x5]  }
0x1d: {  	s10 =	rddreg [dreg:$0xa]  }
0x1e: {  	[spmem:s10], [sflag:s9] =	dma.local [hbm:s6], $0x18B0  }
0x1f: {  	_ =	swait.ge [sflag:s14], $0x18B0  }
0x20: {  	[sflag:s14] =	ssyncset.done $0x0;
	s13 =	rddreg [dreg:$0x6]  }
0x21: {  	s15 =	rddreg [dreg:$0xb];
	[sflag:s14] =	ssyncadd.s32 $0xFFFFE750  }
0x22: {  	[spmem:s15], [sflag:s9] =	dma.local [hbm:s13], $0x18B0  }
0x23: {  	_ =	swait.ge [sflag:s14], $0x18B0  }
0x24: {  	[sflag:s14] =	ssyncset.done $0x0  }
0x25: {  	[sflag:s14] =	ssyncadd.s32 $0xFFFFE750  }
0x26: {  	s13 =	sadd.s32 $0x0, s11;
	[bflag:$0x0] =	sbarrier.arrive $0xFFFF  }
0x27: {  	[tilespmem:s4], [sflag:$0x3] =	stream.linear.gather [hbm4b:s13+s4], $0x400, $0x38;
	[tilespmem:$0x1E300] =	vst v63  }
0x28: {  	_ =	swait.ge [sflag:s14], $0x400  }
0x29: {  	[sflag:s14] =	ssyncset.done $0x0  }
0x2a: {  	s15 =	sadd.s32 $0x0, s12;
	[sflag:s14] =	ssyncadd.s32 $0xFFFFFC00  }
0x2b: {  	[tilespmem:s16], [sflag:$0x3] =	stream.linear.gather [hbm4b:s15+s4], $0x400, $0x38;
	[tilespmem:$0x1E300] =	vst v63  }
0x2c: {  	_ =	swait.ge [sflag:s14], $0x400  }
0x2d: {  	[sflag:s14] =	ssyncset.done $0x0  }
0x2e: {  	[sflag:s14] =	ssyncadd.s32 $0xFFFFFC00  }
0x2f: {  	[tilespmem:s18], [sflag:$0x1] =	stream.indirect.gather [spmem:s2], $0x50, s4, s17, $0xb8;
	[tilespmem:$0x1E300] =	vst v63  }
0x30: {  	_ = 	snop  }
0x31: {  	[tilespmem:s19], [sflag:$0x2] =	stream.indirect.gather [spmem:s2], $0x50, s17, s17, $0xb8;
	[tilespmem:$0x1E300] =	vst v63  }
0x32: {  	_ =	swait.ge [sflag:s20], $0x2800  }
0x33: {  	[sflag:s20] =	ssyncset.done $0x0  }
0x34: {  	[sflag:s20] =	ssyncadd.s32 $0xFFFFD800  }
0x35: {  	[spmem:s3] =	stream.indirect.scatter.add.bf16 [tilespmem:s18], [sflag:$0x3], $0x50, s16, s17, $0xb8;
	[tilespmem:$0x1E300] =	vst v63  }
0x36: {  	_ =	swait.ge [sflag:s14], $0x2800  }
0x37: {  	[sflag:s14] =	ssyncset.done $0x0  }
0x38: {  	[sflag:s14] =	ssyncadd.s32 $0xFFFFD800  }
0x39: {  	_ =	swait.ge [sflag:s21], $0x2800  }
0x3a: {  	[sflag:s21] =	ssyncset.done $0x0  }
0x3b: {  	[sflag:s21] =	ssyncadd.s32 $0xFFFFD800  }
0x3c: {  	[spmem:s3] =	stream.indirect.scatter.add.bf16 [tilespmem:s19], [sflag:$0x3], $0x50, s22, s17, $0xb8;
	[tilespmem:$0x1E300] =	vst v63  }
0x3d: {  	_ =	swait.ge [sflag:s14], $0x2800  }
0x3e: {  	[sflag:s14] =	ssyncset.done $0x0  }
0x3f: {  	[sflag:s14] =	ssyncadd.s32 $0xFFFFD800  }
0x40: {  	[tilespmem:s18], [sflag:$0x1] =	stream.indirect.gather [spmem:s2], $0x50, s23, s17, $0xb8;
	[tilespmem:$0x1E300] =	vst v63  }
0x41: {  	_ = 	snop  }
0x42: {  	[tilespmem:s19], [sflag:$0x2] =	stream.indirect.gather [spmem:s2], $0x50, s24, s17, $0xb8;
	[tilespmem:$0x1E300] =	vst v63  }
0x43: {  	_ =	swait.ge [sflag:s20], $0x2800  }
0x44: {  	[sflag:s20] =	ssyncset.done $0x0  }
0x45: {  	[sflag:s20] =	ssyncadd.s32 $0xFFFFD800  }
0x46: {  	[spmem:s3] =	stream.indirect.scatter.add.bf16 [tilespmem:s18], [sflag:$0x3], $0x50, s25, s17, $0xb8;
	[tilespmem:$0x1E300] =	vst v63  }
0x47: {  	_ =	swait.ge [sflag:s14], $0x2800  }
0x48: {  	[sflag:s14] =	ssyncset.done $0x0  }
0x49: {  	[sflag:s14] =	ssyncadd.s32 $0xFFFFD800  }
0x4a: {  	_ =	swait.ge [sflag:s21], $0x2800  }
0x4b: {  	[sflag:s21] =	ssyncset.done $0x0  }
0x4c: {  	[sflag:s21] =	ssyncadd.s32 $0xFFFFD800  }
0x4d: {  	[spmem:s3] =	stream.indirect.scatter.add.bf16 [tilespmem:s19], [sflag:$0x3], $0x50, s26, s17, $0xb8;
	[tilespmem:$0x1E300] =	vst v63  }
0x4e: {  	_ =	swait.ge [sflag:s14], $0x2800  }
0x4f: {  	[sflag:s14] =	ssyncset.done $0x0  }
0x50: {  	[sflag:s14] =	ssyncadd.s32 $0xFFFFD800  }
0x51: {  	[tilespmem:s18], [sflag:$0x1] =	stream.indirect.gather [spmem:s2], $0x50, s28, s17, $0xb8;
	[tilespmem:$0x1E300] =	vst v63  }
0x52: {  	_ = 	snop  }
0x53: {  	[tilespmem:s19], [sflag:$0x2] =	stream.indirect.gather [spmem:s2], $0x50, s29, s17, $0xb8;
	[tilespmem:$0x1E300] =	vst v63  }
0x54: {  	_ =	swait.ge [sflag:s20], $0x2800  }
0x55: {  	[sflag:s20] =	ssyncset.done $0x0  }
0x56: {  	[sflag:s20] =	ssyncadd.s32 $0xFFFFD800  }
0x57: {  	[spmem:s3] =	stream.indirect.scatter.add.bf16 [tilespmem:s18], [sflag:$0x3], $0x50, s30, s17, $0xb8;
	[tilespmem:$0x1E300] =	vst v63  }
0x58: {  	_ =	swait.ge [sflag:s14], $0x2800  }
0x59: {  	[sflag:s14] =	ssyncset.done $0x0  }
0x5a: {  	[sflag:s14] =	ssyncadd.s32 $0xFFFFD800  }
0x5b: {  	_ =	swait.ge [sflag:s21], $0x2800  }
0x5c: {  	[sflag:s21] =	ssyncset.done $0x0  }
0x5d: {  	[sflag:s21] =	ssyncadd.s32 $0xFFFFD800  }
0x5e: {  	[spmem:s3] =	stream.indirect.scatter.add.bf16 [tilespmem:s19], [sflag:$0x3], $0x50, s31, s17, $0xb8;
	[tilespmem:$0x1E300] =	vst v63  }
0x5f: {  	_ =	swait.ge [sflag:s14], $0x2800  }
0x60: {  	[sflag:s14] =	ssyncset.done $0x0  }
0x61: {  	[sflag:s14] =	ssyncadd.s32 $0xFFFFD800  }
0x62: {  	[tilespmem:s18], [sflag:$0x1] =	stream.indirect.gather [spmem:s2], $0x50, s0, s17, $0xb8;
	[tilespmem:$0x1E300] =	vst v63  }
0x63: {  	_ = 	snop  }
0x64: {  	[tilespmem:s19], [sflag:$0x2] =	stream.indirect.gather [spmem:s2], $0x50, s1, s17, $0xb8;
	[tilespmem:$0x1E300] =	vst v63  }
0x65: {  	_ =	swait.ge [sflag:s20], $0x2800  }
0x66: {  	[sflag:s20] =	ssyncset.done $0x0  }
0x67: {  	[sflag:s20] =	ssyncadd.s32 $0xFFFFD800  }
0x68: {  	[spmem:s3] =	stream.indirect.scatter.add.bf16 [tilespmem:s18], [sflag:$0x3], $0x50, s5, s17, $0xb8;
	[tilespmem:$0x1E300] =	vst v63  }
0x69: {  	_ =	swait.ge [sflag:s14], $0x2800  }
0x6a: {  	[sflag:s14] =	ssyncset.done $0x0  }
0x6b: {  	[sflag:s14] =	ssyncadd.s32 $0xFFFFD800  }
0x6c: {  	_ =	swait.ge [sflag:s21], $0x2800  }
0x6d: {  	[sflag:s21] =	ssyncset.done $0x0  }
0x6e: {  	[sflag:s21] =	ssyncadd.s32 $0xFFFFD800  }
0x6f: {  	[spmem:s3] =	stream.indirect.scatter.add.bf16 [tilespmem:s19], [sflag:$0x3], $0x50, s7, s17, $0xb8;
	[tilespmem:$0x1E300] =	vst v63  }
0x70: {  	_ =	swait.ge [sflag:s14], $0x2800  }
0x71: {  	s10 =	simm.s32 $0x100;
	s9 =	simm.s32 $0x80;
	[sflag:s14] =	ssyncset.done $0x0  }
.LBB2_2:
0x72: {  	s15 =	sadd.s32 s9, s11  }
0x73: {  	[sflag:s14] =	ssyncadd.s32 $0xFFFFD800;
	s6 =	smov.u32 s10;
	s13 =	sadd.s32 $0x80, s10  }
0x74: {  	[tilespmem:s4], [sflag:$0x3] =	stream.linear.gather [hbm4b:s15+s4], $0x400, $0x38;
	[tilespmem:$0x1E300] =	vst v63  }
0x75: {  	p0 =	sne.s32 s10, $0x980;
	_ =	swait.ge [sflag:s14], $0x400  }
0x76: {  	[sflag:s14] =	ssyncset.done $0x0  }
0x77: {  	s10 =	sadd.s32 s9, s12;
	s9 =	smov.u32 s6;
	[sflag:s14] =	ssyncadd.s32 $0xFFFFFC00  }
0x78: {  	[tilespmem:s16], [sflag:$0x3] =	stream.linear.gather [hbm4b:s10+s4], $0x400, $0x38;
	[tilespmem:$0x1E300] =	vst v63  }
0x79: {  	_ =	swait.ge [sflag:s14], $0x400  }
0x7a: {  	[sflag:s14] =	ssyncset.done $0x0  }
0x7b: {  	[sflag:s14] =	ssyncadd.s32 $0xFFFFFC00  }
0x7c: {  	[tilespmem:s18], [sflag:$0x1] =	stream.indirect.gather [spmem:s2], $0x50, s4, s17, $0xb8;
	[tilespmem:$0x1E300] =	vst v63  }
0x7d: {  	_ = 	snop  }
0x7e: {  	[tilespmem:s19], [sflag:$0x2] =	stream.indirect.gather [spmem:s2], $0x50, s17, s17, $0xb8;
	[tilespmem:$0x1E300] =	vst v63  }
0x7f: {  	_ =	swait.ge [sflag:s20], $0x2800  }
0x80: {  	[sflag:s20] =	ssyncset.done $0x0  }
0x81: {  	[sflag:s20] =	ssyncadd.s32 $0xFFFFD800  }
0x82: {  	[spmem:s3] =	stream.indirect.scatter.add.bf16 [tilespmem:s18], [sflag:$0x3], $0x50, s16, s17, $0xb8;
	[tilespmem:$0x1E300] =	vst v63  }
0x83: {  	_ =	swait.ge [sflag:s14], $0x2800  }
0x84: {  	[sflag:s14] =	ssyncset.done $0x0  }
0x85: {  	[sflag:s14] =	ssyncadd.s32 $0xFFFFD800  }
0x86: {  	_ =	swait.ge [sflag:s21], $0x2800  }
0x87: {  	[sflag:s21] =	ssyncset.done $0x0  }
0x88: {  	[sflag:s21] =	ssyncadd.s32 $0xFFFFD800  }
0x89: {  	[spmem:s3] =	stream.indirect.scatter.add.bf16 [tilespmem:s19], [sflag:$0x3], $0x50, s22, s17, $0xb8;
	[tilespmem:$0x1E300] =	vst v63  }
0x8a: {  	_ =	swait.ge [sflag:s14], $0x2800  }
0x8b: {  	[sflag:s14] =	ssyncset.done $0x0  }
0x8c: {  	[sflag:s14] =	ssyncadd.s32 $0xFFFFD800  }
0x8d: {  	[tilespmem:s18], [sflag:$0x1] =	stream.indirect.gather [spmem:s2], $0x50, s23, s17, $0xb8;
	[tilespmem:$0x1E300] =	vst v63  }
0x8e: {  	_ = 	snop  }
0x8f: {  	[tilespmem:s19], [sflag:$0x2] =	stream.indirect.gather [spmem:s2], $0x50, s24, s17, $0xb8;
	[tilespmem:$0x1E300] =	vst v63  }
0x90: {  	_ =	swait.ge [sflag:s20], $0x2800  }
0x91: {  	[sflag:s20] =	ssyncset.done $0x0  }
0x92: {  	[sflag:s20] =	ssyncadd.s32 $0xFFFFD800  }
0x93: {  	[spmem:s3] =	stream.indirect.scatter.add.bf16 [tilespmem:s18], [sflag:$0x3], $0x50, s25, s17, $0xb8;
	[tilespmem:$0x1E300] =	vst v63  }
0x94: {  	_ =	swait.ge [sflag:s14], $0x2800  }
0x95: {  	[sflag:s14] =	ssyncset.done $0x0  }
0x96: {  	[sflag:s14] =	ssyncadd.s32 $0xFFFFD800  }
0x97: {  	_ =	swait.ge [sflag:s21], $0x2800  }
0x98: {  	[sflag:s21] =	ssyncset.done $0x0  }
0x99: {  	[sflag:s21] =	ssyncadd.s32 $0xFFFFD800  }
0x9a: {  	[spmem:s3] =	stream.indirect.scatter.add.bf16 [tilespmem:s19], [sflag:$0x3], $0x50, s26, s17, $0xb8;
	[tilespmem:$0x1E300] =	vst v63  }
0x9b: {  	_ =	swait.ge [sflag:s14], $0x2800  }
0x9c: {  	[sflag:s14] =	ssyncset.done $0x0  }
0x9d: {  	[sflag:s14] =	ssyncadd.s32 $0xFFFFD800  }
0x9e: {  	[tilespmem:s18], [sflag:$0x1] =	stream.indirect.gather [spmem:s2], $0x50, s28, s17, $0xb8;
	[tilespmem:$0x1E300] =	vst v63  }
0x9f: {  	_ = 	snop  }
0xa0: {  	[tilespmem:s19], [sflag:$0x2] =	stream.indirect.gather [spmem:s2], $0x50, s29, s17, $0xb8;
	[tilespmem:$0x1E300] =	vst v63  }
0xa1: {  	_ =	swait.ge [sflag:s20], $0x2800  }
0xa2: {  	[sflag:s20] =	ssyncset.done $0x0  }
0xa3: {  	[sflag:s20] =	ssyncadd.s32 $0xFFFFD800  }
0xa4: {  	[spmem:s3] =	stream.indirect.scatter.add.bf16 [tilespmem:s18], [sflag:$0x3], $0x50, s30, s17, $0xb8;
	[tilespmem:$0x1E300] =	vst v63  }
0xa5: {  	_ =	swait.ge [sflag:s14], $0x2800  }
0xa6: {  	[sflag:s14] =	ssyncset.done $0x0  }
0xa7: {  	[sflag:s14] =	ssyncadd.s32 $0xFFFFD800  }
0xa8: {  	_ =	swait.ge [sflag:s21], $0x2800  }
0xa9: {  	[sflag:s21] =	ssyncset.done $0x0  }
0xaa: {  	[sflag:s21] =	ssyncadd.s32 $0xFFFFD800  }
0xab: {  	[spmem:s3] =	stream.indirect.scatter.add.bf16 [tilespmem:s19], [sflag:$0x3], $0x50, s31, s17, $0xb8;
	[tilespmem:$0x1E300] =	vst v63  }
0xac: {  	_ =	swait.ge [sflag:s14], $0x2800  }
0xad: {  	[sflag:s14] =	ssyncset.done $0x0  }
0xae: {  	[sflag:s14] =	ssyncadd.s32 $0xFFFFD800  }
0xaf: {  	[tilespmem:s18], [sflag:$0x1] =	stream.indirect.gather [spmem:s2], $0x50, s0, s17, $0xb8;
	[tilespmem:$0x1E300] =	vst v63  }
0xb0: {  	_ = 	snop  }
0xb1: {  	[tilespmem:s19], [sflag:$0x2] =	stream.indirect.gather [spmem:s2], $0x50, s1, s17, $0xb8;
	[tilespmem:$0x1E300] =	vst v63  }
0xb2: {  	_ =	swait.ge [sflag:s20], $0x2800  }
0xb3: {  	[sflag:s20] =	ssyncset.done $0x0  }
0xb4: {  	[sflag:s20] =	ssyncadd.s32 $0xFFFFD800  }
0xb5: {  	[spmem:s3] =	stream.indirect.scatter.add.bf16 [tilespmem:s18], [sflag:$0x3], $0x50, s5, s17, $0xb8;
	[tilespmem:$0x1E300] =	vst v63  }
0xb6: {  	_ =	swait.ge [sflag:s14], $0x2800  }
0xb7: {  	[sflag:s14] =	ssyncset.done $0x0  }
0xb8: {  	[sflag:s14] =	ssyncadd.s32 $0xFFFFD800  }
0xb9: {  	_ =	swait.ge [sflag:s21], $0x2800  }
.Ltmp0:
0xba: {  	[sflag:s21] =	ssyncset.done $0x0;
	(pc) =	sbr.rel @p0 .LBB2_2-.Ltmp0, $4  }
0xbb: {  	[sflag:s21] =	ssyncadd.s32 $0xFFFFD800  }
0xbc: {  	[spmem:s3] =	stream.indirect.scatter.add.bf16 [tilespmem:s19], [sflag:$0x3], $0x50, s7, s17, $0xb8;
	[tilespmem:$0x1E300] =	vst v63  }
0xbd: {  	_ =	swait.ge [sflag:s14], $0x2800  }
0xbe: {  	s10 =	smov.u32 s13;
	[sflag:s14] =	ssyncset.done $0x0  }
0xbf: {  	s6 =	sadd.s32 s9, s11;
	[sflag:s14] =	ssyncadd.s32 $0xFFFFD800  }
0xc0: {  	[tilespmem:s4], [sflag:$0x3] =	stream.linear.gather [hbm4b:s6+s4], $0x400, $0x38;
	[tilespmem:$0x1E300] =	vst v63  }
0xc1: {  	_ =	swait.ge [sflag:s14], $0x400  }
0xc2: {  	[sflag:s14] =	ssyncset.done $0x0  }
0xc3: {  	s9 =	sadd.s32 s9, s12;
	[sflag:s14] =	ssyncadd.s32 $0xFFFFFC00  }
0xc4: {  	[tilespmem:s16], [sflag:$0x3] =	stream.linear.gather [hbm4b:s9+s4], $0x400, $0x38;
	[tilespmem:$0x1E300] =	vst v63  }
0xc5: {  	_ =	swait.ge [sflag:s14], $0x400  }
0xc6: {  	[sflag:s14] =	ssyncset.done $0x0  }
0xc7: {  	[sflag:s14] =	ssyncadd.s32 $0xFFFFFC00  }
0xc8: {  	[tilespmem:s18], [sflag:$0x1] =	stream.indirect.gather [spmem:s2], $0x50, s4, s17, $0xb8;
	[tilespmem:$0x1E300] =	vst v63  }
0xc9: {  	_ = 	snop  }
0xca: {  	[tilespmem:s19], [sflag:$0x2] =	stream.indirect.gather [spmem:s2], $0x50, s17, s17, $0xb8;
	[tilespmem:$0x1E300] =	vst v63  }
0xcb: {  	_ =	swait.ge [sflag:s20], $0x2800  }
0xcc: {  	[sflag:s20] =	ssyncset.done $0x0  }
0xcd: {  	[sflag:s20] =	ssyncadd.s32 $0xFFFFD800  }
0xce: {  	[spmem:s3] =	stream.indirect.scatter.add.bf16 [tilespmem:s18], [sflag:$0x3], $0x50, s16, s17, $0xb8;
	[tilespmem:$0x1E300] =	vst v63  }
0xcf: {  	_ =	swait.ge [sflag:s14], $0x2800  }
0xd0: {  	[sflag:s14] =	ssyncset.done $0x0  }
0xd1: {  	[sflag:s14] =	ssyncadd.s32 $0xFFFFD800  }
0xd2: {  	_ =	swait.ge [sflag:s21], $0x2800  }
0xd3: {  	[sflag:s21] =	ssyncset.done $0x0  }
0xd4: {  	[sflag:s21] =	ssyncadd.s32 $0xFFFFD800  }
0xd5: {  	[spmem:s3] =	stream.indirect.scatter.add.bf16 [tilespmem:s19], [sflag:$0x3], $0x50, s22, s17, $0xb8;
	[tilespmem:$0x1E300] =	vst v63  }
0xd6: {  	_ =	swait.ge [sflag:s14], $0x2800  }
0xd7: {  	[sflag:s14] =	ssyncset.done $0x0  }
0xd8: {  	[sflag:s14] =	ssyncadd.s32 $0xFFFFD800  }
0xd9: {  	[tilespmem:s18], [sflag:$0x1] =	stream.indirect.gather [spmem:s2], $0x50, s23, s17, $0xb8;
	[tilespmem:$0x1E300] =	vst v63  }
0xda: {  	_ = 	snop  }
0xdb: {  	[tilespmem:s19], [sflag:$0x2] =	stream.indirect.gather [spmem:s2], $0x50, s24, s17, $0xb8;
	[tilespmem:$0x1E300] =	vst v63  }
0xdc: {  	_ =	swait.ge [sflag:s20], $0x2800  }
0xdd: {  	[sflag:s20] =	ssyncset.done $0x0  }
0xde: {  	[sflag:s20] =	ssyncadd.s32 $0xFFFFD800  }
0xdf: {  	[spmem:s3] =	stream.indirect.scatter.add.bf16 [tilespmem:s18], [sflag:$0x3], $0x50, s25, s17, $0xb8;
	[tilespmem:$0x1E300] =	vst v63  }
0xe0: {  	_ =	swait.ge [sflag:s14], $0x2800  }
0xe1: {  	[sflag:s14] =	ssyncset.done $0x0  }
0xe2: {  	[sflag:s14] =	ssyncadd.s32 $0xFFFFD800  }
0xe3: {  	_ =	swait.ge [sflag:s21], $0x2800  }
0xe4: {  	[sflag:s21] =	ssyncset.done $0x0  }
0xe5: {  	[sflag:s21] =	ssyncadd.s32 $0xFFFFD800  }
0xe6: {  	[spmem:s3] =	stream.indirect.scatter.add.bf16 [tilespmem:s19], [sflag:$0x3], $0x50, s26, s17, $0xb8;
	[tilespmem:$0x1E300] =	vst v63  }
0xe7: {  	_ =	swait.ge [sflag:s14], $0x2800  }
0xe8: {  	[sflag:s14] =	ssyncset.done $0x0  }
0xe9: {  	[sflag:s14] =	ssyncadd.s32 $0xFFFFD800  }
0xea: {  	[tilespmem:s18], [sflag:$0x1] =	stream.indirect.gather [spmem:s2], $0x50, s28, s17, $0xb8;
	[tilespmem:$0x1E300] =	vst v63  }
0xeb: {  	_ = 	snop  }
0xec: {  	[tilespmem:s19], [sflag:$0x2] =	stream.indirect.gather [spmem:s2], $0x50, s29, s17, $0xb8;
	[tilespmem:$0x1E300] =	vst v63  }
0xed: {  	_ =	swait.ge [sflag:s20], $0x2800  }
0xee: {  	[sflag:s20] =	ssyncset.done $0x0  }
0xef: {  	[sflag:s20] =	ssyncadd.s32 $0xFFFFD800  }
0xf0: {  	[spmem:s3] =	stream.indirect.scatter.add.bf16 [tilespmem:s18], [sflag:$0x3], $0x50, s30, s17, $0xb8;
	[tilespmem:$0x1E300] =	vst v63  }
0xf1: {  	_ =	swait.ge [sflag:s14], $0x2800  }
0xf2: {  	[sflag:s14] =	ssyncset.done $0x0  }
0xf3: {  	[sflag:s14] =	ssyncadd.s32 $0xFFFFD800  }
0xf4: {  	_ =	swait.ge [sflag:s21], $0x2800  }
0xf5: {  	[sflag:s21] =	ssyncset.done $0x0  }
0xf6: {  	[sflag:s21] =	ssyncadd.s32 $0xFFFFD800  }
0xf7: {  	[spmem:s3] =	stream.indirect.scatter.add.bf16 [tilespmem:s19], [sflag:$0x3], $0x50, s31, s17, $0xb8;
	[tilespmem:$0x1E300] =	vst v63  }
0xf8: {  	_ =	swait.ge [sflag:s14], $0x2800  }
0xf9: {  	[sflag:s14] =	ssyncset.done $0x0  }
0xfa: {  	[sflag:s14] =	ssyncadd.s32 $0xFFFFD800  }
0xfb: {  	[tilespmem:s18], [sflag:$0x1] =	stream.indirect.gather [spmem:s2], $0x50, s0, s17, $0xb8;
	[tilespmem:$0x1E300] =	vst v63  }
0xfc: {  	_ = 	snop  }
0xfd: {  	[tilespmem:s19], [sflag:$0x2] =	stream.indirect.gather [spmem:s2], $0x50, s1, s17, $0xb8;
	[tilespmem:$0x1E300] =	vst v63  }
0xfe: {  	_ =	swait.ge [sflag:s20], $0x2800  }
0xff: {  	[sflag:s20] =	ssyncset.done $0x0  }
0x100: {  	[sflag:s20] =	ssyncadd.s32 $0xFFFFD800  }
0x101: {  	[spmem:s3] =	stream.indirect.scatter.add.bf16 [tilespmem:s18], [sflag:$0x3], $0x50, s5, s17, $0xb8;
	[tilespmem:$0x1E300] =	vst v63  }
0x102: {  	_ =	swait.ge [sflag:s14], $0x2800  }
0x103: {  	[sflag:s14] =	ssyncset.done $0x0  }
0x104: {  	[sflag:s14] =	ssyncadd.s32 $0xFFFFD800  }
0x105: {  	_ =	swait.ge [sflag:s21], $0x2800  }
0x106: {  	[sflag:s21] =	ssyncset.done $0x0  }
0x107: {  	[sflag:s21] =	ssyncadd.s32 $0xFFFFD800  }
0x108: {  	[spmem:s3] =	stream.indirect.scatter.add.bf16 [tilespmem:s19], [sflag:$0x3], $0x50, s7, s17, $0xb8;
	[tilespmem:$0x1E300] =	vst v63  }
0x109: {  	_ =	swait.ge [sflag:s14], $0x2800  }
0x10a: {  	[sflag:s14] =	ssyncset.done $0x0  }
0x10b: {  	[sflag:s14] =	ssyncadd.s32 $0xFFFFD800  }
0x10c: {  	[bflag:$0x0] =	sbarrier.arrive $0xFFFF  }
0x10d: {  	s10 =	rddreg [dreg:$0x7]  }
0x10e: {  	[tilespmem:s4], [sflag:$0x3] =	stream.linear.gather [hbm4b:s10+s4], $0x80, $0x38;
	[tilespmem:$0x1E300] =	vst v63  }
0x10f: {  	_ =	swait.ge [sflag:s14], $0x80  }
0x110: {  	[sflag:s14] =	ssyncset.done $0x0  }
0x111: {  	[sflag:s14] =	ssyncadd.s32 $0xFFFFFF80  }
0x112: {  	[tilespmem:s18], [sflag:$0x1] =	stream.indirect.gather [spmem:s3], $0x50, s4, s17, $0xb8;
	[tilespmem:$0x1E300] =	vst v63  }
0x113: {  	_ =	swait.ge [sflag:s20], $0x2800  }
0x114: {  	[sflag:s20] =	ssyncset.done $0x0  }
0x115: {  	s13 =	rddreg [dreg:$0x8];
	[sflag:s20] =	ssyncadd.s32 $0xFFFFD800  }
0x116: {  	[hbm4b:s13+s4] =	stream.linear.scatter [tilespmem:s18], [sflag:$0x3], $0x2800, $0x38;
	[tilespmem:$0x1E300] =	vst v63  }
0x117: {  	_ =	swait.ge [sflag:s14], $0x2800  }
0x118: {  	s8 =	sadd.s32 $0x1, s8;
	s15 =	rddreg [dreg:$0x9]  }
0x119: {  	p0 =	sne.s32 s8, s15  }
.Ltmp1:
0x11a: {  	_ = 	snop;
	(pc) =	sbr.rel @p0 .LBB2_1-.Ltmp1, $3  }
0x11b: {  	_ =	sdelay $0x1  }
0x11c: {  	[sflag:s14] =	ssyncset.done $0x0  }
0x11d: {  	[sflag:s14] =	ssyncadd.s32 $0xFFFFD800  }
0x11e: {  	_ =	sfence.sel $0x180000  }
0x11f: {  	[bflag:$0x0] =	sbarrier.arrive $0xFFFF  }
0x120: {  	_ =	strace $0x9000004A  }
0x121: {  	s0 =	stileid.u32;
	[bflag:$0x2] =	sbarrier.arrive $0xFFFF  }
0x122: {  	p0 =	sne.s32 s0, $0x0;
	s0 =	rddreg [dreg:$0x3]  }
0x123: {  	s0 =	sadd.s32 @!p0 $0x100000, s0  }
0x124: {  	[sflag:s0] =	ssyncadd.tile.s32 @!p0 $0x1;
	_ =	shalt  }
.Lfunc_end2:
_tile_overlayer_lowered:
.L_overlay_start_2:
0x125: {  	(tag) =	ssettag $0x2  }
0x126: {  	s0 =	rddreg [dreg:$0x0];
	s2 =	stileid.u32  }
0x127: {  	s1 =	rddreg [dreg:$0x1];
	p0 =	sne.s32 s2, $0x0  }
0x128: {  	s3 =	rddreg [dreg:$0x2];
	[bflag:$0x3] =	sbarrier.arrive $0xFFFF;
	s2 =	simm.s32 @!p0 $0x1C03  }
0x129: {  	[timem:s3], [sflag:s2] =	dma.local @!p0 [hbm:s0], s1  }
0x12a: {  	s0 =	simm.s32 @!p0 $0x3  }
0x12b: {  	_ =	swait.ge @!p0 [sflag:s0], s1  }
0x12c: {  	s1 =	ssub.s32 @!p0 $0x0, s1;
	[sflag:s0] =	ssyncset.done @!p0 $0x0  }
0x12d: {  	[sflag:s0] =	ssyncadd.s32 @!p0 s1  }
0x12e: {  	[bflag:$0x3] =	sbarrier.arrive $0xFFFF  }
0x12f: {  	_ =	shalt  }

</sc_bundles>
